<compile_context>
chip_gen: v7x
topology: tpu7x:2x2x1
jax: 0.10.2.dev20260603
libtpu: 0.0.44.dev20260713+nightly
codegen_flags: <defaults>
</compile_context>

<pallas_src>
import functools

import jax
import jax.numpy as jnp
from jax import lax
from jax.experimental import pallas as pl
from jax.experimental.pallas import tpu as pltpu
from jax.experimental.pallas import tpu_sc as plsc

K_SEG = 1024
L = 16
CH = 3
RPS = 8


@functools.partial(jax.jit, static_argnums=(2, 3, 4, 5))
def _sup_pix_pool(img, spx, B, C, H, W):
    HW = H * W
    SLICE = RPS * W
    NC, NS = 2, 16
    NW = NC * NS
    G = NW // B
    CPG = C // G
    NSL = H // RPS
    VPR = W // L

    mesh = plsc.VectorSubcoreMesh(core_axis_name="c", subcore_axis_name="s")

    acc_types = [pltpu.VMEM((L * K_SEG,), jnp.float32) for _ in range(CH)]
    buf_types = [pltpu.VMEM((2 * CH, RPS, W), jnp.float32)]
    sem_types = [pltpu.SemaphoreType.DMA for _ in range(2 * CH)]

    @functools.partial(
        pl.kernel,
        out_type=jax.ShapeDtypeStruct((B, C, K_SEG), jnp.float32),
        mesh=mesh,
        scratch_types=[
            pltpu.VMEM((HW,), jnp.int32),
            *buf_types,
            *acc_types,
            pltpu.VMEM((K_SEG,), jnp.float32),
            pltpu.VMEM((K_SEG,), jnp.float32),
            *sem_types,
            pltpu.SemaphoreType.DMA,
            pltpu.SemaphoreType.DMA,
        ],
        compiler_params=pltpu.CompilerParams(needs_layout_passes=False),
    )
    def pool(img_hbm, spx_hbm, out_hbm, idx_ref, *rest):
        big_buf = rest[0]
        bufs_a = [big_buf.at[i] for i in range(CH)]
        bufs_b = [big_buf.at[CH + i] for i in range(CH)]
        accs = rest[1:1 + CH]
        row_refs = rest[1 + CH:3 + CH]
        sems_a = rest[3 + CH:3 + 2 * CH]
        sems_b = rest[3 + 2 * CH:3 + 3 * CH]
        sems_r = rest[3 + 3 * CH:5 + 3 * CH]
        wid = lax.axis_index("s") * NC + lax.axis_index("c")
        b = wid // G
        g = wid % G

        pltpu.sync_copy(spx_hbm.at[b], idx_ref)
        lane_off = lax.iota(jnp.int32, L) * K_SEG
        neg_inf = jnp.full((L,), -jnp.inf, dtype=jnp.float32)

        def mk_idx(v, carry):
            for u in range(4):
                sl = pl.ds(v * (4 * L) + u * L, L)
                idx_ref[sl] = idx_ref[sl] + lane_off
            return carry

        lax.fori_loop(0, HW // (4 * L), mk_idx, 0)

        def init(v, carry):
            sl = pl.ds(v * L, L)
            for acc in accs:
                acc[sl] = neg_inf
            return carry

        lax.fori_loop(0, K_SEG, init, 0)

        def fire(ch0, s, bufs, sems):
            for c in range(CH):
                pltpu.async_copy(
                    img_hbm.at[b, ch0 + c, pl.ds(s * RPS, RPS), :],
                    bufs[c], sems[c])

        def wait(ch0, bufs, sems):
            for c in range(CH):
                pltpu.make_async_copy(
                    img_hbm.at[b, ch0 + c, pl.ds(0, RPS), :],
                    bufs[c], sems[c]).wait()

        def scatter_slice(bufs, s):
            def row(r, carry):
                base = s * SLICE + r * W

                for q in range(VPR):
                    off = q * L
                    ivec = idx_ref[pl.ds(base + off, L)]
                    dvecs = [bufs[c][r, pl.ds(off, L)]
                             for c in range(CH)]
                    gvs = [plsc.load_gather(accs[c], [ivec])
                           for c in range(CH)]
                    for c in range(CH):
                        plsc.store_scatter(accs[c], [ivec],
                                           jnp.maximum(gvs[c], dvecs[c]))
                return carry

            lax.fori_loop(0, RPS, row, 0)

        def per_group(j, carry):
            ch0 = g * CPG + CH * j

            def pair(p, c):
                s0 = 2 * p
                wait(ch0, bufs_a, sems_a)
                fire(ch0, s0 + 1, bufs_b, sems_b)
                scatter_slice(bufs_a, s0)
                wait(ch0, bufs_b, sems_b)

                @pl.when(p < NSL // 2 - 1)
                def _():
                    fire(ch0, s0 + 2, bufs_a, sems_a)

                scatter_slice(bufs_b, s0 + 1)
                return c

            lax.fori_loop(0, NSL // 2, pair, 0)

            @pl.when(j < CPG // CH - 1)
            def _():
                fire(ch0 + CH, 0, bufs_a, sems_a)

            for c in range(CH):
                rb = c % 2
                row_ref = row_refs[rb]

                @pl.when((j > 0) | (c >= 2))
                def _(row_ref=row_ref, sem=sems_r[rb]):
                    pltpu.make_async_copy(
                        row_ref, out_hbm.at[b, ch0], sem).wait()

                def red(kv, cc, acc=accs[c], row_ref=row_ref):
                    vals = []
                    for r in range(L):
                        rsl = pl.ds(r * K_SEG + kv * L, L)
                        vals.append(acc[rsl])
                    for r in range(L):
                        rsl = pl.ds(r * K_SEG + kv * L, L)
                        acc[rsl] = neg_inf
                    while len(vals) > 1:
                        vals = [jnp.maximum(vals[i], vals[i + 1])
                                for i in range(0, len(vals) - 1, 2)] + \
                               ([vals[-1]] if len(vals) % 2 else [])
                    row_ref[pl.ds(kv * L, L)] = vals[0]
                    return cc

                lax.fori_loop(0, K_SEG // L, red, 0)
                pltpu.async_copy(row_ref, out_hbm.at[b, ch0 + c],
                                 sems_r[rb])
            return carry

        fire(g * CPG, 0, bufs_a, sems_a)
        lax.fori_loop(0, CPG // CH, per_group, 0)
        for rb in range(2):
            pltpu.make_async_copy(
                row_refs[rb], out_hbm.at[b, 0], sems_r[rb]).wait()

    return pool(img, spx)


def kernel(img, spx):
    B, C, H, W = img.shape
    spx2 = spx.reshape(B, H * W).astype(jnp.int32)
    return _sup_pix_pool(img, spx2, B, C, H, W)

# --- scband reference (transcript-rebuilt; emitter-appended) ---
"""Pipeline reference for scband-sup-pix-pool-5669356835625 (READ-ONLY COPY).

The authoritative reference and input builder live on the scoring server;
editing this copy changes nothing except your own understanding.
"""

import jax, jax.numpy as jnp
import numpy as np

K_SEGMENTS = 1024


def setup_inputs(seed: int = 0) -> dict:
    key = jax.random.key(seed)
    k1, k2 = jax.random.split(key)
    img = jax.random.normal(k1, (4, 192, 224, 224), dtype=jnp.float32)
    spx = jax.random.randint(k2, (4, 224, 224), 0, K_SEGMENTS, dtype=jnp.int64)
    return {"img": img, "spx": spx}


def reference(img, spx):
    # SupPixPool: superpixel max-pooling.
    # img: [B, C, H, W] float features; spx: [B, H, W] int superpixel labels.
    # For each batch element, max-reduce features over each superpixel region.
    # Output: [B, C, K]
    B, C, H, W = img.shape

    def per_batch(im, sp):
        data = im.reshape(C, H * W).T          # [HW, C]
        seg = sp.reshape(-1)                    # [HW]
        pooled = jax.ops.segment_max(data, seg, num_segments=K_SEGMENTS)  # [K, C]
        return pooled.T                         # [C, K]

    return jax.vmap(per_batch)(img, spx)

if __name__ == "__main__":
    import jax
    _d = setup_inputs()
    print(jax.jit(kernel)(*tuple(_d.values())))

</pallas_src>

<mosaic_0001>
#map = affine_map<(d0, d1) -> (0, 0, 0, 0)>
#map1 = affine_map<(d0, d1) -> (0, 0)>
#map2 = affine_map<(d0, d1) -> (0, 0, 0)>
module attributes {stable_mosaic.version = 14 : i64} {
  func.func @pool(%arg0: i32, %arg1: i32, %arg2: memref<4x192x224x224xf32, #tpu.memory_space<hbm>>, %arg3: memref<4x50176xi32, #tpu.memory_space<hbm>>, %arg4: memref<4x192x1024xf32, #tpu.memory_space<hbm>>, %arg5: memref<50176xi32, #tpu.memory_space<vmem>>, %arg6: memref<6x8x224xf32, #tpu.memory_space<vmem>>, %arg7: memref<16384xf32, #tpu.memory_space<vmem>>, %arg8: memref<16384xf32, #tpu.memory_space<vmem>>, %arg9: memref<16384xf32, #tpu.memory_space<vmem>>, %arg10: memref<1024xf32, #tpu.memory_space<vmem>>, %arg11: memref<1024xf32, #tpu.memory_space<vmem>>, %arg12: memref<!tpu.dma_semaphore, #tpu.memory_space<semaphore_mem>>, %arg13: memref<!tpu.dma_semaphore, #tpu.memory_space<semaphore_mem>>, %arg14: memref<!tpu.dma_semaphore, #tpu.memory_space<semaphore_mem>>, %arg15: memref<!tpu.dma_semaphore, #tpu.memory_space<semaphore_mem>>, %arg16: memref<!tpu.dma_semaphore, #tpu.memory_space<semaphore_mem>>, %arg17: memref<!tpu.dma_semaphore, #tpu.memory_space<semaphore_mem>>, %arg18: memref<!tpu.dma_semaphore, #tpu.memory_space<semaphore_mem>>, %arg19: memref<!tpu.dma_semaphore, #tpu.memory_space<semaphore_mem>>) attributes {dimension_semantics = [#tpu.dimension_semantics<core_parallel>, #tpu.dimension_semantics<subcore_parallel>], iteration_bounds = array<i64: 2, 16>, scalar_prefetch = 0 : i64, scratch_operands = 15 : i64, tpu.core_type = #tpu.core_type<sc_vector_subcore>, window_params = [{transform_indices = #map}, {transform_indices = #map1}, {transform_indices = #map2}]} {
    %mul3A = arith.constant 2 : i32
    %mul3A_0 = arith.muli %arg1, %mul3A : i32
    %add3A = arith.addi %mul3A_0, %arg0 : i32
    %jit3A = arith.constant 8 : i32
    %div3A = arith.divsi %add3A, %jit3A : i32
    %sign3A = arith.constant 0 : i32
    %sign3A_1 = arith.cmpi sgt, %add3A, %sign3A : i32
    %sign3A_2 = arith.extui %sign3A_1 : i1 to i32
    %sign3A_3 = arith.constant 0 : i32
    %sign3A_4 = arith.cmpi slt, %add3A, %sign3A_3 : i32
    %sign3A_5 = arith.extui %sign3A_4 : i1 to i32
    %sign3A_6 = arith.subi %sign3A_2, %sign3A_5 : i32
    %sign3A_7 = arith.constant 0 : i32
    %sign3A_8 = arith.cmpi sgt, %jit3A, %sign3A_7 : i32
    %sign3A_9 = arith.extui %sign3A_8 : i1 to i32
    %sign3A_10 = arith.constant 0 : i32
    %sign3A_11 = arith.cmpi slt, %jit3A, %sign3A_10 : i32
    %sign3A_12 = arith.extui %sign3A_11 : i1 to i32
    %sign3A_13 = arith.subi %sign3A_9, %sign3A_12 : i32
    %ne3A = arith.cmpi ne, %sign3A_6, %sign3A_13 : i32
    %rem3A = arith.remsi %add3A, %jit3A : i32
    %ne3A_14 = arith.constant 0 : i32
    %ne3A_15 = arith.cmpi ne, %rem3A, %ne3A_14 : i32
    %and3A = arith.andi %ne3A, %ne3A_15 : i1
    %sub3A = arith.constant 1 : i32
    %sub3A_16 = arith.subi %div3A, %sub3A : i32
    %select_n3A = arith.select %and3A, %sub3A_16, %div3A : i32
    %jit3A_17 = arith.constant 8 : i32
    %eq3A = arith.constant 0 : i32
    %eq3A_18 = arith.cmpi eq, %jit3A_17, %eq3A : i32
    %jit3A_19 = arith.constant 1 : i32
    %select_n3A_20 = arith.select %eq3A_18, %jit3A_19, %jit3A_17 : i32
    %rem3A_21 = arith.remsi %add3A, %select_n3A_20 : i32
    %ne3A_22 = arith.constant 0 : i32
    %ne3A_23 = arith.cmpi ne, %rem3A_21, %ne3A_22 : i32
    %lt3A = arith.constant 0 : i32
    %lt3A_24 = arith.cmpi slt, %rem3A_21, %lt3A : i32
    %lt3A_25 = arith.constant 0 : i32
    %lt3A_26 = arith.cmpi slt, %select_n3A_20, %lt3A_25 : i32
    %ne3A_27 = arith.xori %lt3A_24, %lt3A_26 : i1
    %and3A_28 = arith.andi %ne3A_27, %ne3A_23 : i1
    %add3A_29 = arith.addi %rem3A_21, %select_n3A_20 : i32
    %select_n3A_30 = arith.select %and3A_28, %add3A_29, %rem3A_21 : i32
    "tpu.region"() ({
      %run_scoped3A = tpu.sem_alloc : memref<!tpu.dma_semaphore, #tpu.memory_space<semaphore_mem>>
      %dma_start3A_129 = arith.constant 0 : i32
      %dma_start3A_130 = tpu.memref_slice %arg3[%select_n3A, %dma_start3A_129] : memref<4x50176xi32, #tpu.memory_space<hbm>> -> memref<1x50176xi32, #tpu.memory_space<hbm>>
      %dma_start3A_131 = tpu.memref_squeeze %dma_start3A_130 : memref<1x50176xi32, #tpu.memory_space<hbm>> -> memref<50176xi32, #tpu.memory_space<hbm>>
      %dma_start3A_132 = arith.constant 0 : i32
      %dma_start3A_133 = tpu.memref_slice %arg3[%select_n3A, %dma_start3A_132] : memref<4x50176xi32, #tpu.memory_space<hbm>> -> memref<1x50176xi32, #tpu.memory_space<hbm>>
      %dma_start3A_134 = tpu.memref_squeeze %dma_start3A_133 : memref<1x50176xi32, #tpu.memory_space<hbm>> -> memref<50176xi32, #tpu.memory_space<hbm>>
      tpu.enqueue_dma source(%dma_start3A_134 : memref<50176xi32, #tpu.memory_space<hbm>>) target(%arg5 : memref<50176xi32, #tpu.memory_space<vmem>>) target_semaphore(%run_scoped3A : memref<!tpu.dma_semaphore, #tpu.memory_space<semaphore_mem>>)
      %dma_wait3A_135 = arith.constant 0 : i32
      %dma_wait3A_136 = tpu.memref_slice %arg3[%select_n3A, %dma_wait3A_135] : memref<4x50176xi32, #tpu.memory_space<hbm>> -> memref<1x50176xi32, #tpu.memory_space<hbm>>
      %dma_wait3A_137 = tpu.memref_squeeze %dma_wait3A_136 : memref<1x50176xi32, #tpu.memory_space<hbm>> -> memref<50176xi32, #tpu.memory_space<hbm>>
      %dma_wait3A_138 = arith.constant 0 : i32
      %dma_wait3A_139 = tpu.memref_slice %arg3[%select_n3A, %dma_wait3A_138] : memref<4x50176xi32, #tpu.memory_space<hbm>> -> memref<1x50176xi32, #tpu.memory_space<hbm>>
      %dma_wait3A_140 = tpu.memref_squeeze %dma_wait3A_139 : memref<1x50176xi32, #tpu.memory_space<hbm>> -> memref<50176xi32, #tpu.memory_space<hbm>>
      tpu.wait_dma2 semaphore(%run_scoped3A : memref<!tpu.dma_semaphore, #tpu.memory_space<semaphore_mem>>) src(%dma_wait3A_140 : memref<50176xi32, #tpu.memory_space<hbm>>) dst(%arg5 : memref<50176xi32, #tpu.memory_space<vmem>>)
      tpu.yield
    }) : () -> ()
    %iota3A = tpu.iota {dimensions = array<i32: 0>} : vector<16xi32>
    %mul3A_31 = arith.constant 1024 : i32
    %mul3A_32 = vector.broadcast %mul3A_31 : i32 to vector<16xi32>
    %mul3A_33 = arith.muli %iota3A, %mul3A_32 : vector<16xi32>
    %broadcast_in_dim3A = arith.constant 0xFF800000 : f32
    %broadcast_in_dim3A_34 = vector.broadcast %broadcast_in_dim3A : f32 to vector<16xf32>
    %scan3A = arith.constant 0 : i32
    %scan3A_35 = arith.constant 0 : i32
    %scan3A_36 = arith.constant 784 : i32
    %scan3A_37 = arith.addi %scan3A_35, %scan3A_36 : i32
    %scan3A_38 = arith.constant 1 : i32
    scf.for %scan3A_129 = %scan3A_35 to %scan3A_37 step %scan3A_38  : i32 {
      %mul3A_130 = arith.constant 64 : i32
      %mul3A_131 = arith.muli %scan3A_129, %mul3A_130 : i32
      %add3A_132 = arith.constant 0 : i32
      %add3A_133 = arith.addi %mul3A_131, %add3A_132 : i32
      %get3A = arith.index_cast %add3A_133 : i32 to index
      %get3A_134 = tpu.vector_load %arg5[%get3A] {strides = array<i32>} : memref<50176xi32, #tpu.memory_space<vmem>>, vector<16xi32>,
      %add3A_135 = arith.addi %get3A_134, %mul3A_33 : vector<16xi32>
      %swap3A = arith.index_cast %add3A_133 : i32 to index
      %swap3A_136 = tpu.vector_load %arg5[%swap3A] {strides = array<i32>} : memref<50176xi32, #tpu.memory_space<vmem>>, vector<16xi32>,
      tpu.vector_store %arg5[%swap3A], %add3A_135 {strides = array<i32>} : memref<50176xi32, #tpu.memory_space<vmem>>, vector<16xi32>,
      %mul3A_137 = arith.constant 64 : i32
      %mul3A_138 = arith.muli %scan3A_129, %mul3A_137 : i32
      %add3A_139 = arith.constant 16 : i32
      %add3A_140 = arith.addi %mul3A_138, %add3A_139 : i32
      %get3A_141 = arith.index_cast %add3A_140 : i32 to index
      %get3A_142 = tpu.vector_load %arg5[%get3A_141] {strides = array<i32>} : memref<50176xi32, #tpu.memory_space<vmem>>, vector<16xi32>,
      %add3A_143 = arith.addi %get3A_142, %mul3A_33 : vector<16xi32>
      %swap3A_144 = arith.index_cast %add3A_140 : i32 to index
      %swap3A_145 = tpu.vector_load %arg5[%swap3A_144] {strides = array<i32>} : memref<50176xi32, #tpu.memory_space<vmem>>, vector<16xi32>,
      tpu.vector_store %arg5[%swap3A_144], %add3A_143 {strides = array<i32>} : memref<50176xi32, #tpu.memory_space<vmem>>, vector<16xi32>,
      %mul3A_146 = arith.constant 64 : i32
      %mul3A_147 = arith.muli %scan3A_129, %mul3A_146 : i32
      %add3A_148 = arith.constant 32 : i32
      %add3A_149 = arith.addi %mul3A_147, %add3A_148 : i32
      %get3A_150 = arith.index_cast %add3A_149 : i32 to index
      %get3A_151 = tpu.vector_load %arg5[%get3A_150] {strides = array<i32>} : memref<50176xi32, #tpu.memory_space<vmem>>, vector<16xi32>,
      %add3A_152 = arith.addi %get3A_151, %mul3A_33 : vector<16xi32>
      %swap3A_153 = arith.index_cast %add3A_149 : i32 to index
      %swap3A_154 = tpu.vector_load %arg5[%swap3A_153] {strides = array<i32>} : memref<50176xi32, #tpu.memory_space<vmem>>, vector<16xi32>,
      tpu.vector_store %arg5[%swap3A_153], %add3A_152 {strides = array<i32>} : memref<50176xi32, #tpu.memory_space<vmem>>, vector<16xi32>,
      %mul3A_155 = arith.constant 64 : i32
      %mul3A_156 = arith.muli %scan3A_129, %mul3A_155 : i32
      %add3A_157 = arith.constant 48 : i32
      %add3A_158 = arith.addi %mul3A_156, %add3A_157 : i32
      %get3A_159 = arith.index_cast %add3A_158 : i32 to index
      %get3A_160 = tpu.vector_load %arg5[%get3A_159] {strides = array<i32>} : memref<50176xi32, #tpu.memory_space<vmem>>, vector<16xi32>,
      %add3A_161 = arith.addi %get3A_160, %mul3A_33 : vector<16xi32>
      %swap3A_162 = arith.index_cast %add3A_158 : i32 to index
      %swap3A_163 = tpu.vector_load %arg5[%swap3A_162] {strides = array<i32>} : memref<50176xi32, #tpu.memory_space<vmem>>, vector<16xi32>,
      tpu.vector_store %arg5[%swap3A_162], %add3A_161 {strides = array<i32>} : memref<50176xi32, #tpu.memory_space<vmem>>, vector<16xi32>,
    }
    %scan3A_39 = arith.constant 784 : i32
    %scan3A_40 = arith.constant 0 : i32
    %scan3A_41 = arith.constant 0 : i32
    %scan3A_42 = arith.constant 1024 : i32
    %scan3A_43 = arith.addi %scan3A_41, %scan3A_42 : i32
    %scan3A_44 = arith.constant 1 : i32
    scf.for %scan3A_129 = %scan3A_41 to %scan3A_43 step %scan3A_44  : i32 {
      %mul3A_130 = arith.constant 16 : i32
      %mul3A_131 = arith.muli %scan3A_129, %mul3A_130 : i32
      %swap3A = arith.index_cast %mul3A_131 : i32 to index
      %swap3A_132 = tpu.vector_load %arg7[%swap3A] {strides = array<i32>} : memref<16384xf32, #tpu.memory_space<vmem>>, vector<16xf32>,
      tpu.vector_store %arg7[%swap3A], %broadcast_in_dim3A_34 {strides = array<i32>} : memref<16384xf32, #tpu.memory_space<vmem>>, vector<16xf32>,
      %swap3A_133 = arith.index_cast %mul3A_131 : i32 to index
      %swap3A_134 = tpu.vector_load %arg8[%swap3A_133] {strides = array<i32>} : memref<16384xf32, #tpu.memory_space<vmem>>, vector<16xf32>,
      tpu.vector_store %arg8[%swap3A_133], %broadcast_in_dim3A_34 {strides = array<i32>} : memref<16384xf32, #tpu.memory_space<vmem>>, vector<16xf32>,
      %swap3A_135 = arith.index_cast %mul3A_131 : i32 to index
      %swap3A_136 = tpu.vector_load %arg9[%swap3A_135] {strides = array<i32>} : memref<16384xf32, #tpu.memory_space<vmem>>, vector<16xf32>,
      tpu.vector_store %arg9[%swap3A_135], %broadcast_in_dim3A_34 {strides = array<i32>} : memref<16384xf32, #tpu.memory_space<vmem>>, vector<16xf32>,
    }
    %scan3A_45 = arith.constant 1024 : i32
    %mul3A_46 = arith.constant 24 : i32
    %mul3A_47 = arith.muli %select_n3A_30, %mul3A_46 : i32
    %add3A_48 = arith.constant 0 : i32
    %add3A_49 = arith.addi %mul3A_47, %add3A_48 : i32
    %dma_start3A = arith.constant 0 : i32
    %dma_start3A_50 = arith.constant 0 : i32
    %dma_start3A_51 = arith.constant 0 : i32
    %dma_start3A_52 = tpu.memref_slice %arg6[%dma_start3A, %dma_start3A_50, %dma_start3A_51] : memref<6x8x224xf32, #tpu.memory_space<vmem>> -> memref<1x8x224xf32, #tpu.memory_space<vmem>>
    %dma_start3A_53 = tpu.memref_squeeze %dma_start3A_52 : memref<1x8x224xf32, #tpu.memory_space<vmem>> -> memref<8x224xf32, #tpu.memory_space<vmem>>
    %dma_start3A_54 = arith.constant 0 : i32
    %dma_start3A_55 = arith.constant 0 : i32
    %dma_start3A_56 = tpu.memref_slice %arg2[%select_n3A, %add3A_49, %dma_start3A_54, %dma_start3A_55] : memref<4x192x224x224xf32, #tpu.memory_space<hbm>> -> memref<1x1x8x224xf32, #tpu.memory_space<hbm>>
    %dma_start3A_57 = tpu.memref_squeeze %dma_start3A_56 : memref<1x1x8x224xf32, #tpu.memory_space<hbm>> -> memref<8x224xf32, #tpu.memory_space<hbm>>
    %dma_start3A_58 = arith.constant 0 : i32
    %dma_start3A_59 = arith.constant 0 : i32
    %dma_start3A_60 = tpu.memref_slice %arg6[%dma_start3A, %dma_start3A_58, %dma_start3A_59] : memref<6x8x224xf32, #tpu.memory_space<vmem>> -> memref<1x8x224xf32, #tpu.memory_space<vmem>>
    %dma_start3A_61 = tpu.memref_squeeze %dma_start3A_60 : memref<1x8x224xf32, #tpu.memory_space<vmem>> -> memref<8x224xf32, #tpu.memory_space<vmem>>
    %dma_start3A_62 = arith.constant 0 : i32
    %dma_start3A_63 = arith.constant 0 : i32
    %dma_start3A_64 = tpu.memref_slice %arg2[%select_n3A, %add3A_49, %dma_start3A_62, %dma_start3A_63] : memref<4x192x224x224xf32, #tpu.memory_space<hbm>> -> memref<1x1x8x224xf32, #tpu.memory_space<hbm>>
    %dma_start3A_65 = tpu.memref_squeeze %dma_start3A_64 : memref<1x1x8x224xf32, #tpu.memory_space<hbm>> -> memref<8x224xf32, #tpu.memory_space<hbm>>
    tpu.enqueue_dma source(%dma_start3A_65 : memref<8x224xf32, #tpu.memory_space<hbm>>) target(%dma_start3A_61 : memref<8x224xf32, #tpu.memory_space<vmem>>) target_semaphore(%arg12 : memref<!tpu.dma_semaphore, #tpu.memory_space<semaphore_mem>>)
    %add3A_66 = arith.constant 1 : i32
    %add3A_67 = arith.addi %mul3A_47, %add3A_66 : i32
    %dma_start3A_68 = arith.constant 1 : i32
    %dma_start3A_69 = arith.constant 0 : i32
    %dma_start3A_70 = arith.constant 0 : i32
    %dma_start3A_71 = tpu.memref_slice %arg6[%dma_start3A_68, %dma_start3A_69, %dma_start3A_70] : memref<6x8x224xf32, #tpu.memory_space<vmem>> -> memref<1x8x224xf32, #tpu.memory_space<vmem>>
    %dma_start3A_72 = tpu.memref_squeeze %dma_start3A_71 : memref<1x8x224xf32, #tpu.memory_space<vmem>> -> memref<8x224xf32, #tpu.memory_space<vmem>>
    %dma_start3A_73 = arith.constant 0 : i32
    %dma_start3A_74 = arith.constant 0 : i32
    %dma_start3A_75 = tpu.memref_slice %arg2[%select_n3A, %add3A_67, %dma_start3A_73, %dma_start3A_74] : memref<4x192x224x224xf32, #tpu.memory_space<hbm>> -> memref<1x1x8x224xf32, #tpu.memory_space<hbm>>
    %dma_start3A_76 = tpu.memref_squeeze %dma_start3A_75 : memref<1x1x8x224xf32, #tpu.memory_space<hbm>> -> memref<8x224xf32, #tpu.memory_space<hbm>>
    %dma_start3A_77 = arith.constant 0 : i32
    %dma_start3A_78 = arith.constant 0 : i32
    %dma_start3A_79 = tpu.memref_slice %arg6[%dma_start3A_68, %dma_start3A_77, %dma_start3A_78] : memref<6x8x224xf32, #tpu.memory_space<vmem>> -> memref<1x8x224xf32, #tpu.memory_space<vmem>>
    %dma_start3A_80 = tpu.memref_squeeze %dma_start3A_79 : memref<1x8x224xf32, #tpu.memory_space<vmem>> -> memref<8x224xf32, #tpu.memory_space<vmem>>
    %dma_start3A_81 = arith.constant 0 : i32
    %dma_start3A_82 = arith.constant 0 : i32
    %dma_start3A_83 = tpu.memref_slice %arg2[%select_n3A, %add3A_67, %dma_start3A_81, %dma_start3A_82] : memref<4x192x224x224xf32, #tpu.memory_space<hbm>> -> memref<1x1x8x224xf32, #tpu.memory_space<hbm>>
    %dma_start3A_84 = tpu.memref_squeeze %dma_start3A_83 : memref<1x1x8x224xf32, #tpu.memory_space<hbm>> -> memref<8x224xf32, #tpu.memory_space<hbm>>
    tpu.enqueue_dma source(%dma_start3A_84 : memref<8x224xf32, #tpu.memory_space<hbm>>) target(%dma_start3A_80 : memref<8x224xf32, #tpu.memory_space<vmem>>) target_semaphore(%arg13 : memref<!tpu.dma_semaphore, #tpu.memory_space<semaphore_mem>>)
    %add3A_85 = arith.constant 2 : i32
    %add3A_86 = arith.addi %mul3A_47, %add3A_85 : i32
    %dma_start3A_87 = arith.constant 2 : i32
    %dma_start3A_88 = arith.constant 0 : i32
    %dma_start3A_89 = arith.constant 0 : i32
    %dma_start3A_90 = tpu.memref_slice %arg6[%dma_start3A_87, %dma_start3A_88, %dma_start3A_89] : memref<6x8x224xf32, #tpu.memory_space<vmem>> -> memref<1x8x224xf32, #tpu.memory_space<vmem>>
    %dma_start3A_91 = tpu.memref_squeeze %dma_start3A_90 : memref<1x8x224xf32, #tpu.memory_space<vmem>> -> memref<8x224xf32, #tpu.memory_space<vmem>>
    %dma_start3A_92 = arith.constant 0 : i32
    %dma_start3A_93 = arith.constant 0 : i32
    %dma_start3A_94 = tpu.memref_slice %arg2[%select_n3A, %add3A_86, %dma_start3A_92, %dma_start3A_93] : memref<4x192x224x224xf32, #tpu.memory_space<hbm>> -> memref<1x1x8x224xf32, #tpu.memory_space<hbm>>
    %dma_start3A_95 = tpu.memref_squeeze %dma_start3A_94 : memref<1x1x8x224xf32, #tpu.memory_space<hbm>> -> memref<8x224xf32, #tpu.memory_space<hbm>>
    %dma_start3A_96 = arith.constant 0 : i32
    %dma_start3A_97 = arith.constant 0 : i32
    %dma_start3A_98 = tpu.memref_slice %arg6[%dma_start3A_87, %dma_start3A_96, %dma_start3A_97] : memref<6x8x224xf32, #tpu.memory_space<vmem>> -> memref<1x8x224xf32, #tpu.memory_space<vmem>>
    %dma_start3A_99 = tpu.memref_squeeze %dma_start3A_98 : memref<1x8x224xf32, #tpu.memory_space<vmem>> -> memref<8x224xf32, #tpu.memory_space<vmem>>
    %dma_start3A_100 = arith.constant 0 : i32
    %dma_start3A_101 = arith.constant 0 : i32
    %dma_start3A_102 = tpu.memref_slice %arg2[%select_n3A, %add3A_86, %dma_start3A_100, %dma_start3A_101] : memref<4x192x224x224xf32, #tpu.memory_space<hbm>> -> memref<1x1x8x224xf32, #tpu.memory_space<hbm>>
    %dma_start3A_103 = tpu.memref_squeeze %dma_start3A_102 : memref<1x1x8x224xf32, #tpu.memory_space<hbm>> -> memref<8x224xf32, #tpu.memory_space<hbm>>
    tpu.enqueue_dma source(%dma_start3A_103 : memref<8x224xf32, #tpu.memory_space<hbm>>) target(%dma_start3A_99 : memref<8x224xf32, #tpu.memory_space<vmem>>) target_semaphore(%arg14 : memref<!tpu.dma_semaphore, #tpu.memory_space<semaphore_mem>>)
    %scan3A_104 = arith.constant 0 : i32
    %scan3A_105 = arith.constant 0 : i32
    %scan3A_106 = arith.constant 1 : i32
    %scan3A_107 = arith.constant 2 : i32
    %scan3A_108 = arith.constant 3 : i32
    %scan3A_109 = arith.constant 4 : i32
    %scan3A_110 = arith.constant 5 : i32
    %scan3A_111 = arith.constant 0 : i32
    %scan3A_112 = arith.constant 8 : i32
    %scan3A_113 = arith.addi %scan3A_111, %scan3A_112 : i32
    %scan3A_114 = arith.constant 1 : i32
    scf.for %scan3A_129 = %scan3A_111 to %scan3A_113 step %scan3A_114  : i32 {
      %mul3A_130 = arith.constant 24 : i32
      %mul3A_131 = arith.muli %select_n3A_30, %mul3A_130 : i32
      %mul3A_132 = arith.constant 3 : i32
      %mul3A_133 = arith.muli %mul3A_132, %scan3A_129 : i32
      %add3A_134 = arith.addi %mul3A_131, %mul3A_133 : i32
      %scan3A_135 = arith.constant 0 : i32
      %scan3A_136 = arith.constant 0 : i32
      %scan3A_137 = arith.constant 14 : i32
      %scan3A_138 = arith.addi %scan3A_136, %scan3A_137 : i32
      %scan3A_139 = arith.constant 1 : i32
      scf.for %scan3A_205 = %scan3A_136 to %scan3A_138 step %scan3A_139  : i32 {
        %mul3A_206 = arith.constant 2 : i32
        %mul3A_207 = arith.muli %mul3A_206, %scan3A_205 : i32
        %add3A_208 = arith.constant 0 : i32
        %add3A_209 = arith.addi %add3A_134, %add3A_208 : i32
        %dma_wait3A_210 = arith.constant 0 : i32
        %dma_wait3A_211 = arith.constant 0 : i32
        %dma_wait3A_212 = tpu.memref_slice %arg6[%scan3A_105, %dma_wait3A_210, %dma_wait3A_211] : memref<6x8x224xf32, #tpu.memory_space<vmem>> -> memref<1x8x224xf32, #tpu.memory_space<vmem>>
        %dma_wait3A_213 = tpu.memref_squeeze %dma_wait3A_212 : memref<1x8x224xf32, #tpu.memory_space<vmem>> -> memref<8x224xf32, #tpu.memory_space<vmem>>
        %dma_wait3A_214 = arith.constant 0 : i32
        %dma_wait3A_215 = arith.constant 0 : i32
        %dma_wait3A_216 = tpu.memref_slice %arg2[%select_n3A, %add3A_209, %dma_wait3A_214, %dma_wait3A_215] : memref<4x192x224x224xf32, #tpu.memory_space<hbm>> -> memref<1x1x8x224xf32, #tpu.memory_space<hbm>>
        %dma_wait3A_217 = tpu.memref_squeeze %dma_wait3A_216 : memref<1x1x8x224xf32, #tpu.memory_space<hbm>> -> memref<8x224xf32, #tpu.memory_space<hbm>>
        %dma_wait3A_218 = arith.constant 0 : i32
        %dma_wait3A_219 = arith.constant 0 : i32
        %dma_wait3A_220 = tpu.memref_slice %arg6[%scan3A_105, %dma_wait3A_218, %dma_wait3A_219] : memref<6x8x224xf32, #tpu.memory_space<vmem>> -> memref<1x8x224xf32, #tpu.memory_space<vmem>>
        %dma_wait3A_221 = tpu.memref_squeeze %dma_wait3A_220 : memref<1x8x224xf32, #tpu.memory_space<vmem>> -> memref<8x224xf32, #tpu.memory_space<vmem>>
        %dma_wait3A_222 = arith.constant 0 : i32
        %dma_wait3A_223 = arith.constant 0 : i32
        %dma_wait3A_224 = tpu.memref_slice %arg2[%select_n3A, %add3A_209, %dma_wait3A_222, %dma_wait3A_223] : memref<4x192x224x224xf32, #tpu.memory_space<hbm>> -> memref<1x1x8x224xf32, #tpu.memory_space<hbm>>
        %dma_wait3A_225 = tpu.memref_squeeze %dma_wait3A_224 : memref<1x1x8x224xf32, #tpu.memory_space<hbm>> -> memref<8x224xf32, #tpu.memory_space<hbm>>
        tpu.wait_dma2 semaphore(%arg12 : memref<!tpu.dma_semaphore, #tpu.memory_space<semaphore_mem>>) src(%dma_wait3A_225 : memref<8x224xf32, #tpu.memory_space<hbm>>) dst(%dma_wait3A_221 : memref<8x224xf32, #tpu.memory_space<vmem>>)
        %add3A_226 = arith.constant 1 : i32
        %add3A_227 = arith.addi %add3A_134, %add3A_226 : i32
        %dma_wait3A_228 = arith.constant 0 : i32
        %dma_wait3A_229 = arith.constant 0 : i32
        %dma_wait3A_230 = tpu.memref_slice %arg6[%scan3A_106, %dma_wait3A_228, %dma_wait3A_229] : memref<6x8x224xf32, #tpu.memory_space<vmem>> -> memref<1x8x224xf32, #tpu.memory_space<vmem>>
        %dma_wait3A_231 = tpu.memref_squeeze %dma_wait3A_230 : memref<1x8x224xf32, #tpu.memory_space<vmem>> -> memref<8x224xf32, #tpu.memory_space<vmem>>
        %dma_wait3A_232 = arith.constant 0 : i32
        %dma_wait3A_233 = arith.constant 0 : i32
        %dma_wait3A_234 = tpu.memref_slice %arg2[%select_n3A, %add3A_227, %dma_wait3A_232, %dma_wait3A_233] : memref<4x192x224x224xf32, #tpu.memory_space<hbm>> -> memref<1x1x8x224xf32, #tpu.memory_space<hbm>>
        %dma_wait3A_235 = tpu.memref_squeeze %dma_wait3A_234 : memref<1x1x8x224xf32, #tpu.memory_space<hbm>> -> memref<8x224xf32, #tpu.memory_space<hbm>>
        %dma_wait3A_236 = arith.constant 0 : i32
        %dma_wait3A_237 = arith.constant 0 : i32
        %dma_wait3A_238 = tpu.memref_slice %arg6[%scan3A_106, %dma_wait3A_236, %dma_wait3A_237] : memref<6x8x224xf32, #tpu.memory_space<vmem>> -> memref<1x8x224xf32, #tpu.memory_space<vmem>>
        %dma_wait3A_239 = tpu.memref_squeeze %dma_wait3A_238 : memref<1x8x224xf32, #tpu.memory_space<vmem>> -> memref<8x224xf32, #tpu.memory_space<vmem>>
        %dma_wait3A_240 = arith.constant 0 : i32
        %dma_wait3A_241 = arith.constant 0 : i32
        %dma_wait3A_242 = tpu.memref_slice %arg2[%select_n3A, %add3A_227, %dma_wait3A_240, %dma_wait3A_241] : memref<4x192x224x224xf32, #tpu.memory_space<hbm>> -> memref<1x1x8x224xf32, #tpu.memory_space<hbm>>
        %dma_wait3A_243 = tpu.memref_squeeze %dma_wait3A_242 : memref<1x1x8x224xf32, #tpu.memory_space<hbm>> -> memref<8x224xf32, #tpu.memory_space<hbm>>
        tpu.wait_dma2 semaphore(%arg13 : memref<!tpu.dma_semaphore, #tpu.memory_space<semaphore_mem>>) src(%dma_wait3A_243 : memref<8x224xf32, #tpu.memory_space<hbm>>) dst(%dma_wait3A_239 : memref<8x224xf32, #tpu.memory_space<vmem>>)
        %add3A_244 = arith.constant 2 : i32
        %add3A_245 = arith.addi %add3A_134, %add3A_244 : i32
        %dma_wait3A_246 = arith.constant 0 : i32
        %dma_wait3A_247 = arith.constant 0 : i32
        %dma_wait3A_248 = tpu.memref_slice %arg6[%scan3A_107, %dma_wait3A_246, %dma_wait3A_247] : memref<6x8x224xf32, #tpu.memory_space<vmem>> -> memref<1x8x224xf32, #tpu.memory_space<vmem>>
        %dma_wait3A_249 = tpu.memref_squeeze %dma_wait3A_248 : memref<1x8x224xf32, #tpu.memory_space<vmem>> -> memref<8x224xf32, #tpu.memory_space<vmem>>
        %dma_wait3A_250 = arith.constant 0 : i32
        %dma_wait3A_251 = arith.constant 0 : i32
        %dma_wait3A_252 = tpu.memref_slice %arg2[%select_n3A, %add3A_245, %dma_wait3A_250, %dma_wait3A_251] : memref<4x192x224x224xf32, #tpu.memory_space<hbm>> -> memref<1x1x8x224xf32, #tpu.memory_space<hbm>>
        %dma_wait3A_253 = tpu.memref_squeeze %dma_wait3A_252 : memref<1x1x8x224xf32, #tpu.memory_space<hbm>> -> memref<8x224xf32, #tpu.memory_space<hbm>>
        %dma_wait3A_254 = arith.constant 0 : i32
        %dma_wait3A_255 = arith.constant 0 : i32
        %dma_wait3A_256 = tpu.memref_slice %arg6[%scan3A_107, %dma_wait3A_254, %dma_wait3A_255] : memref<6x8x224xf32, #tpu.memory_space<vmem>> -> memref<1x8x224xf32, #tpu.memory_space<vmem>>
        %dma_wait3A_257 = tpu.memref_squeeze %dma_wait3A_256 : memref<1x8x224xf32, #tpu.memory_space<vmem>> -> memref<8x224xf32, #tpu.memory_space<vmem>>
        %dma_wait3A_258 = arith.constant 0 : i32
        %dma_wait3A_259 = arith.constant 0 : i32
        %dma_wait3A_260 = tpu.memref_slice %arg2[%select_n3A, %add3A_245, %dma_wait3A_258, %dma_wait3A_259] : memref<4x192x224x224xf32, #tpu.memory_space<hbm>> -> memref<1x1x8x224xf32, #tpu.memory_space<hbm>>
        %dma_wait3A_261 = tpu.memref_squeeze %dma_wait3A_260 : memref<1x1x8x224xf32, #tpu.memory_space<hbm>> -> memref<8x224xf32, #tpu.memory_space<hbm>>
        tpu.wait_dma2 semaphore(%arg14 : memref<!tpu.dma_semaphore, #tpu.memory_space<semaphore_mem>>) src(%dma_wait3A_261 : memref<8x224xf32, #tpu.memory_space<hbm>>) dst(%dma_wait3A_257 : memref<8x224xf32, #tpu.memory_space<vmem>>)
        %add3A_262 = arith.constant 1 : i32
        %add3A_263 = arith.addi %mul3A_207, %add3A_262 : i32
        %add3A_264 = arith.constant 0 : i32
        %add3A_265 = arith.addi %add3A_134, %add3A_264 : i32
        %mul3A_266 = arith.constant 8 : i32
        %mul3A_267 = arith.muli %add3A_263, %mul3A_266 : i32
        %dma_start3A_268 = arith.constant 0 : i32
        %dma_start3A_269 = arith.constant 0 : i32
        %dma_start3A_270 = tpu.memref_slice %arg6[%scan3A_108, %dma_start3A_268, %dma_start3A_269] : memref<6x8x224xf32, #tpu.memory_space<vmem>> -> memref<1x8x224xf32, #tpu.memory_space<vmem>>
        %dma_start3A_271 = tpu.memref_squeeze %dma_start3A_270 : memref<1x8x224xf32, #tpu.memory_space<vmem>> -> memref<8x224xf32, #tpu.memory_space<vmem>>
        %dma_start3A_272 = arith.constant 0 : i32
        %dma_start3A_273 = tpu.memref_slice %arg2[%select_n3A, %add3A_265, %mul3A_267, %dma_start3A_272] : memref<4x192x224x224xf32, #tpu.memory_space<hbm>> -> memref<1x1x8x224xf32, #tpu.memory_space<hbm>>
        %dma_start3A_274 = tpu.memref_squeeze %dma_start3A_273 : memref<1x1x8x224xf32, #tpu.memory_space<hbm>> -> memref<8x224xf32, #tpu.memory_space<hbm>>
        %dma_start3A_275 = arith.constant 0 : i32
        %dma_start3A_276 = arith.constant 0 : i32
        %dma_start3A_277 = tpu.memref_slice %arg6[%scan3A_108, %dma_start3A_275, %dma_start3A_276] : memref<6x8x224xf32, #tpu.memory_space<vmem>> -> memref<1x8x224xf32, #tpu.memory_space<vmem>>
        %dma_start3A_278 = tpu.memref_squeeze %dma_start3A_277 : memref<1x8x224xf32, #tpu.memory_space<vmem>> -> memref<8x224xf32, #tpu.memory_space<vmem>>
        %dma_start3A_279 = arith.constant 0 : i32
        %dma_start3A_280 = tpu.memref_slice %arg2[%select_n3A, %add3A_265, %mul3A_267, %dma_start3A_279] : memref<4x192x224x224xf32, #tpu.memory_space<hbm>> -> memref<1x1x8x224xf32, #tpu.memory_space<hbm>>
        %dma_start3A_281 = tpu.memref_squeeze %dma_start3A_280 : memref<1x1x8x224xf32, #tpu.memory_space<hbm>> -> memref<8x224xf32, #tpu.memory_space<hbm>>
        tpu.enqueue_dma source(%dma_start3A_281 : memref<8x224xf32, #tpu.memory_space<hbm>>) target(%dma_start3A_278 : memref<8x224xf32, #tpu.memory_space<vmem>>) target_semaphore(%arg15 : memref<!tpu.dma_semaphore, #tpu.memory_space<semaphore_mem>>)
        %add3A_282 = arith.constant 1 : i32
        %add3A_283 = arith.addi %add3A_134, %add3A_282 : i32
        %mul3A_284 = arith.constant 8 : i32
        %mul3A_285 = arith.muli %add3A_263, %mul3A_284 : i32
        %dma_start3A_286 = arith.constant 0 : i32
        %dma_start3A_287 = arith.constant 0 : i32
        %dma_start3A_288 = tpu.memref_slice %arg6[%scan3A_109, %dma_start3A_286, %dma_start3A_287] : memref<6x8x224xf32, #tpu.memory_space<vmem>> -> memref<1x8x224xf32, #tpu.memory_space<vmem>>
        %dma_start3A_289 = tpu.memref_squeeze %dma_start3A_288 : memref<1x8x224xf32, #tpu.memory_space<vmem>> -> memref<8x224xf32, #tpu.memory_space<vmem>>
        %dma_start3A_290 = arith.constant 0 : i32
        %dma_start3A_291 = tpu.memref_slice %arg2[%select_n3A, %add3A_283, %mul3A_285, %dma_start3A_290] : memref<4x192x224x224xf32, #tpu.memory_space<hbm>> -> memref<1x1x8x224xf32, #tpu.memory_space<hbm>>
        %dma_start3A_292 = tpu.memref_squeeze %dma_start3A_291 : memref<1x1x8x224xf32, #tpu.memory_space<hbm>> -> memref<8x224xf32, #tpu.memory_space<hbm>>
        %dma_start3A_293 = arith.constant 0 : i32
        %dma_start3A_294 = arith.constant 0 : i32
        %dma_start3A_295 = tpu.memref_slice %arg6[%scan3A_109, %dma_start3A_293, %dma_start3A_294] : memref<6x8x224xf32, #tpu.memory_space<vmem>> -> memref<1x8x224xf32, #tpu.memory_space<vmem>>
        %dma_start3A_296 = tpu.memref_squeeze %dma_start3A_295 : memref<1x8x224xf32, #tpu.memory_space<vmem>> -> memref<8x224xf32, #tpu.memory_space<vmem>>
        %dma_start3A_297 = arith.constant 0 : i32
        %dma_start3A_298 = tpu.memref_slice %arg2[%select_n3A, %add3A_283, %mul3A_285, %dma_start3A_297] : memref<4x192x224x224xf32, #tpu.memory_space<hbm>> -> memref<1x1x8x224xf32, #tpu.memory_space<hbm>>
        %dma_start3A_299 = tpu.memref_squeeze %dma_start3A_298 : memref<1x1x8x224xf32, #tpu.memory_space<hbm>> -> memref<8x224xf32, #tpu.memory_space<hbm>>
        tpu.enqueue_dma source(%dma_start3A_299 : memref<8x224xf32, #tpu.memory_space<hbm>>) target(%dma_start3A_296 : memref<8x224xf32, #tpu.memory_space<vmem>>) target_semaphore(%arg16 : memref<!tpu.dma_semaphore, #tpu.memory_space<semaphore_mem>>)
        %add3A_300 = arith.constant 2 : i32
        %add3A_301 = arith.addi %add3A_134, %add3A_300 : i32
        %mul3A_302 = arith.constant 8 : i32
        %mul3A_303 = arith.muli %add3A_263, %mul3A_302 : i32
        %dma_start3A_304 = arith.constant 0 : i32
        %dma_start3A_305 = arith.constant 0 : i32
        %dma_start3A_306 = tpu.memref_slice %arg6[%scan3A_110, %dma_start3A_304, %dma_start3A_305] : memref<6x8x224xf32, #tpu.memory_space<vmem>> -> memref<1x8x224xf32, #tpu.memory_space<vmem>>
        %dma_start3A_307 = tpu.memref_squeeze %dma_start3A_306 : memref<1x8x224xf32, #tpu.memory_space<vmem>> -> memref<8x224xf32, #tpu.memory_space<vmem>>
        %dma_start3A_308 = arith.constant 0 : i32
        %dma_start3A_309 = tpu.memref_slice %arg2[%select_n3A, %add3A_301, %mul3A_303, %dma_start3A_308] : memref<4x192x224x224xf32, #tpu.memory_space<hbm>> -> memref<1x1x8x224xf32, #tpu.memory_space<hbm>>
        %dma_start3A_310 = tpu.memref_squeeze %dma_start3A_309 : memref<1x1x8x224xf32, #tpu.memory_space<hbm>> -> memref<8x224xf32, #tpu.memory_space<hbm>>
        %dma_start3A_311 = arith.constant 0 : i32
        %dma_start3A_312 = arith.constant 0 : i32
        %dma_start3A_313 = tpu.memref_slice %arg6[%scan3A_110, %dma_start3A_311, %dma_start3A_312] : memref<6x8x224xf32, #tpu.memory_space<vmem>> -> memref<1x8x224xf32, #tpu.memory_space<vmem>>
        %dma_start3A_314 = tpu.memref_squeeze %dma_start3A_313 : memref<1x8x224xf32, #tpu.memory_space<vmem>> -> memref<8x224xf32, #tpu.memory_space<vmem>>
        %dma_start3A_315 = arith.constant 0 : i32
        %dma_start3A_316 = tpu.memref_slice %arg2[%select_n3A, %add3A_301, %mul3A_303, %dma_start3A_315] : memref<4x192x224x224xf32, #tpu.memory_space<hbm>> -> memref<1x1x8x224xf32, #tpu.memory_space<hbm>>
        %dma_start3A_317 = tpu.memref_squeeze %dma_start3A_316 : memref<1x1x8x224xf32, #tpu.memory_space<hbm>> -> memref<8x224xf32, #tpu.memory_space<hbm>>
        tpu.enqueue_dma source(%dma_start3A_317 : memref<8x224xf32, #tpu.memory_space<hbm>>) target(%dma_start3A_314 : memref<8x224xf32, #tpu.memory_space<vmem>>) target_semaphore(%arg17 : memref<!tpu.dma_semaphore, #tpu.memory_space<semaphore_mem>>)
        %scan3A_318 = arith.constant 0 : i32
        %scan3A_319 = arith.constant 0 : i32
        %scan3A_320 = arith.constant 8 : i32
        %scan3A_321 = arith.addi %scan3A_319, %scan3A_320 : i32
        %scan3A_322 = arith.constant 1 : i32
        scf.for %scan3A_391 = %scan3A_319 to %scan3A_321 step %scan3A_322  : i32 {
          %mul3A_392 = arith.constant 1792 : i32
          %mul3A_393 = arith.muli %mul3A_207, %mul3A_392 : i32
          %mul3A_394 = arith.constant 224 : i32
          %mul3A_395 = arith.muli %scan3A_391, %mul3A_394 : i32
          %add3A_396 = arith.addi %mul3A_393, %mul3A_395 : i32
          %add3A_397 = arith.constant 0 : i32
          %add3A_398 = arith.addi %add3A_396, %add3A_397 : i32
          %get3A = arith.index_cast %add3A_398 : i32 to index
          %get3A_399 = tpu.vector_load %arg5[%get3A] {strides = array<i32>} : memref<50176xi32, #tpu.memory_space<vmem>>, vector<16xi32>,
          %get3A_400 = arith.constant 0 : i32
          %get3A_401 = arith.constant 0 : i32
          %get3A_402 = tpu.memref_slice %arg6[%scan3A_105, %get3A_400, %get3A_401] : memref<6x8x224xf32, #tpu.memory_space<vmem>> -> memref<1x8x224xf32, #tpu.memory_space<vmem>>
          %get3A_403 = tpu.memref_squeeze %get3A_402 : memref<1x8x224xf32, #tpu.memory_space<vmem>> -> memref<8x224xf32, #tpu.memory_space<vmem>>
          %get3A_404 = arith.index_cast %scan3A_391 : i32 to index
          %get3A_405 = arith.constant 0 : index
          %get3A_406 = tpu.vector_load %get3A_403[%get3A_404, %get3A_405] {strides = array<i32>} : memref<8x224xf32, #tpu.memory_space<vmem>>, vector<16xf32>,
          %get3A_407 = arith.constant 0 : i32
          %get3A_408 = arith.constant 0 : i32
          %get3A_409 = tpu.memref_slice %arg6[%scan3A_106, %get3A_407, %get3A_408] : memref<6x8x224xf32, #tpu.memory_space<vmem>> -> memref<1x8x224xf32, #tpu.memory_space<vmem>>
          %get3A_410 = tpu.memref_squeeze %get3A_409 : memref<1x8x224xf32, #tpu.memory_space<vmem>> -> memref<8x224xf32, #tpu.memory_space<vmem>>
          %get3A_411 = arith.index_cast %scan3A_391 : i32 to index
          %get3A_412 = arith.constant 0 : index
          %get3A_413 = tpu.vector_load %get3A_410[%get3A_411, %get3A_412] {strides = array<i32>} : memref<8x224xf32, #tpu.memory_space<vmem>>, vector<16xf32>,
          %get3A_414 = arith.constant 0 : i32
          %get3A_415 = arith.constant 0 : i32
          %get3A_416 = tpu.memref_slice %arg6[%scan3A_107, %get3A_414, %get3A_415] : memref<6x8x224xf32, #tpu.memory_space<vmem>> -> memref<1x8x224xf32, #tpu.memory_space<vmem>>
          %get3A_417 = tpu.memref_squeeze %get3A_416 : memref<1x8x224xf32, #tpu.memory_space<vmem>> -> memref<8x224xf32, #tpu.memory_space<vmem>>
          %get3A_418 = arith.index_cast %scan3A_391 : i32 to index
          %get3A_419 = arith.constant 0 : index
          %get3A_420 = tpu.vector_load %get3A_417[%get3A_418, %get3A_419] {strides = array<i32>} : memref<8x224xf32, #tpu.memory_space<vmem>>, vector<16xf32>,
          %gather3A = tpu.vector_load_idx %arg7[%get3A_399] : memref<16384xf32, #tpu.memory_space<vmem>>[vector<16xi32>], vector<16xf32>,
          %gather3A_421 = tpu.vector_load_idx %arg8[%get3A_399] : memref<16384xf32, #tpu.memory_space<vmem>>[vector<16xi32>], vector<16xf32>,
          %gather3A_422 = tpu.vector_load_idx %arg9[%get3A_399] : memref<16384xf32, #tpu.memory_space<vmem>>[vector<16xi32>], vector<16xf32>,
          %max3A = arith.maximumf %gather3A, %get3A_406 : vector<16xf32>
          tpu.vector_store_idx %arg7[%get3A_399], %max3A : memref<16384xf32, #tpu.memory_space<vmem>>[vector<16xi32>], vector<16xf32>,
          %max3A_423 = arith.maximumf %gather3A_421, %get3A_413 : vector<16xf32>
          tpu.vector_store_idx %arg8[%get3A_399], %max3A_423 : memref<16384xf32, #tpu.memory_space<vmem>>[vector<16xi32>], vector<16xf32>,
          %max3A_424 = arith.maximumf %gather3A_422, %get3A_420 : vector<16xf32>
          tpu.vector_store_idx %arg9[%get3A_399], %max3A_424 : memref<16384xf32, #tpu.memory_space<vmem>>[vector<16xi32>], vector<16xf32>,
          %add3A_425 = arith.constant 16 : i32
          %add3A_426 = arith.addi %add3A_396, %add3A_425 : i32
          %get3A_427 = arith.index_cast %add3A_426 : i32 to index
          %get3A_428 = tpu.vector_load %arg5[%get3A_427] {strides = array<i32>} : memref<50176xi32, #tpu.memory_space<vmem>>, vector<16xi32>,
          %get3A_429 = arith.constant 0 : i32
          %get3A_430 = arith.constant 0 : i32
          %get3A_431 = tpu.memref_slice %arg6[%scan3A_105, %get3A_429, %get3A_430] : memref<6x8x224xf32, #tpu.memory_space<vmem>> -> memref<1x8x224xf32, #tpu.memory_space<vmem>>
          %get3A_432 = tpu.memref_squeeze %get3A_431 : memref<1x8x224xf32, #tpu.memory_space<vmem>> -> memref<8x224xf32, #tpu.memory_space<vmem>>
          %get3A_433 = arith.index_cast %scan3A_391 : i32 to index
          %get3A_434 = arith.constant 16 : index
          %get3A_435 = tpu.vector_load %get3A_432[%get3A_433, %get3A_434] {strides = array<i32>} : memref<8x224xf32, #tpu.memory_space<vmem>>, vector<16xf32>,
          %get3A_436 = arith.constant 0 : i32
          %get3A_437 = arith.constant 0 : i32
          %get3A_438 = tpu.memref_slice %arg6[%scan3A_106, %get3A_436, %get3A_437] : memref<6x8x224xf32, #tpu.memory_space<vmem>> -> memref<1x8x224xf32, #tpu.memory_space<vmem>>
          %get3A_439 = tpu.memref_squeeze %get3A_438 : memref<1x8x224xf32, #tpu.memory_space<vmem>> -> memref<8x224xf32, #tpu.memory_space<vmem>>
          %get3A_440 = arith.index_cast %scan3A_391 : i32 to index
          %get3A_441 = arith.constant 16 : index
          %get3A_442 = tpu.vector_load %get3A_439[%get3A_440, %get3A_441] {strides = array<i32>} : memref<8x224xf32, #tpu.memory_space<vmem>>, vector<16xf32>,
          %get3A_443 = arith.constant 0 : i32
          %get3A_444 = arith.constant 0 : i32
          %get3A_445 = tpu.memref_slice %arg6[%scan3A_107, %get3A_443, %get3A_444] : memref<6x8x224xf32, #tpu.memory_space<vmem>> -> memref<1x8x224xf32, #tpu.memory_space<vmem>>
          %get3A_446 = tpu.memref_squeeze %get3A_445 : memref<1x8x224xf32, #tpu.memory_space<vmem>> -> memref<8x224xf32, #tpu.memory_space<vmem>>
          %get3A_447 = arith.index_cast %scan3A_391 : i32 to index
          %get3A_448 = arith.constant 16 : index
          %get3A_449 = tpu.vector_load %get3A_446[%get3A_447, %get3A_448] {strides = array<i32>} : memref<8x224xf32, #tpu.memory_space<vmem>>, vector<16xf32>,
          %gather3A_450 = tpu.vector_load_idx %arg7[%get3A_428] : memref<16384xf32, #tpu.memory_space<vmem>>[vector<16xi32>], vector<16xf32>,
          %gather3A_451 = tpu.vector_load_idx %arg8[%get3A_428] : memref<16384xf32, #tpu.memory_space<vmem>>[vector<16xi32>], vector<16xf32>,
          %gather3A_452 = tpu.vector_load_idx %arg9[%get3A_428] : memref<16384xf32, #tpu.memory_space<vmem>>[vector<16xi32>], vector<16xf32>,
          %max3A_453 = arith.maximumf %gather3A_450, %get3A_435 : vector<16xf32>
          tpu.vector_store_idx %arg7[%get3A_428], %max3A_453 : memref<16384xf32, #tpu.memory_space<vmem>>[vector<16xi32>], vector<16xf32>,
          %max3A_454 = arith.maximumf %gather3A_451, %get3A_442 : vector<16xf32>
          tpu.vector_store_idx %arg8[%get3A_428], %max3A_454 : memref<16384xf32, #tpu.memory_space<vmem>>[vector<16xi32>], vector<16xf32>,
          %max3A_455 = arith.maximumf %gather3A_452, %get3A_449 : vector<16xf32>
          tpu.vector_store_idx %arg9[%get3A_428], %max3A_455 : memref<16384xf32, #tpu.memory_space<vmem>>[vector<16xi32>], vector<16xf32>,
          %add3A_456 = arith.constant 32 : i32
          %add3A_457 = arith.addi %add3A_396, %add3A_456 : i32
          %get3A_458 = arith.index_cast %add3A_457 : i32 to index
          %get3A_459 = tpu.vector_load %arg5[%get3A_458] {strides = array<i32>} : memref<50176xi32, #tpu.memory_space<vmem>>, vector<16xi32>,
          %get3A_460 = arith.constant 0 : i32
          %get3A_461 = arith.constant 0 : i32
          %get3A_462 = tpu.memref_slice %arg6[%scan3A_105, %get3A_460, %get3A_461] : memref<6x8x224xf32, #tpu.memory_space<vmem>> -> memref<1x8x224xf32, #tpu.memory_space<vmem>>
          %get3A_463 = tpu.memref_squeeze %get3A_462 : memref<1x8x224xf32, #tpu.memory_space<vmem>> -> memref<8x224xf32, #tpu.memory_space<vmem>>
          %get3A_464 = arith.index_cast %scan3A_391 : i32 to index
          %get3A_465 = arith.constant 32 : index
          %get3A_466 = tpu.vector_load %get3A_463[%get3A_464, %get3A_465] {strides = array<i32>} : memref<8x224xf32, #tpu.memory_space<vmem>>, vector<16xf32>,
          %get3A_467 = arith.constant 0 : i32
          %get3A_468 = arith.constant 0 : i32
          %get3A_469 = tpu.memref_slice %arg6[%scan3A_106, %get3A_467, %get3A_468] : memref<6x8x224xf32, #tpu.memory_space<vmem>> -> memref<1x8x224xf32, #tpu.memory_space<vmem>>
          %get3A_470 = tpu.memref_squeeze %get3A_469 : memref<1x8x224xf32, #tpu.memory_space<vmem>> -> memref<8x224xf32, #tpu.memory_space<vmem>>
          %get3A_471 = arith.index_cast %scan3A_391 : i32 to index
          %get3A_472 = arith.constant 32 : index
          %get3A_473 = tpu.vector_load %get3A_470[%get3A_471, %get3A_472] {strides = array<i32>} : memref<8x224xf32, #tpu.memory_space<vmem>>, vector<16xf32>,
          %get3A_474 = arith.constant 0 : i32
          %get3A_475 = arith.constant 0 : i32
          %get3A_476 = tpu.memref_slice %arg6[%scan3A_107, %get3A_474, %get3A_475] : memref<6x8x224xf32, #tpu.memory_space<vmem>> -> memref<1x8x224xf32, #tpu.memory_space<vmem>>
          %get3A_477 = tpu.memref_squeeze %get3A_476 : memref<1x8x224xf32, #tpu.memory_space<vmem>> -> memref<8x224xf32, #tpu.memory_space<vmem>>
          %get3A_478 = arith.index_cast %scan3A_391 : i32 to index
          %get3A_479 = arith.constant 32 : index
          %get3A_480 = tpu.vector_load %get3A_477[%get3A_478, %get3A_479] {strides = array<i32>} : memref<8x224xf32, #tpu.memory_space<vmem>>, vector<16xf32>,
          %gather3A_481 = tpu.vector_load_idx %arg7[%get3A_459] : memref<16384xf32, #tpu.memory_space<vmem>>[vector<16xi32>], vector<16xf32>,
          %gather3A_482 = tpu.vector_load_idx %arg8[%get3A_459] : memref<16384xf32, #tpu.memory_space<vmem>>[vector<16xi32>], vector<16xf32>,
          %gather3A_483 = tpu.vector_load_idx %arg9[%get3A_459] : memref<16384xf32, #tpu.memory_space<vmem>>[vector<16xi32>], vector<16xf32>,
          %max3A_484 = arith.maximumf %gather3A_481, %get3A_466 : vector<16xf32>
          tpu.vector_store_idx %arg7[%get3A_459], %max3A_484 : memref<16384xf32, #tpu.memory_space<vmem>>[vector<16xi32>], vector<16xf32>,
          %max3A_485 = arith.maximumf %gather3A_482, %get3A_473 : vector<16xf32>
          tpu.vector_store_idx %arg8[%get3A_459], %max3A_485 : memref<16384xf32, #tpu.memory_space<vmem>>[vector<16xi32>], vector<16xf32>,
          %max3A_486 = arith.maximumf %gather3A_483, %get3A_480 : vector<16xf32>
          tpu.vector_store_idx %arg9[%get3A_459], %max3A_486 : memref<16384xf32, #tpu.memory_space<vmem>>[vector<16xi32>], vector<16xf32>,
          %add3A_487 = arith.constant 48 : i32
          %add3A_488 = arith.addi %add3A_396, %add3A_487 : i32
          %get3A_489 = arith.index_cast %add3A_488 : i32 to index
          %get3A_490 = tpu.vector_load %arg5[%get3A_489] {strides = array<i32>} : memref<50176xi32, #tpu.memory_space<vmem>>, vector<16xi32>,
          %get3A_491 = arith.constant 0 : i32
          %get3A_492 = arith.constant 0 : i32
          %get3A_493 = tpu.memref_slice %arg6[%scan3A_105, %get3A_491, %get3A_492] : memref<6x8x224xf32, #tpu.memory_space<vmem>> -> memref<1x8x224xf32, #tpu.memory_space<vmem>>
          %get3A_494 = tpu.memref_squeeze %get3A_493 : memref<1x8x224xf32, #tpu.memory_space<vmem>> -> memref<8x224xf32, #tpu.memory_space<vmem>>
          %get3A_495 = arith.index_cast %scan3A_391 : i32 to index
          %get3A_496 = arith.constant 48 : index
          %get3A_497 = tpu.vector_load %get3A_494[%get3A_495, %get3A_496] {strides = array<i32>} : memref<8x224xf32, #tpu.memory_space<vmem>>, vector<16xf32>,
          %get3A_498 = arith.constant 0 : i32
          %get3A_499 = arith.constant 0 : i32
          %get3A_500 = tpu.memref_slice %arg6[%scan3A_106, %get3A_498, %get3A_499] : memref<6x8x224xf32, #tpu.memory_space<vmem>> -> memref<1x8x224xf32, #tpu.memory_space<vmem>>
          %get3A_501 = tpu.memref_squeeze %get3A_500 : memref<1x8x224xf32, #tpu.memory_space<vmem>> -> memref<8x224xf32, #tpu.memory_space<vmem>>
          %get3A_502 = arith.index_cast %scan3A_391 : i32 to index
          %get3A_503 = arith.constant 48 : index
          %get3A_504 = tpu.vector_load %get3A_501[%get3A_502, %get3A_503] {strides = array<i32>} : memref<8x224xf32, #tpu.memory_space<vmem>>, vector<16xf32>,
          %get3A_505 = arith.constant 0 : i32
          %get3A_506 = arith.constant 0 : i32
          %get3A_507 = tpu.memref_slice %arg6[%scan3A_107, %get3A_505, %get3A_506] : memref<6x8x224xf32, #tpu.memory_space<vmem>> -> memref<1x8x224xf32, #tpu.memory_space<vmem>>
          %get3A_508 = tpu.memref_squeeze %get3A_507 : memref<1x8x224xf32, #tpu.memory_space<vmem>> -> memref<8x224xf32, #tpu.memory_space<vmem>>
          %get3A_509 = arith.index_cast %scan3A_391 : i32 to index
          %get3A_510 = arith.constant 48 : index
          %get3A_511 = tpu.vector_load %get3A_508[%get3A_509, %get3A_510] {strides = array<i32>} : memref<8x224xf32, #tpu.memory_space<vmem>>, vector<16xf32>,
          %gather3A_512 = tpu.vector_load_idx %arg7[%get3A_490] : memref<16384xf32, #tpu.memory_space<vmem>>[vector<16xi32>], vector<16xf32>,
          %gather3A_513 = tpu.vector_load_idx %arg8[%get3A_490] : memref<16384xf32, #tpu.memory_space<vmem>>[vector<16xi32>], vector<16xf32>,
          %gather3A_514 = tpu.vector_load_idx %arg9[%get3A_490] : memref<16384xf32, #tpu.memory_space<vmem>>[vector<16xi32>], vector<16xf32>,
          %max3A_515 = arith.maximumf %gather3A_512, %get3A_497 : vector<16xf32>
          tpu.vector_store_idx %arg7[%get3A_490], %max3A_515 : memref<16384xf32, #tpu.memory_space<vmem>>[vector<16xi32>], vector<16xf32>,
          %max3A_516 = arith.maximumf %gather3A_513, %get3A_504 : vector<16xf32>
          tpu.vector_store_idx %arg8[%get3A_490], %max3A_516 : memref<16384xf32, #tpu.memory_space<vmem>>[vector<16xi32>], vector<16xf32>,
          %max3A_517 = arith.maximumf %gather3A_514, %get3A_511 : vector<16xf32>
          tpu.vector_store_idx %arg9[%get3A_490], %max3A_517 : memref<16384xf32, #tpu.memory_space<vmem>>[vector<16xi32>], vector<16xf32>,
          %add3A_518 = arith.constant 64 : i32
          %add3A_519 = arith.addi %add3A_396, %add3A_518 : i32
          %get3A_520 = arith.index_cast %add3A_519 : i32 to index
          %get3A_521 = tpu.vector_load %arg5[%get3A_520] {strides = array<i32>} : memref<50176xi32, #tpu.memory_space<vmem>>, vector<16xi32>,
          %get3A_522 = arith.constant 0 : i32
          %get3A_523 = arith.constant 0 : i32
          %get3A_524 = tpu.memref_slice %arg6[%scan3A_105, %get3A_522, %get3A_523] : memref<6x8x224xf32, #tpu.memory_space<vmem>> -> memref<1x8x224xf32, #tpu.memory_space<vmem>>
          %get3A_525 = tpu.memref_squeeze %get3A_524 : memref<1x8x224xf32, #tpu.memory_space<vmem>> -> memref<8x224xf32, #tpu.memory_space<vmem>>
          %get3A_526 = arith.index_cast %scan3A_391 : i32 to index
          %get3A_527 = arith.constant 64 : index
          %get3A_528 = tpu.vector_load %get3A_525[%get3A_526, %get3A_527] {strides = array<i32>} : memref<8x224xf32, #tpu.memory_space<vmem>>, vector<16xf32>,
          %get3A_529 = arith.constant 0 : i32
          %get3A_530 = arith.constant 0 : i32
          %get3A_531 = tpu.memref_slice %arg6[%scan3A_106, %get3A_529, %get3A_530] : memref<6x8x224xf32, #tpu.memory_space<vmem>> -> memref<1x8x224xf32, #tpu.memory_space<vmem>>
          %get3A_532 = tpu.memref_squeeze %get3A_531 : memref<1x8x224xf32, #tpu.memory_space<vmem>> -> memref<8x224xf32, #tpu.memory_space<vmem>>
          %get3A_533 = arith.index_cast %scan3A_391 : i32 to index
          %get3A_534 = arith.constant 64 : index
          %get3A_535 = tpu.vector_load %get3A_532[%get3A_533, %get3A_534] {strides = array<i32>} : memref<8x224xf32, #tpu.memory_space<vmem>>, vector<16xf32>,
          %get3A_536 = arith.constant 0 : i32
          %get3A_537 = arith.constant 0 : i32
          %get3A_538 = tpu.memref_slice %arg6[%scan3A_107, %get3A_536, %get3A_537] : memref<6x8x224xf32, #tpu.memory_space<vmem>> -> memref<1x8x224xf32, #tpu.memory_space<vmem>>
          %get3A_539 = tpu.memref_squeeze %get3A_538 : memref<1x8x224xf32, #tpu.memory_space<vmem>> -> memref<8x224xf32, #tpu.memory_space<vmem>>
          %get3A_540 = arith.index_cast %scan3A_391 : i32 to index
          %get3A_541 = arith.constant 64 : index
          %get3A_542 = tpu.vector_load %get3A_539[%get3A_540, %get3A_541] {strides = array<i32>} : memref<8x224xf32, #tpu.memory_space<vmem>>, vector<16xf32>,
          %gather3A_543 = tpu.vector_load_idx %arg7[%get3A_521] : memref<16384xf32, #tpu.memory_space<vmem>>[vector<16xi32>], vector<16xf32>,
          %gather3A_544 = tpu.vector_load_idx %arg8[%get3A_521] : memref<16384xf32, #tpu.memory_space<vmem>>[vector<16xi32>], vector<16xf32>,
          %gather3A_545 = tpu.vector_load_idx %arg9[%get3A_521] : memref<16384xf32, #tpu.memory_space<vmem>>[vector<16xi32>], vector<16xf32>,
          %max3A_546 = arith.maximumf %gather3A_543, %get3A_528 : vector<16xf32>
          tpu.vector_store_idx %arg7[%get3A_521], %max3A_546 : memref<16384xf32, #tpu.memory_space<vmem>>[vector<16xi32>], vector<16xf32>,
          %max3A_547 = arith.maximumf %gather3A_544, %get3A_535 : vector<16xf32>
          tpu.vector_store_idx %arg8[%get3A_521], %max3A_547 : memref<16384xf32, #tpu.memory_space<vmem>>[vector<16xi32>], vector<16xf32>,
          %max3A_548 = arith.maximumf %gather3A_545, %get3A_542 : vector<16xf32>
          tpu.vector_store_idx %arg9[%get3A_521], %max3A_548 : memref<16384xf32, #tpu.memory_space<vmem>>[vector<16xi32>], vector<16xf32>,
          %add3A_549 = arith.constant 80 : i32
          %add3A_550 = arith.addi %add3A_396, %add3A_549 : i32
          %get3A_551 = arith.index_cast %add3A_550 : i32 to index
          %get3A_552 = tpu.vector_load %arg5[%get3A_551] {strides = array<i32>} : memref<50176xi32, #tpu.memory_space<vmem>>, vector<16xi32>,
          %get3A_553 = arith.constant 0 : i32
          %get3A_554 = arith.constant 0 : i32
          %get3A_555 = tpu.memref_slice %arg6[%scan3A_105, %get3A_553, %get3A_554] : memref<6x8x224xf32, #tpu.memory_space<vmem>> -> memref<1x8x224xf32, #tpu.memory_space<vmem>>
          %get3A_556 = tpu.memref_squeeze %get3A_555 : memref<1x8x224xf32, #tpu.memory_space<vmem>> -> memref<8x224xf32, #tpu.memory_space<vmem>>
          %get3A_557 = arith.index_cast %scan3A_391 : i32 to index
          %get3A_558 = arith.constant 80 : index
          %get3A_559 = tpu.vector_load %get3A_556[%get3A_557, %get3A_558] {strides = array<i32>} : memref<8x224xf32, #tpu.memory_space<vmem>>, vector<16xf32>,
          %get3A_560 = arith.constant 0 : i32
          %get3A_561 = arith.constant 0 : i32
          %get3A_562 = tpu.memref_slice %arg6[%scan3A_106, %get3A_560, %get3A_561] : memref<6x8x224xf32, #tpu.memory_space<vmem>> -> memref<1x8x224xf32, #tpu.memory_space<vmem>>
          %get3A_563 = tpu.memref_squeeze %get3A_562 : memref<1x8x224xf32, #tpu.memory_space<vmem>> -> memref<8x224xf32, #tpu.memory_space<vmem>>
          %get3A_564 = arith.index_cast %scan3A_391 : i32 to index
          %get3A_565 = arith.constant 80 : index
          %get3A_566 = tpu.vector_load %get3A_563[%get3A_564, %get3A_565] {strides = array<i32>} : memref<8x224xf32, #tpu.memory_space<vmem>>, vector<16xf32>,
          %get3A_567 = arith.constant 0 : i32
          %get3A_568 = arith.constant 0 : i32
          %get3A_569 = tpu.memref_slice %arg6[%scan3A_107, %get3A_567, %get3A_568] : memref<6x8x224xf32, #tpu.memory_space<vmem>> -> memref<1x8x224xf32, #tpu.memory_space<vmem>>
          %get3A_570 = tpu.memref_squeeze %get3A_569 : memref<1x8x224xf32, #tpu.memory_space<vmem>> -> memref<8x224xf32, #tpu.memory_space<vmem>>
          %get3A_571 = arith.index_cast %scan3A_391 : i32 to index
          %get3A_572 = arith.constant 80 : index
          %get3A_573 = tpu.vector_load %get3A_570[%get3A_571, %get3A_572] {strides = array<i32>} : memref<8x224xf32, #tpu.memory_space<vmem>>, vector<16xf32>,
          %gather3A_574 = tpu.vector_load_idx %arg7[%get3A_552] : memref<16384xf32, #tpu.memory_space<vmem>>[vector<16xi32>], vector<16xf32>,
          %gather3A_575 = tpu.vector_load_idx %arg8[%get3A_552] : memref<16384xf32, #tpu.memory_space<vmem>>[vector<16xi32>], vector<16xf32>,
          %gather3A_576 = tpu.vector_load_idx %arg9[%get3A_552] : memref<16384xf32, #tpu.memory_space<vmem>>[vector<16xi32>], vector<16xf32>,
          %max3A_577 = arith.maximumf %gather3A_574, %get3A_559 : vector<16xf32>
          tpu.vector_store_idx %arg7[%get3A_552], %max3A_577 : memref<16384xf32, #tpu.memory_space<vmem>>[vector<16xi32>], vector<16xf32>,
          %max3A_578 = arith.maximumf %gather3A_575, %get3A_566 : vector<16xf32>
          tpu.vector_store_idx %arg8[%get3A_552], %max3A_578 : memref<16384xf32, #tpu.memory_space<vmem>>[vector<16xi32>], vector<16xf32>,
          %max3A_579 = arith.maximumf %gather3A_576, %get3A_573 : vector<16xf32>
          tpu.vector_store_idx %arg9[%get3A_552], %max3A_579 : memref<16384xf32, #tpu.memory_space<vmem>>[vector<16xi32>], vector<16xf32>,
          %add3A_580 = arith.constant 96 : i32
          %add3A_581 = arith.addi %add3A_396, %add3A_580 : i32
          %get3A_582 = arith.index_cast %add3A_581 : i32 to index
          %get3A_583 = tpu.vector_load %arg5[%get3A_582] {strides = array<i32>} : memref<50176xi32, #tpu.memory_space<vmem>>, vector<16xi32>,
          %get3A_584 = arith.constant 0 : i32
          %get3A_585 = arith.constant 0 : i32
          %get3A_586 = tpu.memref_slice %arg6[%scan3A_105, %get3A_584, %get3A_585] : memref<6x8x224xf32, #tpu.memory_space<vmem>> -> memref<1x8x224xf32, #tpu.memory_space<vmem>>
          %get3A_587 = tpu.memref_squeeze %get3A_586 : memref<1x8x224xf32, #tpu.memory_space<vmem>> -> memref<8x224xf32, #tpu.memory_space<vmem>>
          %get3A_588 = arith.index_cast %scan3A_391 : i32 to index
          %get3A_589 = arith.constant 96 : index
          %get3A_590 = tpu.vector_load %get3A_587[%get3A_588, %get3A_589] {strides = array<i32>} : memref<8x224xf32, #tpu.memory_space<vmem>>, vector<16xf32>,
          %get3A_591 = arith.constant 0 : i32
          %get3A_592 = arith.constant 0 : i32
          %get3A_593 = tpu.memref_slice %arg6[%scan3A_106, %get3A_591, %get3A_592] : memref<6x8x224xf32, #tpu.memory_space<vmem>> -> memref<1x8x224xf32, #tpu.memory_space<vmem>>
          %get3A_594 = tpu.memref_squeeze %get3A_593 : memref<1x8x224xf32, #tpu.memory_space<vmem>> -> memref<8x224xf32, #tpu.memory_space<vmem>>
          %get3A_595 = arith.index_cast %scan3A_391 : i32 to index
          %get3A_596 = arith.constant 96 : index
          %get3A_597 = tpu.vector_load %get3A_594[%get3A_595, %get3A_596] {strides = array<i32>} : memref<8x224xf32, #tpu.memory_space<vmem>>, vector<16xf32>,
          %get3A_598 = arith.constant 0 : i32
          %get3A_599 = arith.constant 0 : i32
          %get3A_600 = tpu.memref_slice %arg6[%scan3A_107, %get3A_598, %get3A_599] : memref<6x8x224xf32, #tpu.memory_space<vmem>> -> memref<1x8x224xf32, #tpu.memory_space<vmem>>
          %get3A_601 = tpu.memref_squeeze %get3A_600 : memref<1x8x224xf32, #tpu.memory_space<vmem>> -> memref<8x224xf32, #tpu.memory_space<vmem>>
          %get3A_602 = arith.index_cast %scan3A_391 : i32 to index
          %get3A_603 = arith.constant 96 : index
          %get3A_604 = tpu.vector_load %get3A_601[%get3A_602, %get3A_603] {strides = array<i32>} : memref<8x224xf32, #tpu.memory_space<vmem>>, vector<16xf32>,
          %gather3A_605 = tpu.vector_load_idx %arg7[%get3A_583] : memref<16384xf32, #tpu.memory_space<vmem>>[vector<16xi32>], vector<16xf32>,
          %gather3A_606 = tpu.vector_load_idx %arg8[%get3A_583] : memref<16384xf32, #tpu.memory_space<vmem>>[vector<16xi32>], vector<16xf32>,
          %gather3A_607 = tpu.vector_load_idx %arg9[%get3A_583] : memref<16384xf32, #tpu.memory_space<vmem>>[vector<16xi32>], vector<16xf32>,
          %max3A_608 = arith.maximumf %gather3A_605, %get3A_590 : vector<16xf32>
          tpu.vector_store_idx %arg7[%get3A_583], %max3A_608 : memref<16384xf32, #tpu.memory_space<vmem>>[vector<16xi32>], vector<16xf32>,
          %max3A_609 = arith.maximumf %gather3A_606, %get3A_597 : vector<16xf32>
          tpu.vector_store_idx %arg8[%get3A_583], %max3A_609 : memref<16384xf32, #tpu.memory_space<vmem>>[vector<16xi32>], vector<16xf32>,
          %max3A_610 = arith.maximumf %gather3A_607, %get3A_604 : vector<16xf32>
          tpu.vector_store_idx %arg9[%get3A_583], %max3A_610 : memref<16384xf32, #tpu.memory_space<vmem>>[vector<16xi32>], vector<16xf32>,
          %add3A_611 = arith.constant 112 : i32
          %add3A_612 = arith.addi %add3A_396, %add3A_611 : i32
          %get3A_613 = arith.index_cast %add3A_612 : i32 to index
          %get3A_614 = tpu.vector_load %arg5[%get3A_613] {strides = array<i32>} : memref<50176xi32, #tpu.memory_space<vmem>>, vector<16xi32>,
          %get3A_615 = arith.constant 0 : i32
          %get3A_616 = arith.constant 0 : i32
          %get3A_617 = tpu.memref_slice %arg6[%scan3A_105, %get3A_615, %get3A_616] : memref<6x8x224xf32, #tpu.memory_space<vmem>> -> memref<1x8x224xf32, #tpu.memory_space<vmem>>
          %get3A_618 = tpu.memref_squeeze %get3A_617 : memref<1x8x224xf32, #tpu.memory_space<vmem>> -> memref<8x224xf32, #tpu.memory_space<vmem>>
          %get3A_619 = arith.index_cast %scan3A_391 : i32 to index
          %get3A_620 = arith.constant 112 : index
          %get3A_621 = tpu.vector_load %get3A_618[%get3A_619, %get3A_620] {strides = array<i32>} : memref<8x224xf32, #tpu.memory_space<vmem>>, vector<16xf32>,
          %get3A_622 = arith.constant 0 : i32
          %get3A_623 = arith.constant 0 : i32
          %get3A_624 = tpu.memref_slice %arg6[%scan3A_106, %get3A_622, %get3A_623] : memref<6x8x224xf32, #tpu.memory_space<vmem>> -> memref<1x8x224xf32, #tpu.memory_space<vmem>>
          %get3A_625 = tpu.memref_squeeze %get3A_624 : memref<1x8x224xf32, #tpu.memory_space<vmem>> -> memref<8x224xf32, #tpu.memory_space<vmem>>
          %get3A_626 = arith.index_cast %scan3A_391 : i32 to index
          %get3A_627 = arith.constant 112 : index
          %get3A_628 = tpu.vector_load %get3A_625[%get3A_626, %get3A_627] {strides = array<i32>} : memref<8x224xf32, #tpu.memory_space<vmem>>, vector<16xf32>,
          %get3A_629 = arith.constant 0 : i32
          %get3A_630 = arith.constant 0 : i32
          %get3A_631 = tpu.memref_slice %arg6[%scan3A_107, %get3A_629, %get3A_630] : memref<6x8x224xf32, #tpu.memory_space<vmem>> -> memref<1x8x224xf32, #tpu.memory_space<vmem>>
          %get3A_632 = tpu.memref_squeeze %get3A_631 : memref<1x8x224xf32, #tpu.memory_space<vmem>> -> memref<8x224xf32, #tpu.memory_space<vmem>>
          %get3A_633 = arith.index_cast %scan3A_391 : i32 to index
          %get3A_634 = arith.constant 112 : index
          %get3A_635 = tpu.vector_load %get3A_632[%get3A_633, %get3A_634] {strides = array<i32>} : memref<8x224xf32, #tpu.memory_space<vmem>>, vector<16xf32>,
          %gather3A_636 = tpu.vector_load_idx %arg7[%get3A_614] : memref<16384xf32, #tpu.memory_space<vmem>>[vector<16xi32>], vector<16xf32>,
          %gather3A_637 = tpu.vector_load_idx %arg8[%get3A_614] : memref<16384xf32, #tpu.memory_space<vmem>>[vector<16xi32>], vector<16xf32>,
          %gather3A_638 = tpu.vector_load_idx %arg9[%get3A_614] : memref<16384xf32, #tpu.memory_space<vmem>>[vector<16xi32>], vector<16xf32>,
          %max3A_639 = arith.maximumf %gather3A_636, %get3A_621 : vector<16xf32>
          tpu.vector_store_idx %arg7[%get3A_614], %max3A_639 : memref<16384xf32, #tpu.memory_space<vmem>>[vector<16xi32>], vector<16xf32>,
          %max3A_640 = arith.maximumf %gather3A_637, %get3A_628 : vector<16xf32>
          tpu.vector_store_idx %arg8[%get3A_614], %max3A_640 : memref<16384xf32, #tpu.memory_space<vmem>>[vector<16xi32>], vector<16xf32>,
          %max3A_641 = arith.maximumf %gather3A_638, %get3A_635 : vector<16xf32>
          tpu.vector_store_idx %arg9[%get3A_614], %max3A_641 : memref<16384xf32, #tpu.memory_space<vmem>>[vector<16xi32>], vector<16xf32>,
          %add3A_642 = arith.constant 128 : i32
          %add3A_643 = arith.addi %add3A_396, %add3A_642 : i32
          %get3A_644 = arith.index_cast %add3A_643 : i32 to index
          %get3A_645 = tpu.vector_load %arg5[%get3A_644] {strides = array<i32>} : memref<50176xi32, #tpu.memory_space<vmem>>, vector<16xi32>,
          %get3A_646 = arith.constant 0 : i32
          %get3A_647 = arith.constant 0 : i32
          %get3A_648 = tpu.memref_slice %arg6[%scan3A_105, %get3A_646, %get3A_647] : memref<6x8x224xf32, #tpu.memory_space<vmem>> -> memref<1x8x224xf32, #tpu.memory_space<vmem>>
          %get3A_649 = tpu.memref_squeeze %get3A_648 : memref<1x8x224xf32, #tpu.memory_space<vmem>> -> memref<8x224xf32, #tpu.memory_space<vmem>>
          %get3A_650 = arith.index_cast %scan3A_391 : i32 to index
          %get3A_651 = arith.constant 128 : index
          %get3A_652 = tpu.vector_load %get3A_649[%get3A_650, %get3A_651] {strides = array<i32>} : memref<8x224xf32, #tpu.memory_space<vmem>>, vector<16xf32>,
          %get3A_653 = arith.constant 0 : i32
          %get3A_654 = arith.constant 0 : i32
          %get3A_655 = tpu.memref_slice %arg6[%scan3A_106, %get3A_653, %get3A_654] : memref<6x8x224xf32, #tpu.memory_space<vmem>> -> memref<1x8x224xf32, #tpu.memory_space<vmem>>
          %get3A_656 = tpu.memref_squeeze %get3A_655 : memref<1x8x224xf32, #tpu.memory_space<vmem>> -> memref<8x224xf32, #tpu.memory_space<vmem>>
          %get3A_657 = arith.index_cast %scan3A_391 : i32 to index
          %get3A_658 = arith.constant 128 : index
          %get3A_659 = tpu.vector_load %get3A_656[%get3A_657, %get3A_658] {strides = array<i32>} : memref<8x224xf32, #tpu.memory_space<vmem>>, vector<16xf32>,
          %get3A_660 = arith.constant 0 : i32
          %get3A_661 = arith.constant 0 : i32
          %get3A_662 = tpu.memref_slice %arg6[%scan3A_107, %get3A_660, %get3A_661] : memref<6x8x224xf32, #tpu.memory_space<vmem>> -> memref<1x8x224xf32, #tpu.memory_space<vmem>>
          %get3A_663 = tpu.memref_squeeze %get3A_662 : memref<1x8x224xf32, #tpu.memory_space<vmem>> -> memref<8x224xf32, #tpu.memory_space<vmem>>
          %get3A_664 = arith.index_cast %scan3A_391 : i32 to index
          %get3A_665 = arith.constant 128 : index
          %get3A_666 = tpu.vector_load %get3A_663[%get3A_664, %get3A_665] {strides = array<i32>} : memref<8x224xf32, #tpu.memory_space<vmem>>, vector<16xf32>,
          %gather3A_667 = tpu.vector_load_idx %arg7[%get3A_645] : memref<16384xf32, #tpu.memory_space<vmem>>[vector<16xi32>], vector<16xf32>,
          %gather3A_668 = tpu.vector_load_idx %arg8[%get3A_645] : memref<16384xf32, #tpu.memory_space<vmem>>[vector<16xi32>], vector<16xf32>,
          %gather3A_669 = tpu.vector_load_idx %arg9[%get3A_645] : memref<16384xf32, #tpu.memory_space<vmem>>[vector<16xi32>], vector<16xf32>,
          %max3A_670 = arith.maximumf %gather3A_667, %get3A_652 : vector<16xf32>
          tpu.vector_store_idx %arg7[%get3A_645], %max3A_670 : memref<16384xf32, #tpu.memory_space<vmem>>[vector<16xi32>], vector<16xf32>,
          %max3A_671 = arith.maximumf %gather3A_668, %get3A_659 : vector<16xf32>
          tpu.vector_store_idx %arg8[%get3A_645], %max3A_671 : memref<16384xf32, #tpu.memory_space<vmem>>[vector<16xi32>], vector<16xf32>,
          %max3A_672 = arith.maximumf %gather3A_669, %get3A_666 : vector<16xf32>
          tpu.vector_store_idx %arg9[%get3A_645], %max3A_672 : memref<16384xf32, #tpu.memory_space<vmem>>[vector<16xi32>], vector<16xf32>,
          %add3A_673 = arith.constant 144 : i32
          %add3A_674 = arith.addi %add3A_396, %add3A_673 : i32
          %get3A_675 = arith.index_cast %add3A_674 : i32 to index
          %get3A_676 = tpu.vector_load %arg5[%get3A_675] {strides = array<i32>} : memref<50176xi32, #tpu.memory_space<vmem>>, vector<16xi32>,
          %get3A_677 = arith.constant 0 : i32
          %get3A_678 = arith.constant 0 : i32
          %get3A_679 = tpu.memref_slice %arg6[%scan3A_105, %get3A_677, %get3A_678] : memref<6x8x224xf32, #tpu.memory_space<vmem>> -> memref<1x8x224xf32, #tpu.memory_space<vmem>>
          %get3A_680 = tpu.memref_squeeze %get3A_679 : memref<1x8x224xf32, #tpu.memory_space<vmem>> -> memref<8x224xf32, #tpu.memory_space<vmem>>
          %get3A_681 = arith.index_cast %scan3A_391 : i32 to index
          %get3A_682 = arith.constant 144 : index
          %get3A_683 = tpu.vector_load %get3A_680[%get3A_681, %get3A_682] {strides = array<i32>} : memref<8x224xf32, #tpu.memory_space<vmem>>, vector<16xf32>,
          %get3A_684 = arith.constant 0 : i32
          %get3A_685 = arith.constant 0 : i32
          %get3A_686 = tpu.memref_slice %arg6[%scan3A_106, %get3A_684, %get3A_685] : memref<6x8x224xf32, #tpu.memory_space<vmem>> -> memref<1x8x224xf32, #tpu.memory_space<vmem>>
          %get3A_687 = tpu.memref_squeeze %get3A_686 : memref<1x8x224xf32, #tpu.memory_space<vmem>> -> memref<8x224xf32, #tpu.memory_space<vmem>>
          %get3A_688 = arith.index_cast %scan3A_391 : i32 to index
          %get3A_689 = arith.constant 144 : index
          %get3A_690 = tpu.vector_load %get3A_687[%get3A_688, %get3A_689] {strides = array<i32>} : memref<8x224xf32, #tpu.memory_space<vmem>>, vector<16xf32>,
          %get3A_691 = arith.constant 0 : i32
          %get3A_692 = arith.constant 0 : i32
          %get3A_693 = tpu.memref_slice %arg6[%scan3A_107, %get3A_691, %get3A_692] : memref<6x8x224xf32, #tpu.memory_space<vmem>> -> memref<1x8x224xf32, #tpu.memory_space<vmem>>
          %get3A_694 = tpu.memref_squeeze %get3A_693 : memref<1x8x224xf32, #tpu.memory_space<vmem>> -> memref<8x224xf32, #tpu.memory_space<vmem>>
          %get3A_695 = arith.index_cast %scan3A_391 : i32 to index
          %get3A_696 = arith.constant 144 : index
          %get3A_697 = tpu.vector_load %get3A_694[%get3A_695, %get3A_696] {strides = array<i32>} : memref<8x224xf32, #tpu.memory_space<vmem>>, vector<16xf32>,
          %gather3A_698 = tpu.vector_load_idx %arg7[%get3A_676] : memref<16384xf32, #tpu.memory_space<vmem>>[vector<16xi32>], vector<16xf32>,
          %gather3A_699 = tpu.vector_load_idx %arg8[%get3A_676] : memref<16384xf32, #tpu.memory_space<vmem>>[vector<16xi32>], vector<16xf32>,
          %gather3A_700 = tpu.vector_load_idx %arg9[%get3A_676] : memref<16384xf32, #tpu.memory_space<vmem>>[vector<16xi32>], vector<16xf32>,
          %max3A_701 = arith.maximumf %gather3A_698, %get3A_683 : vector<16xf32>
          tpu.vector_store_idx %arg7[%get3A_676], %max3A_701 : memref<16384xf32, #tpu.memory_space<vmem>>[vector<16xi32>], vector<16xf32>,
          %max3A_702 = arith.maximumf %gather3A_699, %get3A_690 : vector<16xf32>
          tpu.vector_store_idx %arg8[%get3A_676], %max3A_702 : memref<16384xf32, #tpu.memory_space<vmem>>[vector<16xi32>], vector<16xf32>,
          %max3A_703 = arith.maximumf %gather3A_700, %get3A_697 : vector<16xf32>
          tpu.vector_store_idx %arg9[%get3A_676], %max3A_703 : memref<16384xf32, #tpu.memory_space<vmem>>[vector<16xi32>], vector<16xf32>,
          %add3A_704 = arith.constant 160 : i32
          %add3A_705 = arith.addi %add3A_396, %add3A_704 : i32
          %get3A_706 = arith.index_cast %add3A_705 : i32 to index
          %get3A_707 = tpu.vector_load %arg5[%get3A_706] {strides = array<i32>} : memref<50176xi32, #tpu.memory_space<vmem>>, vector<16xi32>,
          %get3A_708 = arith.constant 0 : i32
          %get3A_709 = arith.constant 0 : i32
          %get3A_710 = tpu.memref_slice %arg6[%scan3A_105, %get3A_708, %get3A_709] : memref<6x8x224xf32, #tpu.memory_space<vmem>> -> memref<1x8x224xf32, #tpu.memory_space<vmem>>
          %get3A_711 = tpu.memref_squeeze %get3A_710 : memref<1x8x224xf32, #tpu.memory_space<vmem>> -> memref<8x224xf32, #tpu.memory_space<vmem>>
          %get3A_712 = arith.index_cast %scan3A_391 : i32 to index
          %get3A_713 = arith.constant 160 : index
          %get3A_714 = tpu.vector_load %get3A_711[%get3A_712, %get3A_713] {strides = array<i32>} : memref<8x224xf32, #tpu.memory_space<vmem>>, vector<16xf32>,
          %get3A_715 = arith.constant 0 : i32
          %get3A_716 = arith.constant 0 : i32
          %get3A_717 = tpu.memref_slice %arg6[%scan3A_106, %get3A_715, %get3A_716] : memref<6x8x224xf32, #tpu.memory_space<vmem>> -> memref<1x8x224xf32, #tpu.memory_space<vmem>>
          %get3A_718 = tpu.memref_squeeze %get3A_717 : memref<1x8x224xf32, #tpu.memory_space<vmem>> -> memref<8x224xf32, #tpu.memory_space<vmem>>
          %get3A_719 = arith.index_cast %scan3A_391 : i32 to index
          %get3A_720 = arith.constant 160 : index
          %get3A_721 = tpu.vector_load %get3A_718[%get3A_719, %get3A_720] {strides = array<i32>} : memref<8x224xf32, #tpu.memory_space<vmem>>, vector<16xf32>,
          %get3A_722 = arith.constant 0 : i32
          %get3A_723 = arith.constant 0 : i32
          %get3A_724 = tpu.memref_slice %arg6[%scan3A_107, %get3A_722, %get3A_723] : memref<6x8x224xf32, #tpu.memory_space<vmem>> -> memref<1x8x224xf32, #tpu.memory_space<vmem>>
          %get3A_725 = tpu.memref_squeeze %get3A_724 : memref<1x8x224xf32, #tpu.memory_space<vmem>> -> memref<8x224xf32, #tpu.memory_space<vmem>>
          %get3A_726 = arith.index_cast %scan3A_391 : i32 to index
          %get3A_727 = arith.constant 160 : index
          %get3A_728 = tpu.vector_load %get3A_725[%get3A_726, %get3A_727] {strides = array<i32>} : memref<8x224xf32, #tpu.memory_space<vmem>>, vector<16xf32>,
          %gather3A_729 = tpu.vector_load_idx %arg7[%get3A_707] : memref<16384xf32, #tpu.memory_space<vmem>>[vector<16xi32>], vector<16xf32>,
          %gather3A_730 = tpu.vector_load_idx %arg8[%get3A_707] : memref<16384xf32, #tpu.memory_space<vmem>>[vector<16xi32>], vector<16xf32>,
          %gather3A_731 = tpu.vector_load_idx %arg9[%get3A_707] : memref<16384xf32, #tpu.memory_space<vmem>>[vector<16xi32>], vector<16xf32>,
          %max3A_732 = arith.maximumf %gather3A_729, %get3A_714 : vector<16xf32>
          tpu.vector_store_idx %arg7[%get3A_707], %max3A_732 : memref<16384xf32, #tpu.memory_space<vmem>>[vector<16xi32>], vector<16xf32>,
          %max3A_733 = arith.maximumf %gather3A_730, %get3A_721 : vector<16xf32>
          tpu.vector_store_idx %arg8[%get3A_707], %max3A_733 : memref<16384xf32, #tpu.memory_space<vmem>>[vector<16xi32>], vector<16xf32>,
          %max3A_734 = arith.maximumf %gather3A_731, %get3A_728 : vector<16xf32>
          tpu.vector_store_idx %arg9[%get3A_707], %max3A_734 : memref<16384xf32, #tpu.memory_space<vmem>>[vector<16xi32>], vector<16xf32>,
          %add3A_735 = arith.constant 176 : i32
          %add3A_736 = arith.addi %add3A_396, %add3A_735 : i32
          %get3A_737 = arith.index_cast %add3A_736 : i32 to index
          %get3A_738 = tpu.vector_load %arg5[%get3A_737] {strides = array<i32>} : memref<50176xi32, #tpu.memory_space<vmem>>, vector<16xi32>,
          %get3A_739 = arith.constant 0 : i32
          %get3A_740 = arith.constant 0 : i32
          %get3A_741 = tpu.memref_slice %arg6[%scan3A_105, %get3A_739, %get3A_740] : memref<6x8x224xf32, #tpu.memory_space<vmem>> -> memref<1x8x224xf32, #tpu.memory_space<vmem>>
          %get3A_742 = tpu.memref_squeeze %get3A_741 : memref<1x8x224xf32, #tpu.memory_space<vmem>> -> memref<8x224xf32, #tpu.memory_space<vmem>>
          %get3A_743 = arith.index_cast %scan3A_391 : i32 to index
          %get3A_744 = arith.constant 176 : index
          %get3A_745 = tpu.vector_load %get3A_742[%get3A_743, %get3A_744] {strides = array<i32>} : memref<8x224xf32, #tpu.memory_space<vmem>>, vector<16xf32>,
          %get3A_746 = arith.constant 0 : i32
          %get3A_747 = arith.constant 0 : i32
          %get3A_748 = tpu.memref_slice %arg6[%scan3A_106, %get3A_746, %get3A_747] : memref<6x8x224xf32, #tpu.memory_space<vmem>> -> memref<1x8x224xf32, #tpu.memory_space<vmem>>
          %get3A_749 = tpu.memref_squeeze %get3A_748 : memref<1x8x224xf32, #tpu.memory_space<vmem>> -> memref<8x224xf32, #tpu.memory_space<vmem>>
          %get3A_750 = arith.index_cast %scan3A_391 : i32 to index
          %get3A_751 = arith.constant 176 : index
          %get3A_752 = tpu.vector_load %get3A_749[%get3A_750, %get3A_751] {strides = array<i32>} : memref<8x224xf32, #tpu.memory_space<vmem>>, vector<16xf32>,
          %get3A_753 = arith.constant 0 : i32
          %get3A_754 = arith.constant 0 : i32
          %get3A_755 = tpu.memref_slice %arg6[%scan3A_107, %get3A_753, %get3A_754] : memref<6x8x224xf32, #tpu.memory_space<vmem>> -> memref<1x8x224xf32, #tpu.memory_space<vmem>>
          %get3A_756 = tpu.memref_squeeze %get3A_755 : memref<1x8x224xf32, #tpu.memory_space<vmem>> -> memref<8x224xf32, #tpu.memory_space<vmem>>
          %get3A_757 = arith.index_cast %scan3A_391 : i32 to index
          %get3A_758 = arith.constant 176 : index
          %get3A_759 = tpu.vector_load %get3A_756[%get3A_757, %get3A_758] {strides = array<i32>} : memref<8x224xf32, #tpu.memory_space<vmem>>, vector<16xf32>,
          %gather3A_760 = tpu.vector_load_idx %arg7[%get3A_738] : memref<16384xf32, #tpu.memory_space<vmem>>[vector<16xi32>], vector<16xf32>,
          %gather3A_761 = tpu.vector_load_idx %arg8[%get3A_738] : memref<16384xf32, #tpu.memory_space<vmem>>[vector<16xi32>], vector<16xf32>,
          %gather3A_762 = tpu.vector_load_idx %arg9[%get3A_738] : memref<16384xf32, #tpu.memory_space<vmem>>[vector<16xi32>], vector<16xf32>,
          %max3A_763 = arith.maximumf %gather3A_760, %get3A_745 : vector<16xf32>
          tpu.vector_store_idx %arg7[%get3A_738], %max3A_763 : memref<16384xf32, #tpu.memory_space<vmem>>[vector<16xi32>], vector<16xf32>,
          %max3A_764 = arith.maximumf %gather3A_761, %get3A_752 : vector<16xf32>
          tpu.vector_store_idx %arg8[%get3A_738], %max3A_764 : memref<16384xf32, #tpu.memory_space<vmem>>[vector<16xi32>], vector<16xf32>,
          %max3A_765 = arith.maximumf %gather3A_762, %get3A_759 : vector<16xf32>
          tpu.vector_store_idx %arg9[%get3A_738], %max3A_765 : memref<16384xf32, #tpu.memory_space<vmem>>[vector<16xi32>], vector<16xf32>,
          %add3A_766 = arith.constant 192 : i32
          %add3A_767 = arith.addi %add3A_396, %add3A_766 : i32
          %get3A_768 = arith.index_cast %add3A_767 : i32 to index
          %get3A_769 = tpu.vector_load %arg5[%get3A_768] {strides = array<i32>} : memref<50176xi32, #tpu.memory_space<vmem>>, vector<16xi32>,
          %get3A_770 = arith.constant 0 : i32
          %get3A_771 = arith.constant 0 : i32
          %get3A_772 = tpu.memref_slice %arg6[%scan3A_105, %get3A_770, %get3A_771] : memref<6x8x224xf32, #tpu.memory_space<vmem>> -> memref<1x8x224xf32, #tpu.memory_space<vmem>>
          %get3A_773 = tpu.memref_squeeze %get3A_772 : memref<1x8x224xf32, #tpu.memory_space<vmem>> -> memref<8x224xf32, #tpu.memory_space<vmem>>
          %get3A_774 = arith.index_cast %scan3A_391 : i32 to index
          %get3A_775 = arith.constant 192 : index
          %get3A_776 = tpu.vector_load %get3A_773[%get3A_774, %get3A_775] {strides = array<i32>} : memref<8x224xf32, #tpu.memory_space<vmem>>, vector<16xf32>,
          %get3A_777 = arith.constant 0 : i32
          %get3A_778 = arith.constant 0 : i32
          %get3A_779 = tpu.memref_slice %arg6[%scan3A_106, %get3A_777, %get3A_778] : memref<6x8x224xf32, #tpu.memory_space<vmem>> -> memref<1x8x224xf32, #tpu.memory_space<vmem>>
          %get3A_780 = tpu.memref_squeeze %get3A_779 : memref<1x8x224xf32, #tpu.memory_space<vmem>> -> memref<8x224xf32, #tpu.memory_space<vmem>>
          %get3A_781 = arith.index_cast %scan3A_391 : i32 to index
          %get3A_782 = arith.constant 192 : index
          %get3A_783 = tpu.vector_load %get3A_780[%get3A_781, %get3A_782] {strides = array<i32>} : memref<8x224xf32, #tpu.memory_space<vmem>>, vector<16xf32>,
          %get3A_784 = arith.constant 0 : i32
          %get3A_785 = arith.constant 0 : i32
          %get3A_786 = tpu.memref_slice %arg6[%scan3A_107, %get3A_784, %get3A_785] : memref<6x8x224xf32, #tpu.memory_space<vmem>> -> memref<1x8x224xf32, #tpu.memory_space<vmem>>
          %get3A_787 = tpu.memref_squeeze %get3A_786 : memref<1x8x224xf32, #tpu.memory_space<vmem>> -> memref<8x224xf32, #tpu.memory_space<vmem>>
          %get3A_788 = arith.index_cast %scan3A_391 : i32 to index
          %get3A_789 = arith.constant 192 : index
          %get3A_790 = tpu.vector_load %get3A_787[%get3A_788, %get3A_789] {strides = array<i32>} : memref<8x224xf32, #tpu.memory_space<vmem>>, vector<16xf32>,
          %gather3A_791 = tpu.vector_load_idx %arg7[%get3A_769] : memref<16384xf32, #tpu.memory_space<vmem>>[vector<16xi32>], vector<16xf32>,
          %gather3A_792 = tpu.vector_load_idx %arg8[%get3A_769] : memref<16384xf32, #tpu.memory_space<vmem>>[vector<16xi32>], vector<16xf32>,
          %gather3A_793 = tpu.vector_load_idx %arg9[%get3A_769] : memref<16384xf32, #tpu.memory_space<vmem>>[vector<16xi32>], vector<16xf32>,
          %max3A_794 = arith.maximumf %gather3A_791, %get3A_776 : vector<16xf32>
          tpu.vector_store_idx %arg7[%get3A_769], %max3A_794 : memref<16384xf32, #tpu.memory_space<vmem>>[vector<16xi32>], vector<16xf32>,
          %max3A_795 = arith.maximumf %gather3A_792, %get3A_783 : vector<16xf32>
          tpu.vector_store_idx %arg8[%get3A_769], %max3A_795 : memref<16384xf32, #tpu.memory_space<vmem>>[vector<16xi32>], vector<16xf32>,
          %max3A_796 = arith.maximumf %gather3A_793, %get3A_790 : vector<16xf32>
          tpu.vector_store_idx %arg9[%get3A_769], %max3A_796 : memref<16384xf32, #tpu.memory_space<vmem>>[vector<16xi32>], vector<16xf32>,
          %add3A_797 = arith.constant 208 : i32
          %add3A_798 = arith.addi %add3A_396, %add3A_797 : i32
          %get3A_799 = arith.index_cast %add3A_798 : i32 to index
          %get3A_800 = tpu.vector_load %arg5[%get3A_799] {strides = array<i32>} : memref<50176xi32, #tpu.memory_space<vmem>>, vector<16xi32>,
          %get3A_801 = arith.constant 0 : i32
          %get3A_802 = arith.constant 0 : i32
          %get3A_803 = tpu.memref_slice %arg6[%scan3A_105, %get3A_801, %get3A_802] : memref<6x8x224xf32, #tpu.memory_space<vmem>> -> memref<1x8x224xf32, #tpu.memory_space<vmem>>
          %get3A_804 = tpu.memref_squeeze %get3A_803 : memref<1x8x224xf32, #tpu.memory_space<vmem>> -> memref<8x224xf32, #tpu.memory_space<vmem>>
          %get3A_805 = arith.index_cast %scan3A_391 : i32 to index
          %get3A_806 = arith.constant 208 : index
          %get3A_807 = tpu.vector_load %get3A_804[%get3A_805, %get3A_806] {strides = array<i32>} : memref<8x224xf32, #tpu.memory_space<vmem>>, vector<16xf32>,
          %get3A_808 = arith.constant 0 : i32
          %get3A_809 = arith.constant 0 : i32
          %get3A_810 = tpu.memref_slice %arg6[%scan3A_106, %get3A_808, %get3A_809] : memref<6x8x224xf32, #tpu.memory_space<vmem>> -> memref<1x8x224xf32, #tpu.memory_space<vmem>>
          %get3A_811 = tpu.memref_squeeze %get3A_810 : memref<1x8x224xf32, #tpu.memory_space<vmem>> -> memref<8x224xf32, #tpu.memory_space<vmem>>
          %get3A_812 = arith.index_cast %scan3A_391 : i32 to index
          %get3A_813 = arith.constant 208 : index
          %get3A_814 = tpu.vector_load %get3A_811[%get3A_812, %get3A_813] {strides = array<i32>} : memref<8x224xf32, #tpu.memory_space<vmem>>, vector<16xf32>,
          %get3A_815 = arith.constant 0 : i32
          %get3A_816 = arith.constant 0 : i32
          %get3A_817 = tpu.memref_slice %arg6[%scan3A_107, %get3A_815, %get3A_816] : memref<6x8x224xf32, #tpu.memory_space<vmem>> -> memref<1x8x224xf32, #tpu.memory_space<vmem>>
          %get3A_818 = tpu.memref_squeeze %get3A_817 : memref<1x8x224xf32, #tpu.memory_space<vmem>> -> memref<8x224xf32, #tpu.memory_space<vmem>>
          %get3A_819 = arith.index_cast %scan3A_391 : i32 to index
          %get3A_820 = arith.constant 208 : index
          %get3A_821 = tpu.vector_load %get3A_818[%get3A_819, %get3A_820] {strides = array<i32>} : memref<8x224xf32, #tpu.memory_space<vmem>>, vector<16xf32>,
          %gather3A_822 = tpu.vector_load_idx %arg7[%get3A_800] : memref<16384xf32, #tpu.memory_space<vmem>>[vector<16xi32>], vector<16xf32>,
          %gather3A_823 = tpu.vector_load_idx %arg8[%get3A_800] : memref<16384xf32, #tpu.memory_space<vmem>>[vector<16xi32>], vector<16xf32>,
          %gather3A_824 = tpu.vector_load_idx %arg9[%get3A_800] : memref<16384xf32, #tpu.memory_space<vmem>>[vector<16xi32>], vector<16xf32>,
          %max3A_825 = arith.maximumf %gather3A_822, %get3A_807 : vector<16xf32>
          tpu.vector_store_idx %arg7[%get3A_800], %max3A_825 : memref<16384xf32, #tpu.memory_space<vmem>>[vector<16xi32>], vector<16xf32>,
          %max3A_826 = arith.maximumf %gather3A_823, %get3A_814 : vector<16xf32>
          tpu.vector_store_idx %arg8[%get3A_800], %max3A_826 : memref<16384xf32, #tpu.memory_space<vmem>>[vector<16xi32>], vector<16xf32>,
          %max3A_827 = arith.maximumf %gather3A_824, %get3A_821 : vector<16xf32>
          tpu.vector_store_idx %arg9[%get3A_800], %max3A_827 : memref<16384xf32, #tpu.memory_space<vmem>>[vector<16xi32>], vector<16xf32>,
        }
        %scan3A_323 = arith.constant 8 : i32
        %add3A_324 = arith.constant 0 : i32
        %add3A_325 = arith.addi %add3A_134, %add3A_324 : i32
        %dma_wait3A_326 = arith.constant 0 : i32
        %dma_wait3A_327 = arith.constant 0 : i32
        %dma_wait3A_328 = tpu.memref_slice %arg6[%scan3A_108, %dma_wait3A_326, %dma_wait3A_327] : memref<6x8x224xf32, #tpu.memory_space<vmem>> -> memref<1x8x224xf32, #tpu.memory_space<vmem>>
        %dma_wait3A_329 = tpu.memref_squeeze %dma_wait3A_328 : memref<1x8x224xf32, #tpu.memory_space<vmem>> -> memref<8x224xf32, #tpu.memory_space<vmem>>
        %dma_wait3A_330 = arith.constant 0 : i32
        %dma_wait3A_331 = arith.constant 0 : i32
        %dma_wait3A_332 = tpu.memref_slice %arg2[%select_n3A, %add3A_325, %dma_wait3A_330, %dma_wait3A_331] : memref<4x192x224x224xf32, #tpu.memory_space<hbm>> -> memref<1x1x8x224xf32, #tpu.memory_space<hbm>>
        %dma_wait3A_333 = tpu.memref_squeeze %dma_wait3A_332 : memref<1x1x8x224xf32, #tpu.memory_space<hbm>> -> memref<8x224xf32, #tpu.memory_space<hbm>>
        %dma_wait3A_334 = arith.constant 0 : i32
        %dma_wait3A_335 = arith.constant 0 : i32
        %dma_wait3A_336 = tpu.memref_slice %arg6[%scan3A_108, %dma_wait3A_334, %dma_wait3A_335] : memref<6x8x224xf32, #tpu.memory_space<vmem>> -> memref<1x8x224xf32, #tpu.memory_space<vmem>>
        %dma_wait3A_337 = tpu.memref_squeeze %dma_wait3A_336 : memref<1x8x224xf32, #tpu.memory_space<vmem>> -> memref<8x224xf32, #tpu.memory_space<vmem>>
        %dma_wait3A_338 = arith.constant 0 : i32
        %dma_wait3A_339 = arith.constant 0 : i32
        %dma_wait3A_340 = tpu.memref_slice %arg2[%select_n3A, %add3A_325, %dma_wait3A_338, %dma_wait3A_339] : memref<4x192x224x224xf32, #tpu.memory_space<hbm>> -> memref<1x1x8x224xf32, #tpu.memory_space<hbm>>
        %dma_wait3A_341 = tpu.memref_squeeze %dma_wait3A_340 : memref<1x1x8x224xf32, #tpu.memory_space<hbm>> -> memref<8x224xf32, #tpu.memory_space<hbm>>
        tpu.wait_dma2 semaphore(%arg15 : memref<!tpu.dma_semaphore, #tpu.memory_space<semaphore_mem>>) src(%dma_wait3A_341 : memref<8x224xf32, #tpu.memory_space<hbm>>) dst(%dma_wait3A_337 : memref<8x224xf32, #tpu.memory_space<vmem>>)
        %add3A_342 = arith.constant 1 : i32
        %add3A_343 = arith.addi %add3A_134, %add3A_342 : i32
        %dma_wait3A_344 = arith.constant 0 : i32
        %dma_wait3A_345 = arith.constant 0 : i32
        %dma_wait3A_346 = tpu.memref_slice %arg6[%scan3A_109, %dma_wait3A_344, %dma_wait3A_345] : memref<6x8x224xf32, #tpu.memory_space<vmem>> -> memref<1x8x224xf32, #tpu.memory_space<vmem>>
        %dma_wait3A_347 = tpu.memref_squeeze %dma_wait3A_346 : memref<1x8x224xf32, #tpu.memory_space<vmem>> -> memref<8x224xf32, #tpu.memory_space<vmem>>
        %dma_wait3A_348 = arith.constant 0 : i32
        %dma_wait3A_349 = arith.constant 0 : i32
        %dma_wait3A_350 = tpu.memref_slice %arg2[%select_n3A, %add3A_343, %dma_wait3A_348, %dma_wait3A_349] : memref<4x192x224x224xf32, #tpu.memory_space<hbm>> -> memref<1x1x8x224xf32, #tpu.memory_space<hbm>>
        %dma_wait3A_351 = tpu.memref_squeeze %dma_wait3A_350 : memref<1x1x8x224xf32, #tpu.memory_space<hbm>> -> memref<8x224xf32, #tpu.memory_space<hbm>>
        %dma_wait3A_352 = arith.constant 0 : i32
        %dma_wait3A_353 = arith.constant 0 : i32
        %dma_wait3A_354 = tpu.memref_slice %arg6[%scan3A_109, %dma_wait3A_352, %dma_wait3A_353] : memref<6x8x224xf32, #tpu.memory_space<vmem>> -> memref<1x8x224xf32, #tpu.memory_space<vmem>>
        %dma_wait3A_355 = tpu.memref_squeeze %dma_wait3A_354 : memref<1x8x224xf32, #tpu.memory_space<vmem>> -> memref<8x224xf32, #tpu.memory_space<vmem>>
        %dma_wait3A_356 = arith.constant 0 : i32
        %dma_wait3A_357 = arith.constant 0 : i32
        %dma_wait3A_358 = tpu.memref_slice %arg2[%select_n3A, %add3A_343, %dma_wait3A_356, %dma_wait3A_357] : memref<4x192x224x224xf32, #tpu.memory_space<hbm>> -> memref<1x1x8x224xf32, #tpu.memory_space<hbm>>
        %dma_wait3A_359 = tpu.memref_squeeze %dma_wait3A_358 : memref<1x1x8x224xf32, #tpu.memory_space<hbm>> -> memref<8x224xf32, #tpu.memory_space<hbm>>
        tpu.wait_dma2 semaphore(%arg16 : memref<!tpu.dma_semaphore, #tpu.memory_space<semaphore_mem>>) src(%dma_wait3A_359 : memref<8x224xf32, #tpu.memory_space<hbm>>) dst(%dma_wait3A_355 : memref<8x224xf32, #tpu.memory_space<vmem>>)
        %add3A_360 = arith.constant 2 : i32
        %add3A_361 = arith.addi %add3A_134, %add3A_360 : i32
        %dma_wait3A_362 = arith.constant 0 : i32
        %dma_wait3A_363 = arith.constant 0 : i32
        %dma_wait3A_364 = tpu.memref_slice %arg6[%scan3A_110, %dma_wait3A_362, %dma_wait3A_363] : memref<6x8x224xf32, #tpu.memory_space<vmem>> -> memref<1x8x224xf32, #tpu.memory_space<vmem>>
        %dma_wait3A_365 = tpu.memref_squeeze %dma_wait3A_364 : memref<1x8x224xf32, #tpu.memory_space<vmem>> -> memref<8x224xf32, #tpu.memory_space<vmem>>
        %dma_wait3A_366 = arith.constant 0 : i32
        %dma_wait3A_367 = arith.constant 0 : i32
        %dma_wait3A_368 = tpu.memref_slice %arg2[%select_n3A, %add3A_361, %dma_wait3A_366, %dma_wait3A_367] : memref<4x192x224x224xf32, #tpu.memory_space<hbm>> -> memref<1x1x8x224xf32, #tpu.memory_space<hbm>>
        %dma_wait3A_369 = tpu.memref_squeeze %dma_wait3A_368 : memref<1x1x8x224xf32, #tpu.memory_space<hbm>> -> memref<8x224xf32, #tpu.memory_space<hbm>>
        %dma_wait3A_370 = arith.constant 0 : i32
        %dma_wait3A_371 = arith.constant 0 : i32
        %dma_wait3A_372 = tpu.memref_slice %arg6[%scan3A_110, %dma_wait3A_370, %dma_wait3A_371] : memref<6x8x224xf32, #tpu.memory_space<vmem>> -> memref<1x8x224xf32, #tpu.memory_space<vmem>>
        %dma_wait3A_373 = tpu.memref_squeeze %dma_wait3A_372 : memref<1x8x224xf32, #tpu.memory_space<vmem>> -> memref<8x224xf32, #tpu.memory_space<vmem>>
        %dma_wait3A_374 = arith.constant 0 : i32
        %dma_wait3A_375 = arith.constant 0 : i32
        %dma_wait3A_376 = tpu.memref_slice %arg2[%select_n3A, %add3A_361, %dma_wait3A_374, %dma_wait3A_375] : memref<4x192x224x224xf32, #tpu.memory_space<hbm>> -> memref<1x1x8x224xf32, #tpu.memory_space<hbm>>
        %dma_wait3A_377 = tpu.memref_squeeze %dma_wait3A_376 : memref<1x1x8x224xf32, #tpu.memory_space<hbm>> -> memref<8x224xf32, #tpu.memory_space<hbm>>
        tpu.wait_dma2 semaphore(%arg17 : memref<!tpu.dma_semaphore, #tpu.memory_space<semaphore_mem>>) src(%dma_wait3A_377 : memref<8x224xf32, #tpu.memory_space<hbm>>) dst(%dma_wait3A_373 : memref<8x224xf32, #tpu.memory_space<vmem>>)
        %lt3A_378 = arith.constant 13 : i32
        %lt3A_379 = arith.cmpi slt, %scan3A_205, %lt3A_378 : i32
        %convert_element_type3A_380 = arith.extui %lt3A_379 : i1 to i32
        %cond3A_381 = arith.constant 0 : i32
        %cond3A_382 = arith.cmpi ne, %convert_element_type3A_380, %cond3A_381 : i32
        scf.if %cond3A_382 {
          %add3A_391 = arith.constant 2 : i32
          %add3A_392 = arith.addi %mul3A_207, %add3A_391 : i32
          %add3A_393 = arith.constant 0 : i32
          %add3A_394 = arith.addi %add3A_134, %add3A_393 : i32
          %mul3A_395 = arith.constant 8 : i32
          %mul3A_396 = arith.muli %add3A_392, %mul3A_395 : i32
          %dma_start3A_397 = arith.constant 0 : i32
          %dma_start3A_398 = arith.constant 0 : i32
          %dma_start3A_399 = tpu.memref_slice %arg6[%scan3A_105, %dma_start3A_397, %dma_start3A_398] : memref<6x8x224xf32, #tpu.memory_space<vmem>> -> memref<1x8x224xf32, #tpu.memory_space<vmem>>
          %dma_start3A_400 = tpu.memref_squeeze %dma_start3A_399 : memref<1x8x224xf32, #tpu.memory_space<vmem>> -> memref<8x224xf32, #tpu.memory_space<vmem>>
          %dma_start3A_401 = arith.constant 0 : i32
          %dma_start3A_402 = tpu.memref_slice %arg2[%select_n3A, %add3A_394, %mul3A_396, %dma_start3A_401] : memref<4x192x224x224xf32, #tpu.memory_space<hbm>> -> memref<1x1x8x224xf32, #tpu.memory_space<hbm>>
          %dma_start3A_403 = tpu.memref_squeeze %dma_start3A_402 : memref<1x1x8x224xf32, #tpu.memory_space<hbm>> -> memref<8x224xf32, #tpu.memory_space<hbm>>
          %dma_start3A_404 = arith.constant 0 : i32
          %dma_start3A_405 = arith.constant 0 : i32
          %dma_start3A_406 = tpu.memref_slice %arg6[%scan3A_105, %dma_start3A_404, %dma_start3A_405] : memref<6x8x224xf32, #tpu.memory_space<vmem>> -> memref<1x8x224xf32, #tpu.memory_space<vmem>>
          %dma_start3A_407 = tpu.memref_squeeze %dma_start3A_406 : memref<1x8x224xf32, #tpu.memory_space<vmem>> -> memref<8x224xf32, #tpu.memory_space<vmem>>
          %dma_start3A_408 = arith.constant 0 : i32
          %dma_start3A_409 = tpu.memref_slice %arg2[%select_n3A, %add3A_394, %mul3A_396, %dma_start3A_408] : memref<4x192x224x224xf32, #tpu.memory_space<hbm>> -> memref<1x1x8x224xf32, #tpu.memory_space<hbm>>
          %dma_start3A_410 = tpu.memref_squeeze %dma_start3A_409 : memref<1x1x8x224xf32, #tpu.memory_space<hbm>> -> memref<8x224xf32, #tpu.memory_space<hbm>>
          tpu.enqueue_dma source(%dma_start3A_410 : memref<8x224xf32, #tpu.memory_space<hbm>>) target(%dma_start3A_407 : memref<8x224xf32, #tpu.memory_space<vmem>>) target_semaphore(%arg12 : memref<!tpu.dma_semaphore, #tpu.memory_space<semaphore_mem>>)
          %add3A_411 = arith.constant 1 : i32
          %add3A_412 = arith.addi %add3A_134, %add3A_411 : i32
          %mul3A_413 = arith.constant 8 : i32
          %mul3A_414 = arith.muli %add3A_392, %mul3A_413 : i32
          %dma_start3A_415 = arith.constant 0 : i32
          %dma_start3A_416 = arith.constant 0 : i32
          %dma_start3A_417 = tpu.memref_slice %arg6[%scan3A_106, %dma_start3A_415, %dma_start3A_416] : memref<6x8x224xf32, #tpu.memory_space<vmem>> -> memref<1x8x224xf32, #tpu.memory_space<vmem>>
          %dma_start3A_418 = tpu.memref_squeeze %dma_start3A_417 : memref<1x8x224xf32, #tpu.memory_space<vmem>> -> memref<8x224xf32, #tpu.memory_space<vmem>>
          %dma_start3A_419 = arith.constant 0 : i32
          %dma_start3A_420 = tpu.memref_slice %arg2[%select_n3A, %add3A_412, %mul3A_414, %dma_start3A_419] : memref<4x192x224x224xf32, #tpu.memory_space<hbm>> -> memref<1x1x8x224xf32, #tpu.memory_space<hbm>>
          %dma_start3A_421 = tpu.memref_squeeze %dma_start3A_420 : memref<1x1x8x224xf32, #tpu.memory_space<hbm>> -> memref<8x224xf32, #tpu.memory_space<hbm>>
          %dma_start3A_422 = arith.constant 0 : i32
          %dma_start3A_423 = arith.constant 0 : i32
          %dma_start3A_424 = tpu.memref_slice %arg6[%scan3A_106, %dma_start3A_422, %dma_start3A_423] : memref<6x8x224xf32, #tpu.memory_space<vmem>> -> memref<1x8x224xf32, #tpu.memory_space<vmem>>
          %dma_start3A_425 = tpu.memref_squeeze %dma_start3A_424 : memref<1x8x224xf32, #tpu.memory_space<vmem>> -> memref<8x224xf32, #tpu.memory_space<vmem>>
          %dma_start3A_426 = arith.constant 0 : i32
          %dma_start3A_427 = tpu.memref_slice %arg2[%select_n3A, %add3A_412, %mul3A_414, %dma_start3A_426] : memref<4x192x224x224xf32, #tpu.memory_space<hbm>> -> memref<1x1x8x224xf32, #tpu.memory_space<hbm>>
          %dma_start3A_428 = tpu.memref_squeeze %dma_start3A_427 : memref<1x1x8x224xf32, #tpu.memory_space<hbm>> -> memref<8x224xf32, #tpu.memory_space<hbm>>
          tpu.enqueue_dma source(%dma_start3A_428 : memref<8x224xf32, #tpu.memory_space<hbm>>) target(%dma_start3A_425 : memref<8x224xf32, #tpu.memory_space<vmem>>) target_semaphore(%arg13 : memref<!tpu.dma_semaphore, #tpu.memory_space<semaphore_mem>>)
          %add3A_429 = arith.constant 2 : i32
          %add3A_430 = arith.addi %add3A_134, %add3A_429 : i32
          %mul3A_431 = arith.constant 8 : i32
          %mul3A_432 = arith.muli %add3A_392, %mul3A_431 : i32
          %dma_start3A_433 = arith.constant 0 : i32
          %dma_start3A_434 = arith.constant 0 : i32
          %dma_start3A_435 = tpu.memref_slice %arg6[%scan3A_107, %dma_start3A_433, %dma_start3A_434] : memref<6x8x224xf32, #tpu.memory_space<vmem>> -> memref<1x8x224xf32, #tpu.memory_space<vmem>>
          %dma_start3A_436 = tpu.memref_squeeze %dma_start3A_435 : memref<1x8x224xf32, #tpu.memory_space<vmem>> -> memref<8x224xf32, #tpu.memory_space<vmem>>
          %dma_start3A_437 = arith.constant 0 : i32
          %dma_start3A_438 = tpu.memref_slice %arg2[%select_n3A, %add3A_430, %mul3A_432, %dma_start3A_437] : memref<4x192x224x224xf32, #tpu.memory_space<hbm>> -> memref<1x1x8x224xf32, #tpu.memory_space<hbm>>
          %dma_start3A_439 = tpu.memref_squeeze %dma_start3A_438 : memref<1x1x8x224xf32, #tpu.memory_space<hbm>> -> memref<8x224xf32, #tpu.memory_space<hbm>>
          %dma_start3A_440 = arith.constant 0 : i32
          %dma_start3A_441 = arith.constant 0 : i32
          %dma_start3A_442 = tpu.memref_slice %arg6[%scan3A_107, %dma_start3A_440, %dma_start3A_441] : memref<6x8x224xf32, #tpu.memory_space<vmem>> -> memref<1x8x224xf32, #tpu.memory_space<vmem>>
          %dma_start3A_443 = tpu.memref_squeeze %dma_start3A_442 : memref<1x8x224xf32, #tpu.memory_space<vmem>> -> memref<8x224xf32, #tpu.memory_space<vmem>>
          %dma_start3A_444 = arith.constant 0 : i32
          %dma_start3A_445 = tpu.memref_slice %arg2[%select_n3A, %add3A_430, %mul3A_432, %dma_start3A_444] : memref<4x192x224x224xf32, #tpu.memory_space<hbm>> -> memref<1x1x8x224xf32, #tpu.memory_space<hbm>>
          %dma_start3A_446 = tpu.memref_squeeze %dma_start3A_445 : memref<1x1x8x224xf32, #tpu.memory_space<hbm>> -> memref<8x224xf32, #tpu.memory_space<hbm>>
          tpu.enqueue_dma source(%dma_start3A_446 : memref<8x224xf32, #tpu.memory_space<hbm>>) target(%dma_start3A_443 : memref<8x224xf32, #tpu.memory_space<vmem>>) target_semaphore(%arg14 : memref<!tpu.dma_semaphore, #tpu.memory_space<semaphore_mem>>)
        } else {
        }
        %add3A_383 = arith.constant 1 : i32
        %add3A_384 = arith.addi %mul3A_207, %add3A_383 : i32
        %scan3A_385 = arith.constant 0 : i32
        %scan3A_386 = arith.constant 0 : i32
        %scan3A_387 = arith.constant 8 : i32
        %scan3A_388 = arith.addi %scan3A_386, %scan3A_387 : i32
        %scan3A_389 = arith.constant 1 : i32
        scf.for %scan3A_391 = %scan3A_386 to %scan3A_388 step %scan3A_389  : i32 {
          %mul3A_392 = arith.constant 1792 : i32
          %mul3A_393 = arith.muli %add3A_384, %mul3A_392 : i32
          %mul3A_394 = arith.constant 224 : i32
          %mul3A_395 = arith.muli %scan3A_391, %mul3A_394 : i32
          %add3A_396 = arith.addi %mul3A_393, %mul3A_395 : i32
          %add3A_397 = arith.constant 0 : i32
          %add3A_398 = arith.addi %add3A_396, %add3A_397 : i32
          %get3A = arith.index_cast %add3A_398 : i32 to index
          %get3A_399 = tpu.vector_load %arg5[%get3A] {strides = array<i32>} : memref<50176xi32, #tpu.memory_space<vmem>>, vector<16xi32>,
          %get3A_400 = arith.constant 0 : i32
          %get3A_401 = arith.constant 0 : i32
          %get3A_402 = tpu.memref_slice %arg6[%scan3A_108, %get3A_400, %get3A_401] : memref<6x8x224xf32, #tpu.memory_space<vmem>> -> memref<1x8x224xf32, #tpu.memory_space<vmem>>
          %get3A_403 = tpu.memref_squeeze %get3A_402 : memref<1x8x224xf32, #tpu.memory_space<vmem>> -> memref<8x224xf32, #tpu.memory_space<vmem>>
          %get3A_404 = arith.index_cast %scan3A_391 : i32 to index
          %get3A_405 = arith.constant 0 : index
          %get3A_406 = tpu.vector_load %get3A_403[%get3A_404, %get3A_405] {strides = array<i32>} : memref<8x224xf32, #tpu.memory_space<vmem>>, vector<16xf32>,
          %get3A_407 = arith.constant 0 : i32
          %get3A_408 = arith.constant 0 : i32
          %get3A_409 = tpu.memref_slice %arg6[%scan3A_109, %get3A_407, %get3A_408] : memref<6x8x224xf32, #tpu.memory_space<vmem>> -> memref<1x8x224xf32, #tpu.memory_space<vmem>>
          %get3A_410 = tpu.memref_squeeze %get3A_409 : memref<1x8x224xf32, #tpu.memory_space<vmem>> -> memref<8x224xf32, #tpu.memory_space<vmem>>
          %get3A_411 = arith.index_cast %scan3A_391 : i32 to index
          %get3A_412 = arith.constant 0 : index
          %get3A_413 = tpu.vector_load %get3A_410[%get3A_411, %get3A_412] {strides = array<i32>} : memref<8x224xf32, #tpu.memory_space<vmem>>, vector<16xf32>,
          %get3A_414 = arith.constant 0 : i32
          %get3A_415 = arith.constant 0 : i32
          %get3A_416 = tpu.memref_slice %arg6[%scan3A_110, %get3A_414, %get3A_415] : memref<6x8x224xf32, #tpu.memory_space<vmem>> -> memref<1x8x224xf32, #tpu.memory_space<vmem>>
          %get3A_417 = tpu.memref_squeeze %get3A_416 : memref<1x8x224xf32, #tpu.memory_space<vmem>> -> memref<8x224xf32, #tpu.memory_space<vmem>>
          %get3A_418 = arith.index_cast %scan3A_391 : i32 to index
          %get3A_419 = arith.constant 0 : index
          %get3A_420 = tpu.vector_load %get3A_417[%get3A_418, %get3A_419] {strides = array<i32>} : memref<8x224xf32, #tpu.memory_space<vmem>>, vector<16xf32>,
          %gather3A = tpu.vector_load_idx %arg7[%get3A_399] : memref<16384xf32, #tpu.memory_space<vmem>>[vector<16xi32>], vector<16xf32>,
          %gather3A_421 = tpu.vector_load_idx %arg8[%get3A_399] : memref<16384xf32, #tpu.memory_space<vmem>>[vector<16xi32>], vector<16xf32>,
          %gather3A_422 = tpu.vector_load_idx %arg9[%get3A_399] : memref<16384xf32, #tpu.memory_space<vmem>>[vector<16xi32>], vector<16xf32>,
          %max3A = arith.maximumf %gather3A, %get3A_406 : vector<16xf32>
          tpu.vector_store_idx %arg7[%get3A_399], %max3A : memref<16384xf32, #tpu.memory_space<vmem>>[vector<16xi32>], vector<16xf32>,
          %max3A_423 = arith.maximumf %gather3A_421, %get3A_413 : vector<16xf32>
          tpu.vector_store_idx %arg8[%get3A_399], %max3A_423 : memref<16384xf32, #tpu.memory_space<vmem>>[vector<16xi32>], vector<16xf32>,
          %max3A_424 = arith.maximumf %gather3A_422, %get3A_420 : vector<16xf32>
          tpu.vector_store_idx %arg9[%get3A_399], %max3A_424 : memref<16384xf32, #tpu.memory_space<vmem>>[vector<16xi32>], vector<16xf32>,
          %add3A_425 = arith.constant 16 : i32
          %add3A_426 = arith.addi %add3A_396, %add3A_425 : i32
          %get3A_427 = arith.index_cast %add3A_426 : i32 to index
          %get3A_428 = tpu.vector_load %arg5[%get3A_427] {strides = array<i32>} : memref<50176xi32, #tpu.memory_space<vmem>>, vector<16xi32>,
          %get3A_429 = arith.constant 0 : i32
          %get3A_430 = arith.constant 0 : i32
          %get3A_431 = tpu.memref_slice %arg6[%scan3A_108, %get3A_429, %get3A_430] : memref<6x8x224xf32, #tpu.memory_space<vmem>> -> memref<1x8x224xf32, #tpu.memory_space<vmem>>
          %get3A_432 = tpu.memref_squeeze %get3A_431 : memref<1x8x224xf32, #tpu.memory_space<vmem>> -> memref<8x224xf32, #tpu.memory_space<vmem>>
          %get3A_433 = arith.index_cast %scan3A_391 : i32 to index
          %get3A_434 = arith.constant 16 : index
          %get3A_435 = tpu.vector_load %get3A_432[%get3A_433, %get3A_434] {strides = array<i32>} : memref<8x224xf32, #tpu.memory_space<vmem>>, vector<16xf32>,
          %get3A_436 = arith.constant 0 : i32
          %get3A_437 = arith.constant 0 : i32
          %get3A_438 = tpu.memref_slice %arg6[%scan3A_109, %get3A_436, %get3A_437] : memref<6x8x224xf32, #tpu.memory_space<vmem>> -> memref<1x8x224xf32, #tpu.memory_space<vmem>>
          %get3A_439 = tpu.memref_squeeze %get3A_438 : memref<1x8x224xf32, #tpu.memory_space<vmem>> -> memref<8x224xf32, #tpu.memory_space<vmem>>
          %get3A_440 = arith.index_cast %scan3A_391 : i32 to index
          %get3A_441 = arith.constant 16 : index
          %get3A_442 = tpu.vector_load %get3A_439[%get3A_440, %get3A_441] {strides = array<i32>} : memref<8x224xf32, #tpu.memory_space<vmem>>, vector<16xf32>,
          %get3A_443 = arith.constant 0 : i32
          %get3A_444 = arith.constant 0 : i32
          %get3A_445 = tpu.memref_slice %arg6[%scan3A_110, %get3A_443, %get3A_444] : memref<6x8x224xf32, #tpu.memory_space<vmem>> -> memref<1x8x224xf32, #tpu.memory_space<vmem>>
          %get3A_446 = tpu.memref_squeeze %get3A_445 : memref<1x8x224xf32, #tpu.memory_space<vmem>> -> memref<8x224xf32, #tpu.memory_space<vmem>>
          %get3A_447 = arith.index_cast %scan3A_391 : i32 to index
          %get3A_448 = arith.constant 16 : index
          %get3A_449 = tpu.vector_load %get3A_446[%get3A_447, %get3A_448] {strides = array<i32>} : memref<8x224xf32, #tpu.memory_space<vmem>>, vector<16xf32>,
          %gather3A_450 = tpu.vector_load_idx %arg7[%get3A_428] : memref<16384xf32, #tpu.memory_space<vmem>>[vector<16xi32>], vector<16xf32>,
          %gather3A_451 = tpu.vector_load_idx %arg8[%get3A_428] : memref<16384xf32, #tpu.memory_space<vmem>>[vector<16xi32>], vector<16xf32>,
          %gather3A_452 = tpu.vector_load_idx %arg9[%get3A_428] : memref<16384xf32, #tpu.memory_space<vmem>>[vector<16xi32>], vector<16xf32>,
          %max3A_453 = arith.maximumf %gather3A_450, %get3A_435 : vector<16xf32>
          tpu.vector_store_idx %arg7[%get3A_428], %max3A_453 : memref<16384xf32, #tpu.memory_space<vmem>>[vector<16xi32>], vector<16xf32>,
          %max3A_454 = arith.maximumf %gather3A_451, %get3A_442 : vector<16xf32>
          tpu.vector_store_idx %arg8[%get3A_428], %max3A_454 : memref<16384xf32, #tpu.memory_space<vmem>>[vector<16xi32>], vector<16xf32>,
          %max3A_455 = arith.maximumf %gather3A_452, %get3A_449 : vector<16xf32>
          tpu.vector_store_idx %arg9[%get3A_428], %max3A_455 : memref<16384xf32, #tpu.memory_space<vmem>>[vector<16xi32>], vector<16xf32>,
          %add3A_456 = arith.constant 32 : i32
          %add3A_457 = arith.addi %add3A_396, %add3A_456 : i32
          %get3A_458 = arith.index_cast %add3A_457 : i32 to index
          %get3A_459 = tpu.vector_load %arg5[%get3A_458] {strides = array<i32>} : memref<50176xi32, #tpu.memory_space<vmem>>, vector<16xi32>,
          %get3A_460 = arith.constant 0 : i32
          %get3A_461 = arith.constant 0 : i32
          %get3A_462 = tpu.memref_slice %arg6[%scan3A_108, %get3A_460, %get3A_461] : memref<6x8x224xf32, #tpu.memory_space<vmem>> -> memref<1x8x224xf32, #tpu.memory_space<vmem>>
          %get3A_463 = tpu.memref_squeeze %get3A_462 : memref<1x8x224xf32, #tpu.memory_space<vmem>> -> memref<8x224xf32, #tpu.memory_space<vmem>>
          %get3A_464 = arith.index_cast %scan3A_391 : i32 to index
          %get3A_465 = arith.constant 32 : index
          %get3A_466 = tpu.vector_load %get3A_463[%get3A_464, %get3A_465] {strides = array<i32>} : memref<8x224xf32, #tpu.memory_space<vmem>>, vector<16xf32>,
          %get3A_467 = arith.constant 0 : i32
          %get3A_468 = arith.constant 0 : i32
          %get3A_469 = tpu.memref_slice %arg6[%scan3A_109, %get3A_467, %get3A_468] : memref<6x8x224xf32, #tpu.memory_space<vmem>> -> memref<1x8x224xf32, #tpu.memory_space<vmem>>
          %get3A_470 = tpu.memref_squeeze %get3A_469 : memref<1x8x224xf32, #tpu.memory_space<vmem>> -> memref<8x224xf32, #tpu.memory_space<vmem>>
          %get3A_471 = arith.index_cast %scan3A_391 : i32 to index
          %get3A_472 = arith.constant 32 : index
          %get3A_473 = tpu.vector_load %get3A_470[%get3A_471, %get3A_472] {strides = array<i32>} : memref<8x224xf32, #tpu.memory_space<vmem>>, vector<16xf32>,
          %get3A_474 = arith.constant 0 : i32
          %get3A_475 = arith.constant 0 : i32
          %get3A_476 = tpu.memref_slice %arg6[%scan3A_110, %get3A_474, %get3A_475] : memref<6x8x224xf32, #tpu.memory_space<vmem>> -> memref<1x8x224xf32, #tpu.memory_space<vmem>>
          %get3A_477 = tpu.memref_squeeze %get3A_476 : memref<1x8x224xf32, #tpu.memory_space<vmem>> -> memref<8x224xf32, #tpu.memory_space<vmem>>
          %get3A_478 = arith.index_cast %scan3A_391 : i32 to index
          %get3A_479 = arith.constant 32 : index
          %get3A_480 = tpu.vector_load %get3A_477[%get3A_478, %get3A_479] {strides = array<i32>} : memref<8x224xf32, #tpu.memory_space<vmem>>, vector<16xf32>,
          %gather3A_481 = tpu.vector_load_idx %arg7[%get3A_459] : memref<16384xf32, #tpu.memory_space<vmem>>[vector<16xi32>], vector<16xf32>,
          %gather3A_482 = tpu.vector_load_idx %arg8[%get3A_459] : memref<16384xf32, #tpu.memory_space<vmem>>[vector<16xi32>], vector<16xf32>,
          %gather3A_483 = tpu.vector_load_idx %arg9[%get3A_459] : memref<16384xf32, #tpu.memory_space<vmem>>[vector<16xi32>], vector<16xf32>,
          %max3A_484 = arith.maximumf %gather3A_481, %get3A_466 : vector<16xf32>
          tpu.vector_store_idx %arg7[%get3A_459], %max3A_484 : memref<16384xf32, #tpu.memory_space<vmem>>[vector<16xi32>], vector<16xf32>,
          %max3A_485 = arith.maximumf %gather3A_482, %get3A_473 : vector<16xf32>
          tpu.vector_store_idx %arg8[%get3A_459], %max3A_485 : memref<16384xf32, #tpu.memory_space<vmem>>[vector<16xi32>], vector<16xf32>,
          %max3A_486 = arith.maximumf %gather3A_483, %get3A_480 : vector<16xf32>
          tpu.vector_store_idx %arg9[%get3A_459], %max3A_486 : memref<16384xf32, #tpu.memory_space<vmem>>[vector<16xi32>], vector<16xf32>,
          %add3A_487 = arith.constant 48 : i32
          %add3A_488 = arith.addi %add3A_396, %add3A_487 : i32
          %get3A_489 = arith.index_cast %add3A_488 : i32 to index
          %get3A_490 = tpu.vector_load %arg5[%get3A_489] {strides = array<i32>} : memref<50176xi32, #tpu.memory_space<vmem>>, vector<16xi32>,
          %get3A_491 = arith.constant 0 : i32
          %get3A_492 = arith.constant 0 : i32
          %get3A_493 = tpu.memref_slice %arg6[%scan3A_108, %get3A_491, %get3A_492] : memref<6x8x224xf32, #tpu.memory_space<vmem>> -> memref<1x8x224xf32, #tpu.memory_space<vmem>>
          %get3A_494 = tpu.memref_squeeze %get3A_493 : memref<1x8x224xf32, #tpu.memory_space<vmem>> -> memref<8x224xf32, #tpu.memory_space<vmem>>
          %get3A_495 = arith.index_cast %scan3A_391 : i32 to index
          %get3A_496 = arith.constant 48 : index
          %get3A_497 = tpu.vector_load %get3A_494[%get3A_495, %get3A_496] {strides = array<i32>} : memref<8x224xf32, #tpu.memory_space<vmem>>, vector<16xf32>,
          %get3A_498 = arith.constant 0 : i32
          %get3A_499 = arith.constant 0 : i32
          %get3A_500 = tpu.memref_slice %arg6[%scan3A_109, %get3A_498, %get3A_499] : memref<6x8x224xf32, #tpu.memory_space<vmem>> -> memref<1x8x224xf32, #tpu.memory_space<vmem>>
          %get3A_501 = tpu.memref_squeeze %get3A_500 : memref<1x8x224xf32, #tpu.memory_space<vmem>> -> memref<8x224xf32, #tpu.memory_space<vmem>>
          %get3A_502 = arith.index_cast %scan3A_391 : i32 to index
          %get3A_503 = arith.constant 48 : index
          %get3A_504 = tpu.vector_load %get3A_501[%get3A_502, %get3A_503] {strides = array<i32>} : memref<8x224xf32, #tpu.memory_space<vmem>>, vector<16xf32>,
          %get3A_505 = arith.constant 0 : i32
          %get3A_506 = arith.constant 0 : i32
          %get3A_507 = tpu.memref_slice %arg6[%scan3A_110, %get3A_505, %get3A_506] : memref<6x8x224xf32, #tpu.memory_space<vmem>> -> memref<1x8x224xf32, #tpu.memory_space<vmem>>
          %get3A_508 = tpu.memref_squeeze %get3A_507 : memref<1x8x224xf32, #tpu.memory_space<vmem>> -> memref<8x224xf32, #tpu.memory_space<vmem>>
          %get3A_509 = arith.index_cast %scan3A_391 : i32 to index
          %get3A_510 = arith.constant 48 : index
          %get3A_511 = tpu.vector_load %get3A_508[%get3A_509, %get3A_510] {strides = array<i32>} : memref<8x224xf32, #tpu.memory_space<vmem>>, vector<16xf32>,
          %gather3A_512 = tpu.vector_load_idx %arg7[%get3A_490] : memref<16384xf32, #tpu.memory_space<vmem>>[vector<16xi32>], vector<16xf32>,
          %gather3A_513 = tpu.vector_load_idx %arg8[%get3A_490] : memref<16384xf32, #tpu.memory_space<vmem>>[vector<16xi32>], vector<16xf32>,
          %gather3A_514 = tpu.vector_load_idx %arg9[%get3A_490] : memref<16384xf32, #tpu.memory_space<vmem>>[vector<16xi32>], vector<16xf32>,
          %max3A_515 = arith.maximumf %gather3A_512, %get3A_497 : vector<16xf32>
          tpu.vector_store_idx %arg7[%get3A_490], %max3A_515 : memref<16384xf32, #tpu.memory_space<vmem>>[vector<16xi32>], vector<16xf32>,
          %max3A_516 = arith.maximumf %gather3A_513, %get3A_504 : vector<16xf32>
          tpu.vector_store_idx %arg8[%get3A_490], %max3A_516 : memref<16384xf32, #tpu.memory_space<vmem>>[vector<16xi32>], vector<16xf32>,
          %max3A_517 = arith.maximumf %gather3A_514, %get3A_511 : vector<16xf32>
          tpu.vector_store_idx %arg9[%get3A_490], %max3A_517 : memref<16384xf32, #tpu.memory_space<vmem>>[vector<16xi32>], vector<16xf32>,
          %add3A_518 = arith.constant 64 : i32
          %add3A_519 = arith.addi %add3A_396, %add3A_518 : i32
          %get3A_520 = arith.index_cast %add3A_519 : i32 to index
          %get3A_521 = tpu.vector_load %arg5[%get3A_520] {strides = array<i32>} : memref<50176xi32, #tpu.memory_space<vmem>>, vector<16xi32>,
          %get3A_522 = arith.constant 0 : i32
          %get3A_523 = arith.constant 0 : i32
          %get3A_524 = tpu.memref_slice %arg6[%scan3A_108, %get3A_522, %get3A_523] : memref<6x8x224xf32, #tpu.memory_space<vmem>> -> memref<1x8x224xf32, #tpu.memory_space<vmem>>
          %get3A_525 = tpu.memref_squeeze %get3A_524 : memref<1x8x224xf32, #tpu.memory_space<vmem>> -> memref<8x224xf32, #tpu.memory_space<vmem>>
          %get3A_526 = arith.index_cast %scan3A_391 : i32 to index
          %get3A_527 = arith.constant 64 : index
          %get3A_528 = tpu.vector_load %get3A_525[%get3A_526, %get3A_527] {strides = array<i32>} : memref<8x224xf32, #tpu.memory_space<vmem>>, vector<16xf32>,
          %get3A_529 = arith.constant 0 : i32
          %get3A_530 = arith.constant 0 : i32
          %get3A_531 = tpu.memref_slice %arg6[%scan3A_109, %get3A_529, %get3A_530] : memref<6x8x224xf32, #tpu.memory_space<vmem>> -> memref<1x8x224xf32, #tpu.memory_space<vmem>>
          %get3A_532 = tpu.memref_squeeze %get3A_531 : memref<1x8x224xf32, #tpu.memory_space<vmem>> -> memref<8x224xf32, #tpu.memory_space<vmem>>
          %get3A_533 = arith.index_cast %scan3A_391 : i32 to index
          %get3A_534 = arith.constant 64 : index
          %get3A_535 = tpu.vector_load %get3A_532[%get3A_533, %get3A_534] {strides = array<i32>} : memref<8x224xf32, #tpu.memory_space<vmem>>, vector<16xf32>,
          %get3A_536 = arith.constant 0 : i32
          %get3A_537 = arith.constant 0 : i32
          %get3A_538 = tpu.memref_slice %arg6[%scan3A_110, %get3A_536, %get3A_537] : memref<6x8x224xf32, #tpu.memory_space<vmem>> -> memref<1x8x224xf32, #tpu.memory_space<vmem>>
          %get3A_539 = tpu.memref_squeeze %get3A_538 : memref<1x8x224xf32, #tpu.memory_space<vmem>> -> memref<8x224xf32, #tpu.memory_space<vmem>>
          %get3A_540 = arith.index_cast %scan3A_391 : i32 to index
          %get3A_541 = arith.constant 64 : index
          %get3A_542 = tpu.vector_load %get3A_539[%get3A_540, %get3A_541] {strides = array<i32>} : memref<8x224xf32, #tpu.memory_space<vmem>>, vector<16xf32>,
          %gather3A_543 = tpu.vector_load_idx %arg7[%get3A_521] : memref<16384xf32, #tpu.memory_space<vmem>>[vector<16xi32>], vector<16xf32>,
          %gather3A_544 = tpu.vector_load_idx %arg8[%get3A_521] : memref<16384xf32, #tpu.memory_space<vmem>>[vector<16xi32>], vector<16xf32>,
          %gather3A_545 = tpu.vector_load_idx %arg9[%get3A_521] : memref<16384xf32, #tpu.memory_space<vmem>>[vector<16xi32>], vector<16xf32>,
          %max3A_546 = arith.maximumf %gather3A_543, %get3A_528 : vector<16xf32>
          tpu.vector_store_idx %arg7[%get3A_521], %max3A_546 : memref<16384xf32, #tpu.memory_space<vmem>>[vector<16xi32>], vector<16xf32>,
          %max3A_547 = arith.maximumf %gather3A_544, %get3A_535 : vector<16xf32>
          tpu.vector_store_idx %arg8[%get3A_521], %max3A_547 : memref<16384xf32, #tpu.memory_space<vmem>>[vector<16xi32>], vector<16xf32>,
          %max3A_548 = arith.maximumf %gather3A_545, %get3A_542 : vector<16xf32>
          tpu.vector_store_idx %arg9[%get3A_521], %max3A_548 : memref<16384xf32, #tpu.memory_space<vmem>>[vector<16xi32>], vector<16xf32>,
          %add3A_549 = arith.constant 80 : i32
          %add3A_550 = arith.addi %add3A_396, %add3A_549 : i32
          %get3A_551 = arith.index_cast %add3A_550 : i32 to index
          %get3A_552 = tpu.vector_load %arg5[%get3A_551] {strides = array<i32>} : memref<50176xi32, #tpu.memory_space<vmem>>, vector<16xi32>,
          %get3A_553 = arith.constant 0 : i32
          %get3A_554 = arith.constant 0 : i32
          %get3A_555 = tpu.memref_slice %arg6[%scan3A_108, %get3A_553, %get3A_554] : memref<6x8x224xf32, #tpu.memory_space<vmem>> -> memref<1x8x224xf32, #tpu.memory_space<vmem>>
          %get3A_556 = tpu.memref_squeeze %get3A_555 : memref<1x8x224xf32, #tpu.memory_space<vmem>> -> memref<8x224xf32, #tpu.memory_space<vmem>>
          %get3A_557 = arith.index_cast %scan3A_391 : i32 to index
          %get3A_558 = arith.constant 80 : index
          %get3A_559 = tpu.vector_load %get3A_556[%get3A_557, %get3A_558] {strides = array<i32>} : memref<8x224xf32, #tpu.memory_space<vmem>>, vector<16xf32>,
          %get3A_560 = arith.constant 0 : i32
          %get3A_561 = arith.constant 0 : i32
          %get3A_562 = tpu.memref_slice %arg6[%scan3A_109, %get3A_560, %get3A_561] : memref<6x8x224xf32, #tpu.memory_space<vmem>> -> memref<1x8x224xf32, #tpu.memory_space<vmem>>
          %get3A_563 = tpu.memref_squeeze %get3A_562 : memref<1x8x224xf32, #tpu.memory_space<vmem>> -> memref<8x224xf32, #tpu.memory_space<vmem>>
          %get3A_564 = arith.index_cast %scan3A_391 : i32 to index
          %get3A_565 = arith.constant 80 : index
          %get3A_566 = tpu.vector_load %get3A_563[%get3A_564, %get3A_565] {strides = array<i32>} : memref<8x224xf32, #tpu.memory_space<vmem>>, vector<16xf32>,
          %get3A_567 = arith.constant 0 : i32
          %get3A_568 = arith.constant 0 : i32
          %get3A_569 = tpu.memref_slice %arg6[%scan3A_110, %get3A_567, %get3A_568] : memref<6x8x224xf32, #tpu.memory_space<vmem>> -> memref<1x8x224xf32, #tpu.memory_space<vmem>>
          %get3A_570 = tpu.memref_squeeze %get3A_569 : memref<1x8x224xf32, #tpu.memory_space<vmem>> -> memref<8x224xf32, #tpu.memory_space<vmem>>
          %get3A_571 = arith.index_cast %scan3A_391 : i32 to index
          %get3A_572 = arith.constant 80 : index
          %get3A_573 = tpu.vector_load %get3A_570[%get3A_571, %get3A_572] {strides = array<i32>} : memref<8x224xf32, #tpu.memory_space<vmem>>, vector<16xf32>,
          %gather3A_574 = tpu.vector_load_idx %arg7[%get3A_552] : memref<16384xf32, #tpu.memory_space<vmem>>[vector<16xi32>], vector<16xf32>,
          %gather3A_575 = tpu.vector_load_idx %arg8[%get3A_552] : memref<16384xf32, #tpu.memory_space<vmem>>[vector<16xi32>], vector<16xf32>,
          %gather3A_576 = tpu.vector_load_idx %arg9[%get3A_552] : memref<16384xf32, #tpu.memory_space<vmem>>[vector<16xi32>], vector<16xf32>,
          %max3A_577 = arith.maximumf %gather3A_574, %get3A_559 : vector<16xf32>
          tpu.vector_store_idx %arg7[%get3A_552], %max3A_577 : memref<16384xf32, #tpu.memory_space<vmem>>[vector<16xi32>], vector<16xf32>,
          %max3A_578 = arith.maximumf %gather3A_575, %get3A_566 : vector<16xf32>
          tpu.vector_store_idx %arg8[%get3A_552], %max3A_578 : memref<16384xf32, #tpu.memory_space<vmem>>[vector<16xi32>], vector<16xf32>,
          %max3A_579 = arith.maximumf %gather3A_576, %get3A_573 : vector<16xf32>
          tpu.vector_store_idx %arg9[%get3A_552], %max3A_579 : memref<16384xf32, #tpu.memory_space<vmem>>[vector<16xi32>], vector<16xf32>,
          %add3A_580 = arith.constant 96 : i32
          %add3A_581 = arith.addi %add3A_396, %add3A_580 : i32
          %get3A_582 = arith.index_cast %add3A_581 : i32 to index
          %get3A_583 = tpu.vector_load %arg5[%get3A_582] {strides = array<i32>} : memref<50176xi32, #tpu.memory_space<vmem>>, vector<16xi32>,
          %get3A_584 = arith.constant 0 : i32
          %get3A_585 = arith.constant 0 : i32
          %get3A_586 = tpu.memref_slice %arg6[%scan3A_108, %get3A_584, %get3A_585] : memref<6x8x224xf32, #tpu.memory_space<vmem>> -> memref<1x8x224xf32, #tpu.memory_space<vmem>>
          %get3A_587 = tpu.memref_squeeze %get3A_586 : memref<1x8x224xf32, #tpu.memory_space<vmem>> -> memref<8x224xf32, #tpu.memory_space<vmem>>
          %get3A_588 = arith.index_cast %scan3A_391 : i32 to index
          %get3A_589 = arith.constant 96 : index
          %get3A_590 = tpu.vector_load %get3A_587[%get3A_588, %get3A_589] {strides = array<i32>} : memref<8x224xf32, #tpu.memory_space<vmem>>, vector<16xf32>,
          %get3A_591 = arith.constant 0 : i32
          %get3A_592 = arith.constant 0 : i32
          %get3A_593 = tpu.memref_slice %arg6[%scan3A_109, %get3A_591, %get3A_592] : memref<6x8x224xf32, #tpu.memory_space<vmem>> -> memref<1x8x224xf32, #tpu.memory_space<vmem>>
          %get3A_594 = tpu.memref_squeeze %get3A_593 : memref<1x8x224xf32, #tpu.memory_space<vmem>> -> memref<8x224xf32, #tpu.memory_space<vmem>>
          %get3A_595 = arith.index_cast %scan3A_391 : i32 to index
          %get3A_596 = arith.constant 96 : index
          %get3A_597 = tpu.vector_load %get3A_594[%get3A_595, %get3A_596] {strides = array<i32>} : memref<8x224xf32, #tpu.memory_space<vmem>>, vector<16xf32>,
          %get3A_598 = arith.constant 0 : i32
          %get3A_599 = arith.constant 0 : i32
          %get3A_600 = tpu.memref_slice %arg6[%scan3A_110, %get3A_598, %get3A_599] : memref<6x8x224xf32, #tpu.memory_space<vmem>> -> memref<1x8x224xf32, #tpu.memory_space<vmem>>
          %get3A_601 = tpu.memref_squeeze %get3A_600 : memref<1x8x224xf32, #tpu.memory_space<vmem>> -> memref<8x224xf32, #tpu.memory_space<vmem>>
          %get3A_602 = arith.index_cast %scan3A_391 : i32 to index
          %get3A_603 = arith.constant 96 : index
          %get3A_604 = tpu.vector_load %get3A_601[%get3A_602, %get3A_603] {strides = array<i32>} : memref<8x224xf32, #tpu.memory_space<vmem>>, vector<16xf32>,
          %gather3A_605 = tpu.vector_load_idx %arg7[%get3A_583] : memref<16384xf32, #tpu.memory_space<vmem>>[vector<16xi32>], vector<16xf32>,
          %gather3A_606 = tpu.vector_load_idx %arg8[%get3A_583] : memref<16384xf32, #tpu.memory_space<vmem>>[vector<16xi32>], vector<16xf32>,
          %gather3A_607 = tpu.vector_load_idx %arg9[%get3A_583] : memref<16384xf32, #tpu.memory_space<vmem>>[vector<16xi32>], vector<16xf32>,
          %max3A_608 = arith.maximumf %gather3A_605, %get3A_590 : vector<16xf32>
          tpu.vector_store_idx %arg7[%get3A_583], %max3A_608 : memref<16384xf32, #tpu.memory_space<vmem>>[vector<16xi32>], vector<16xf32>,
          %max3A_609 = arith.maximumf %gather3A_606, %get3A_597 : vector<16xf32>
          tpu.vector_store_idx %arg8[%get3A_583], %max3A_609 : memref<16384xf32, #tpu.memory_space<vmem>>[vector<16xi32>], vector<16xf32>,
          %max3A_610 = arith.maximumf %gather3A_607, %get3A_604 : vector<16xf32>
          tpu.vector_store_idx %arg9[%get3A_583], %max3A_610 : memref<16384xf32, #tpu.memory_space<vmem>>[vector<16xi32>], vector<16xf32>,
          %add3A_611 = arith.constant 112 : i32
          %add3A_612 = arith.addi %add3A_396, %add3A_611 : i32
          %get3A_613 = arith.index_cast %add3A_612 : i32 to index
          %get3A_614 = tpu.vector_load %arg5[%get3A_613] {strides = array<i32>} : memref<50176xi32, #tpu.memory_space<vmem>>, vector<16xi32>,
          %get3A_615 = arith.constant 0 : i32
          %get3A_616 = arith.constant 0 : i32
          %get3A_617 = tpu.memref_slice %arg6[%scan3A_108, %get3A_615, %get3A_616] : memref<6x8x224xf32, #tpu.memory_space<vmem>> -> memref<1x8x224xf32, #tpu.memory_space<vmem>>
          %get3A_618 = tpu.memref_squeeze %get3A_617 : memref<1x8x224xf32, #tpu.memory_space<vmem>> -> memref<8x224xf32, #tpu.memory_space<vmem>>
          %get3A_619 = arith.index_cast %scan3A_391 : i32 to index
          %get3A_620 = arith.constant 112 : index
          %get3A_621 = tpu.vector_load %get3A_618[%get3A_619, %get3A_620] {strides = array<i32>} : memref<8x224xf32, #tpu.memory_space<vmem>>, vector<16xf32>,
          %get3A_622 = arith.constant 0 : i32
          %get3A_623 = arith.constant 0 : i32
          %get3A_624 = tpu.memref_slice %arg6[%scan3A_109, %get3A_622, %get3A_623] : memref<6x8x224xf32, #tpu.memory_space<vmem>> -> memref<1x8x224xf32, #tpu.memory_space<vmem>>
          %get3A_625 = tpu.memref_squeeze %get3A_624 : memref<1x8x224xf32, #tpu.memory_space<vmem>> -> memref<8x224xf32, #tpu.memory_space<vmem>>
          %get3A_626 = arith.index_cast %scan3A_391 : i32 to index
          %get3A_627 = arith.constant 112 : index
          %get3A_628 = tpu.vector_load %get3A_625[%get3A_626, %get3A_627] {strides = array<i32>} : memref<8x224xf32, #tpu.memory_space<vmem>>, vector<16xf32>,
          %get3A_629 = arith.constant 0 : i32
          %get3A_630 = arith.constant 0 : i32
          %get3A_631 = tpu.memref_slice %arg6[%scan3A_110, %get3A_629, %get3A_630] : memref<6x8x224xf32, #tpu.memory_space<vmem>> -> memref<1x8x224xf32, #tpu.memory_space<vmem>>
          %get3A_632 = tpu.memref_squeeze %get3A_631 : memref<1x8x224xf32, #tpu.memory_space<vmem>> -> memref<8x224xf32, #tpu.memory_space<vmem>>
          %get3A_633 = arith.index_cast %scan3A_391 : i32 to index
          %get3A_634 = arith.constant 112 : index
          %get3A_635 = tpu.vector_load %get3A_632[%get3A_633, %get3A_634] {strides = array<i32>} : memref<8x224xf32, #tpu.memory_space<vmem>>, vector<16xf32>,
          %gather3A_636 = tpu.vector_load_idx %arg7[%get3A_614] : memref<16384xf32, #tpu.memory_space<vmem>>[vector<16xi32>], vector<16xf32>,
          %gather3A_637 = tpu.vector_load_idx %arg8[%get3A_614] : memref<16384xf32, #tpu.memory_space<vmem>>[vector<16xi32>], vector<16xf32>,
          %gather3A_638 = tpu.vector_load_idx %arg9[%get3A_614] : memref<16384xf32, #tpu.memory_space<vmem>>[vector<16xi32>], vector<16xf32>,
          %max3A_639 = arith.maximumf %gather3A_636, %get3A_621 : vector<16xf32>
          tpu.vector_store_idx %arg7[%get3A_614], %max3A_639 : memref<16384xf32, #tpu.memory_space<vmem>>[vector<16xi32>], vector<16xf32>,
          %max3A_640 = arith.maximumf %gather3A_637, %get3A_628 : vector<16xf32>
          tpu.vector_store_idx %arg8[%get3A_614], %max3A_640 : memref<16384xf32, #tpu.memory_space<vmem>>[vector<16xi32>], vector<16xf32>,
          %max3A_641 = arith.maximumf %gather3A_638, %get3A_635 : vector<16xf32>
          tpu.vector_store_idx %arg9[%get3A_614], %max3A_641 : memref<16384xf32, #tpu.memory_space<vmem>>[vector<16xi32>], vector<16xf32>,
          %add3A_642 = arith.constant 128 : i32
          %add3A_643 = arith.addi %add3A_396, %add3A_642 : i32
          %get3A_644 = arith.index_cast %add3A_643 : i32 to index
          %get3A_645 = tpu.vector_load %arg5[%get3A_644] {strides = array<i32>} : memref<50176xi32, #tpu.memory_space<vmem>>, vector<16xi32>,
          %get3A_646 = arith.constant 0 : i32
          %get3A_647 = arith.constant 0 : i32
          %get3A_648 = tpu.memref_slice %arg6[%scan3A_108, %get3A_646, %get3A_647] : memref<6x8x224xf32, #tpu.memory_space<vmem>> -> memref<1x8x224xf32, #tpu.memory_space<vmem>>
          %get3A_649 = tpu.memref_squeeze %get3A_648 : memref<1x8x224xf32, #tpu.memory_space<vmem>> -> memref<8x224xf32, #tpu.memory_space<vmem>>
          %get3A_650 = arith.index_cast %scan3A_391 : i32 to index
          %get3A_651 = arith.constant 128 : index
          %get3A_652 = tpu.vector_load %get3A_649[%get3A_650, %get3A_651] {strides = array<i32>} : memref<8x224xf32, #tpu.memory_space<vmem>>, vector<16xf32>,
          %get3A_653 = arith.constant 0 : i32
          %get3A_654 = arith.constant 0 : i32
          %get3A_655 = tpu.memref_slice %arg6[%scan3A_109, %get3A_653, %get3A_654] : memref<6x8x224xf32, #tpu.memory_space<vmem>> -> memref<1x8x224xf32, #tpu.memory_space<vmem>>
          %get3A_656 = tpu.memref_squeeze %get3A_655 : memref<1x8x224xf32, #tpu.memory_space<vmem>> -> memref<8x224xf32, #tpu.memory_space<vmem>>
          %get3A_657 = arith.index_cast %scan3A_391 : i32 to index
          %get3A_658 = arith.constant 128 : index
          %get3A_659 = tpu.vector_load %get3A_656[%get3A_657, %get3A_658] {strides = array<i32>} : memref<8x224xf32, #tpu.memory_space<vmem>>, vector<16xf32>,
          %get3A_660 = arith.constant 0 : i32
          %get3A_661 = arith.constant 0 : i32
          %get3A_662 = tpu.memref_slice %arg6[%scan3A_110, %get3A_660, %get3A_661] : memref<6x8x224xf32, #tpu.memory_space<vmem>> -> memref<1x8x224xf32, #tpu.memory_space<vmem>>
          %get3A_663 = tpu.memref_squeeze %get3A_662 : memref<1x8x224xf32, #tpu.memory_space<vmem>> -> memref<8x224xf32, #tpu.memory_space<vmem>>
          %get3A_664 = arith.index_cast %scan3A_391 : i32 to index
          %get3A_665 = arith.constant 128 : index
          %get3A_666 = tpu.vector_load %get3A_663[%get3A_664, %get3A_665] {strides = array<i32>} : memref<8x224xf32, #tpu.memory_space<vmem>>, vector<16xf32>,
          %gather3A_667 = tpu.vector_load_idx %arg7[%get3A_645] : memref<16384xf32, #tpu.memory_space<vmem>>[vector<16xi32>], vector<16xf32>,
          %gather3A_668 = tpu.vector_load_idx %arg8[%get3A_645] : memref<16384xf32, #tpu.memory_space<vmem>>[vector<16xi32>], vector<16xf32>,
          %gather3A_669 = tpu.vector_load_idx %arg9[%get3A_645] : memref<16384xf32, #tpu.memory_space<vmem>>[vector<16xi32>], vector<16xf32>,
          %max3A_670 = arith.maximumf %gather3A_667, %get3A_652 : vector<16xf32>
          tpu.vector_store_idx %arg7[%get3A_645], %max3A_670 : memref<16384xf32, #tpu.memory_space<vmem>>[vector<16xi32>], vector<16xf32>,
          %max3A_671 = arith.maximumf %gather3A_668, %get3A_659 : vector<16xf32>
          tpu.vector_store_idx %arg8[%get3A_645], %max3A_671 : memref<16384xf32, #tpu.memory_space<vmem>>[vector<16xi32>], vector<16xf32>,
          %max3A_672 = arith.maximumf %gather3A_669, %get3A_666 : vector<16xf32>
          tpu.vector_store_idx %arg9[%get3A_645], %max3A_672 : memref<16384xf32, #tpu.memory_space<vmem>>[vector<16xi32>], vector<16xf32>,
          %add3A_673 = arith.constant 144 : i32
          %add3A_674 = arith.addi %add3A_396, %add3A_673 : i32
          %get3A_675 = arith.index_cast %add3A_674 : i32 to index
          %get3A_676 = tpu.vector_load %arg5[%get3A_675] {strides = array<i32>} : memref<50176xi32, #tpu.memory_space<vmem>>, vector<16xi32>,
          %get3A_677 = arith.constant 0 : i32
          %get3A_678 = arith.constant 0 : i32
          %get3A_679 = tpu.memref_slice %arg6[%scan3A_108, %get3A_677, %get3A_678] : memref<6x8x224xf32, #tpu.memory_space<vmem>> -> memref<1x8x224xf32, #tpu.memory_space<vmem>>
          %get3A_680 = tpu.memref_squeeze %get3A_679 : memref<1x8x224xf32, #tpu.memory_space<vmem>> -> memref<8x224xf32, #tpu.memory_space<vmem>>
          %get3A_681 = arith.index_cast %scan3A_391 : i32 to index
          %get3A_682 = arith.constant 144 : index
          %get3A_683 = tpu.vector_load %get3A_680[%get3A_681, %get3A_682] {strides = array<i32>} : memref<8x224xf32, #tpu.memory_space<vmem>>, vector<16xf32>,
          %get3A_684 = arith.constant 0 : i32
          %get3A_685 = arith.constant 0 : i32
          %get3A_686 = tpu.memref_slice %arg6[%scan3A_109, %get3A_684, %get3A_685] : memref<6x8x224xf32, #tpu.memory_space<vmem>> -> memref<1x8x224xf32, #tpu.memory_space<vmem>>
          %get3A_687 = tpu.memref_squeeze %get3A_686 : memref<1x8x224xf32, #tpu.memory_space<vmem>> -> memref<8x224xf32, #tpu.memory_space<vmem>>
          %get3A_688 = arith.index_cast %scan3A_391 : i32 to index
          %get3A_689 = arith.constant 144 : index
          %get3A_690 = tpu.vector_load %get3A_687[%get3A_688, %get3A_689] {strides = array<i32>} : memref<8x224xf32, #tpu.memory_space<vmem>>, vector<16xf32>,
          %get3A_691 = arith.constant 0 : i32
          %get3A_692 = arith.constant 0 : i32
          %get3A_693 = tpu.memref_slice %arg6[%scan3A_110, %get3A_691, %get3A_692] : memref<6x8x224xf32, #tpu.memory_space<vmem>> -> memref<1x8x224xf32, #tpu.memory_space<vmem>>
          %get3A_694 = tpu.memref_squeeze %get3A_693 : memref<1x8x224xf32, #tpu.memory_space<vmem>> -> memref<8x224xf32, #tpu.memory_space<vmem>>
          %get3A_695 = arith.index_cast %scan3A_391 : i32 to index
          %get3A_696 = arith.constant 144 : index
          %get3A_697 = tpu.vector_load %get3A_694[%get3A_695, %get3A_696] {strides = array<i32>} : memref<8x224xf32, #tpu.memory_space<vmem>>, vector<16xf32>,
          %gather3A_698 = tpu.vector_load_idx %arg7[%get3A_676] : memref<16384xf32, #tpu.memory_space<vmem>>[vector<16xi32>], vector<16xf32>,
          %gather3A_699 = tpu.vector_load_idx %arg8[%get3A_676] : memref<16384xf32, #tpu.memory_space<vmem>>[vector<16xi32>], vector<16xf32>,
          %gather3A_700 = tpu.vector_load_idx %arg9[%get3A_676] : memref<16384xf32, #tpu.memory_space<vmem>>[vector<16xi32>], vector<16xf32>,
          %max3A_701 = arith.maximumf %gather3A_698, %get3A_683 : vector<16xf32>
          tpu.vector_store_idx %arg7[%get3A_676], %max3A_701 : memref<16384xf32, #tpu.memory_space<vmem>>[vector<16xi32>], vector<16xf32>,
          %max3A_702 = arith.maximumf %gather3A_699, %get3A_690 : vector<16xf32>
          tpu.vector_store_idx %arg8[%get3A_676], %max3A_702 : memref<16384xf32, #tpu.memory_space<vmem>>[vector<16xi32>], vector<16xf32>,
          %max3A_703 = arith.maximumf %gather3A_700, %get3A_697 : vector<16xf32>
          tpu.vector_store_idx %arg9[%get3A_676], %max3A_703 : memref<16384xf32, #tpu.memory_space<vmem>>[vector<16xi32>], vector<16xf32>,
          %add3A_704 = arith.constant 160 : i32
          %add3A_705 = arith.addi %add3A_396, %add3A_704 : i32
          %get3A_706 = arith.index_cast %add3A_705 : i32 to index
          %get3A_707 = tpu.vector_load %arg5[%get3A_706] {strides = array<i32>} : memref<50176xi32, #tpu.memory_space<vmem>>, vector<16xi32>,
          %get3A_708 = arith.constant 0 : i32
          %get3A_709 = arith.constant 0 : i32
          %get3A_710 = tpu.memref_slice %arg6[%scan3A_108, %get3A_708, %get3A_709] : memref<6x8x224xf32, #tpu.memory_space<vmem>> -> memref<1x8x224xf32, #tpu.memory_space<vmem>>
          %get3A_711 = tpu.memref_squeeze %get3A_710 : memref<1x8x224xf32, #tpu.memory_space<vmem>> -> memref<8x224xf32, #tpu.memory_space<vmem>>
          %get3A_712 = arith.index_cast %scan3A_391 : i32 to index
          %get3A_713 = arith.constant 160 : index
          %get3A_714 = tpu.vector_load %get3A_711[%get3A_712, %get3A_713] {strides = array<i32>} : memref<8x224xf32, #tpu.memory_space<vmem>>, vector<16xf32>,
          %get3A_715 = arith.constant 0 : i32
          %get3A_716 = arith.constant 0 : i32
          %get3A_717 = tpu.memref_slice %arg6[%scan3A_109, %get3A_715, %get3A_716] : memref<6x8x224xf32, #tpu.memory_space<vmem>> -> memref<1x8x224xf32, #tpu.memory_space<vmem>>
          %get3A_718 = tpu.memref_squeeze %get3A_717 : memref<1x8x224xf32, #tpu.memory_space<vmem>> -> memref<8x224xf32, #tpu.memory_space<vmem>>
          %get3A_719 = arith.index_cast %scan3A_391 : i32 to index
          %get3A_720 = arith.constant 160 : index
          %get3A_721 = tpu.vector_load %get3A_718[%get3A_719, %get3A_720] {strides = array<i32>} : memref<8x224xf32, #tpu.memory_space<vmem>>, vector<16xf32>,
          %get3A_722 = arith.constant 0 : i32
          %get3A_723 = arith.constant 0 : i32
          %get3A_724 = tpu.memref_slice %arg6[%scan3A_110, %get3A_722, %get3A_723] : memref<6x8x224xf32, #tpu.memory_space<vmem>> -> memref<1x8x224xf32, #tpu.memory_space<vmem>>
          %get3A_725 = tpu.memref_squeeze %get3A_724 : memref<1x8x224xf32, #tpu.memory_space<vmem>> -> memref<8x224xf32, #tpu.memory_space<vmem>>
          %get3A_726 = arith.index_cast %scan3A_391 : i32 to index
          %get3A_727 = arith.constant 160 : index
          %get3A_728 = tpu.vector_load %get3A_725[%get3A_726, %get3A_727] {strides = array<i32>} : memref<8x224xf32, #tpu.memory_space<vmem>>, vector<16xf32>,
          %gather3A_729 = tpu.vector_load_idx %arg7[%get3A_707] : memref<16384xf32, #tpu.memory_space<vmem>>[vector<16xi32>], vector<16xf32>,
          %gather3A_730 = tpu.vector_load_idx %arg8[%get3A_707] : memref<16384xf32, #tpu.memory_space<vmem>>[vector<16xi32>], vector<16xf32>,
          %gather3A_731 = tpu.vector_load_idx %arg9[%get3A_707] : memref<16384xf32, #tpu.memory_space<vmem>>[vector<16xi32>], vector<16xf32>,
          %max3A_732 = arith.maximumf %gather3A_729, %get3A_714 : vector<16xf32>
          tpu.vector_store_idx %arg7[%get3A_707], %max3A_732 : memref<16384xf32, #tpu.memory_space<vmem>>[vector<16xi32>], vector<16xf32>,
          %max3A_733 = arith.maximumf %gather3A_730, %get3A_721 : vector<16xf32>
          tpu.vector_store_idx %arg8[%get3A_707], %max3A_733 : memref<16384xf32, #tpu.memory_space<vmem>>[vector<16xi32>], vector<16xf32>,
          %max3A_734 = arith.maximumf %gather3A_731, %get3A_728 : vector<16xf32>
          tpu.vector_store_idx %arg9[%get3A_707], %max3A_734 : memref<16384xf32, #tpu.memory_space<vmem>>[vector<16xi32>], vector<16xf32>,
          %add3A_735 = arith.constant 176 : i32
          %add3A_736 = arith.addi %add3A_396, %add3A_735 : i32
          %get3A_737 = arith.index_cast %add3A_736 : i32 to index
          %get3A_738 = tpu.vector_load %arg5[%get3A_737] {strides = array<i32>} : memref<50176xi32, #tpu.memory_space<vmem>>, vector<16xi32>,
          %get3A_739 = arith.constant 0 : i32
          %get3A_740 = arith.constant 0 : i32
          %get3A_741 = tpu.memref_slice %arg6[%scan3A_108, %get3A_739, %get3A_740] : memref<6x8x224xf32, #tpu.memory_space<vmem>> -> memref<1x8x224xf32, #tpu.memory_space<vmem>>
          %get3A_742 = tpu.memref_squeeze %get3A_741 : memref<1x8x224xf32, #tpu.memory_space<vmem>> -> memref<8x224xf32, #tpu.memory_space<vmem>>
          %get3A_743 = arith.index_cast %scan3A_391 : i32 to index
          %get3A_744 = arith.constant 176 : index
          %get3A_745 = tpu.vector_load %get3A_742[%get3A_743, %get3A_744] {strides = array<i32>} : memref<8x224xf32, #tpu.memory_space<vmem>>, vector<16xf32>,
          %get3A_746 = arith.constant 0 : i32
          %get3A_747 = arith.constant 0 : i32
          %get3A_748 = tpu.memref_slice %arg6[%scan3A_109, %get3A_746, %get3A_747] : memref<6x8x224xf32, #tpu.memory_space<vmem>> -> memref<1x8x224xf32, #tpu.memory_space<vmem>>
          %get3A_749 = tpu.memref_squeeze %get3A_748 : memref<1x8x224xf32, #tpu.memory_space<vmem>> -> memref<8x224xf32, #tpu.memory_space<vmem>>
          %get3A_750 = arith.index_cast %scan3A_391 : i32 to index
          %get3A_751 = arith.constant 176 : index
          %get3A_752 = tpu.vector_load %get3A_749[%get3A_750, %get3A_751] {strides = array<i32>} : memref<8x224xf32, #tpu.memory_space<vmem>>, vector<16xf32>,
          %get3A_753 = arith.constant 0 : i32
          %get3A_754 = arith.constant 0 : i32
          %get3A_755 = tpu.memref_slice %arg6[%scan3A_110, %get3A_753, %get3A_754] : memref<6x8x224xf32, #tpu.memory_space<vmem>> -> memref<1x8x224xf32, #tpu.memory_space<vmem>>
          %get3A_756 = tpu.memref_squeeze %get3A_755 : memref<1x8x224xf32, #tpu.memory_space<vmem>> -> memref<8x224xf32, #tpu.memory_space<vmem>>
          %get3A_757 = arith.index_cast %scan3A_391 : i32 to index
          %get3A_758 = arith.constant 176 : index
          %get3A_759 = tpu.vector_load %get3A_756[%get3A_757, %get3A_758] {strides = array<i32>} : memref<8x224xf32, #tpu.memory_space<vmem>>, vector<16xf32>,
          %gather3A_760 = tpu.vector_load_idx %arg7[%get3A_738] : memref<16384xf32, #tpu.memory_space<vmem>>[vector<16xi32>], vector<16xf32>,
          %gather3A_761 = tpu.vector_load_idx %arg8[%get3A_738] : memref<16384xf32, #tpu.memory_space<vmem>>[vector<16xi32>], vector<16xf32>,
          %gather3A_762 = tpu.vector_load_idx %arg9[%get3A_738] : memref<16384xf32, #tpu.memory_space<vmem>>[vector<16xi32>], vector<16xf32>,
          %max3A_763 = arith.maximumf %gather3A_760, %get3A_745 : vector<16xf32>
          tpu.vector_store_idx %arg7[%get3A_738], %max3A_763 : memref<16384xf32, #tpu.memory_space<vmem>>[vector<16xi32>], vector<16xf32>,
          %max3A_764 = arith.maximumf %gather3A_761, %get3A_752 : vector<16xf32>
          tpu.vector_store_idx %arg8[%get3A_738], %max3A_764 : memref<16384xf32, #tpu.memory_space<vmem>>[vector<16xi32>], vector<16xf32>,
          %max3A_765 = arith.maximumf %gather3A_762, %get3A_759 : vector<16xf32>
          tpu.vector_store_idx %arg9[%get3A_738], %max3A_765 : memref<16384xf32, #tpu.memory_space<vmem>>[vector<16xi32>], vector<16xf32>,
          %add3A_766 = arith.constant 192 : i32
          %add3A_767 = arith.addi %add3A_396, %add3A_766 : i32
          %get3A_768 = arith.index_cast %add3A_767 : i32 to index
          %get3A_769 = tpu.vector_load %arg5[%get3A_768] {strides = array<i32>} : memref<50176xi32, #tpu.memory_space<vmem>>, vector<16xi32>,
          %get3A_770 = arith.constant 0 : i32
          %get3A_771 = arith.constant 0 : i32
          %get3A_772 = tpu.memref_slice %arg6[%scan3A_108, %get3A_770, %get3A_771] : memref<6x8x224xf32, #tpu.memory_space<vmem>> -> memref<1x8x224xf32, #tpu.memory_space<vmem>>
          %get3A_773 = tpu.memref_squeeze %get3A_772 : memref<1x8x224xf32, #tpu.memory_space<vmem>> -> memref<8x224xf32, #tpu.memory_space<vmem>>
          %get3A_774 = arith.index_cast %scan3A_391 : i32 to index
          %get3A_775 = arith.constant 192 : index
          %get3A_776 = tpu.vector_load %get3A_773[%get3A_774, %get3A_775] {strides = array<i32>} : memref<8x224xf32, #tpu.memory_space<vmem>>, vector<16xf32>,
          %get3A_777 = arith.constant 0 : i32
          %get3A_778 = arith.constant 0 : i32
          %get3A_779 = tpu.memref_slice %arg6[%scan3A_109, %get3A_777, %get3A_778] : memref<6x8x224xf32, #tpu.memory_space<vmem>> -> memref<1x8x224xf32, #tpu.memory_space<vmem>>
          %get3A_780 = tpu.memref_squeeze %get3A_779 : memref<1x8x224xf32, #tpu.memory_space<vmem>> -> memref<8x224xf32, #tpu.memory_space<vmem>>
          %get3A_781 = arith.index_cast %scan3A_391 : i32 to index
          %get3A_782 = arith.constant 192 : index
          %get3A_783 = tpu.vector_load %get3A_780[%get3A_781, %get3A_782] {strides = array<i32>} : memref<8x224xf32, #tpu.memory_space<vmem>>, vector<16xf32>,
          %get3A_784 = arith.constant 0 : i32
          %get3A_785 = arith.constant 0 : i32
          %get3A_786 = tpu.memref_slice %arg6[%scan3A_110, %get3A_784, %get3A_785] : memref<6x8x224xf32, #tpu.memory_space<vmem>> -> memref<1x8x224xf32, #tpu.memory_space<vmem>>
          %get3A_787 = tpu.memref_squeeze %get3A_786 : memref<1x8x224xf32, #tpu.memory_space<vmem>> -> memref<8x224xf32, #tpu.memory_space<vmem>>
          %get3A_788 = arith.index_cast %scan3A_391 : i32 to index
          %get3A_789 = arith.constant 192 : index
          %get3A_790 = tpu.vector_load %get3A_787[%get3A_788, %get3A_789] {strides = array<i32>} : memref<8x224xf32, #tpu.memory_space<vmem>>, vector<16xf32>,
          %gather3A_791 = tpu.vector_load_idx %arg7[%get3A_769] : memref<16384xf32, #tpu.memory_space<vmem>>[vector<16xi32>], vector<16xf32>,
          %gather3A_792 = tpu.vector_load_idx %arg8[%get3A_769] : memref<16384xf32, #tpu.memory_space<vmem>>[vector<16xi32>], vector<16xf32>,
          %gather3A_793 = tpu.vector_load_idx %arg9[%get3A_769] : memref<16384xf32, #tpu.memory_space<vmem>>[vector<16xi32>], vector<16xf32>,
          %max3A_794 = arith.maximumf %gather3A_791, %get3A_776 : vector<16xf32>
          tpu.vector_store_idx %arg7[%get3A_769], %max3A_794 : memref<16384xf32, #tpu.memory_space<vmem>>[vector<16xi32>], vector<16xf32>,
          %max3A_795 = arith.maximumf %gather3A_792, %get3A_783 : vector<16xf32>
          tpu.vector_store_idx %arg8[%get3A_769], %max3A_795 : memref<16384xf32, #tpu.memory_space<vmem>>[vector<16xi32>], vector<16xf32>,
          %max3A_796 = arith.maximumf %gather3A_793, %get3A_790 : vector<16xf32>
          tpu.vector_store_idx %arg9[%get3A_769], %max3A_796 : memref<16384xf32, #tpu.memory_space<vmem>>[vector<16xi32>], vector<16xf32>,
          %add3A_797 = arith.constant 208 : i32
          %add3A_798 = arith.addi %add3A_396, %add3A_797 : i32
          %get3A_799 = arith.index_cast %add3A_798 : i32 to index
          %get3A_800 = tpu.vector_load %arg5[%get3A_799] {strides = array<i32>} : memref<50176xi32, #tpu.memory_space<vmem>>, vector<16xi32>,
          %get3A_801 = arith.constant 0 : i32
          %get3A_802 = arith.constant 0 : i32
          %get3A_803 = tpu.memref_slice %arg6[%scan3A_108, %get3A_801, %get3A_802] : memref<6x8x224xf32, #tpu.memory_space<vmem>> -> memref<1x8x224xf32, #tpu.memory_space<vmem>>
          %get3A_804 = tpu.memref_squeeze %get3A_803 : memref<1x8x224xf32, #tpu.memory_space<vmem>> -> memref<8x224xf32, #tpu.memory_space<vmem>>
          %get3A_805 = arith.index_cast %scan3A_391 : i32 to index
          %get3A_806 = arith.constant 208 : index
          %get3A_807 = tpu.vector_load %get3A_804[%get3A_805, %get3A_806] {strides = array<i32>} : memref<8x224xf32, #tpu.memory_space<vmem>>, vector<16xf32>,
          %get3A_808 = arith.constant 0 : i32
          %get3A_809 = arith.constant 0 : i32
          %get3A_810 = tpu.memref_slice %arg6[%scan3A_109, %get3A_808, %get3A_809] : memref<6x8x224xf32, #tpu.memory_space<vmem>> -> memref<1x8x224xf32, #tpu.memory_space<vmem>>
          %get3A_811 = tpu.memref_squeeze %get3A_810 : memref<1x8x224xf32, #tpu.memory_space<vmem>> -> memref<8x224xf32, #tpu.memory_space<vmem>>
          %get3A_812 = arith.index_cast %scan3A_391 : i32 to index
          %get3A_813 = arith.constant 208 : index
          %get3A_814 = tpu.vector_load %get3A_811[%get3A_812, %get3A_813] {strides = array<i32>} : memref<8x224xf32, #tpu.memory_space<vmem>>, vector<16xf32>,
          %get3A_815 = arith.constant 0 : i32
          %get3A_816 = arith.constant 0 : i32
          %get3A_817 = tpu.memref_slice %arg6[%scan3A_110, %get3A_815, %get3A_816] : memref<6x8x224xf32, #tpu.memory_space<vmem>> -> memref<1x8x224xf32, #tpu.memory_space<vmem>>
          %get3A_818 = tpu.memref_squeeze %get3A_817 : memref<1x8x224xf32, #tpu.memory_space<vmem>> -> memref<8x224xf32, #tpu.memory_space<vmem>>
          %get3A_819 = arith.index_cast %scan3A_391 : i32 to index
          %get3A_820 = arith.constant 208 : index
          %get3A_821 = tpu.vector_load %get3A_818[%get3A_819, %get3A_820] {strides = array<i32>} : memref<8x224xf32, #tpu.memory_space<vmem>>, vector<16xf32>,
          %gather3A_822 = tpu.vector_load_idx %arg7[%get3A_800] : memref<16384xf32, #tpu.memory_space<vmem>>[vector<16xi32>], vector<16xf32>,
          %gather3A_823 = tpu.vector_load_idx %arg8[%get3A_800] : memref<16384xf32, #tpu.memory_space<vmem>>[vector<16xi32>], vector<16xf32>,
          %gather3A_824 = tpu.vector_load_idx %arg9[%get3A_800] : memref<16384xf32, #tpu.memory_space<vmem>>[vector<16xi32>], vector<16xf32>,
          %max3A_825 = arith.maximumf %gather3A_822, %get3A_807 : vector<16xf32>
          tpu.vector_store_idx %arg7[%get3A_800], %max3A_825 : memref<16384xf32, #tpu.memory_space<vmem>>[vector<16xi32>], vector<16xf32>,
          %max3A_826 = arith.maximumf %gather3A_823, %get3A_814 : vector<16xf32>
          tpu.vector_store_idx %arg8[%get3A_800], %max3A_826 : memref<16384xf32, #tpu.memory_space<vmem>>[vector<16xi32>], vector<16xf32>,
          %max3A_827 = arith.maximumf %gather3A_824, %get3A_821 : vector<16xf32>
          tpu.vector_store_idx %arg9[%get3A_800], %max3A_827 : memref<16384xf32, #tpu.memory_space<vmem>>[vector<16xi32>], vector<16xf32>,
        }
        %scan3A_390 = arith.constant 8 : i32
      }
      %scan3A_140 = arith.constant 14 : i32
      %lt3A_141 = arith.constant 7 : i32
      %lt3A_142 = arith.cmpi slt, %scan3A_129, %lt3A_141 : i32
      %convert_element_type3A = arith.extui %lt3A_142 : i1 to i32
      %cond3A = arith.constant 0 : i32
      %cond3A_143 = arith.cmpi ne, %convert_element_type3A, %cond3A : i32
      scf.if %cond3A_143 {
        %add3A_205 = arith.constant 3 : i32
        %add3A_206 = arith.addi %add3A_134, %add3A_205 : i32
        %add3A_207 = arith.constant 0 : i32
        %add3A_208 = arith.addi %add3A_206, %add3A_207 : i32
        %dma_start3A_209 = arith.constant 0 : i32
        %dma_start3A_210 = arith.constant 0 : i32
        %dma_start3A_211 = tpu.memref_slice %arg6[%scan3A_105, %dma_start3A_209, %dma_start3A_210] : memref<6x8x224xf32, #tpu.memory_space<vmem>> -> memref<1x8x224xf32, #tpu.memory_space<vmem>>
        %dma_start3A_212 = tpu.memref_squeeze %dma_start3A_211 : memref<1x8x224xf32, #tpu.memory_space<vmem>> -> memref<8x224xf32, #tpu.memory_space<vmem>>
        %dma_start3A_213 = arith.constant 0 : i32
        %dma_start3A_214 = arith.constant 0 : i32
        %dma_start3A_215 = tpu.memref_slice %arg2[%select_n3A, %add3A_208, %dma_start3A_213, %dma_start3A_214] : memref<4x192x224x224xf32, #tpu.memory_space<hbm>> -> memref<1x1x8x224xf32, #tpu.memory_space<hbm>>
        %dma_start3A_216 = tpu.memref_squeeze %dma_start3A_215 : memref<1x1x8x224xf32, #tpu.memory_space<hbm>> -> memref<8x224xf32, #tpu.memory_space<hbm>>
        %dma_start3A_217 = arith.constant 0 : i32
        %dma_start3A_218 = arith.constant 0 : i32
        %dma_start3A_219 = tpu.memref_slice %arg6[%scan3A_105, %dma_start3A_217, %dma_start3A_218] : memref<6x8x224xf32, #tpu.memory_space<vmem>> -> memref<1x8x224xf32, #tpu.memory_space<vmem>>
        %dma_start3A_220 = tpu.memref_squeeze %dma_start3A_219 : memref<1x8x224xf32, #tpu.memory_space<vmem>> -> memref<8x224xf32, #tpu.memory_space<vmem>>
        %dma_start3A_221 = arith.constant 0 : i32
        %dma_start3A_222 = arith.constant 0 : i32
        %dma_start3A_223 = tpu.memref_slice %arg2[%select_n3A, %add3A_208, %dma_start3A_221, %dma_start3A_222] : memref<4x192x224x224xf32, #tpu.memory_space<hbm>> -> memref<1x1x8x224xf32, #tpu.memory_space<hbm>>
        %dma_start3A_224 = tpu.memref_squeeze %dma_start3A_223 : memref<1x1x8x224xf32, #tpu.memory_space<hbm>> -> memref<8x224xf32, #tpu.memory_space<hbm>>
        tpu.enqueue_dma source(%dma_start3A_224 : memref<8x224xf32, #tpu.memory_space<hbm>>) target(%dma_start3A_220 : memref<8x224xf32, #tpu.memory_space<vmem>>) target_semaphore(%arg12 : memref<!tpu.dma_semaphore, #tpu.memory_space<semaphore_mem>>)
        %add3A_225 = arith.constant 1 : i32
        %add3A_226 = arith.addi %add3A_206, %add3A_225 : i32
        %dma_start3A_227 = arith.constant 0 : i32
        %dma_start3A_228 = arith.constant 0 : i32
        %dma_start3A_229 = tpu.memref_slice %arg6[%scan3A_106, %dma_start3A_227, %dma_start3A_228] : memref<6x8x224xf32, #tpu.memory_space<vmem>> -> memref<1x8x224xf32, #tpu.memory_space<vmem>>
        %dma_start3A_230 = tpu.memref_squeeze %dma_start3A_229 : memref<1x8x224xf32, #tpu.memory_space<vmem>> -> memref<8x224xf32, #tpu.memory_space<vmem>>
        %dma_start3A_231 = arith.constant 0 : i32
        %dma_start3A_232 = arith.constant 0 : i32
        %dma_start3A_233 = tpu.memref_slice %arg2[%select_n3A, %add3A_226, %dma_start3A_231, %dma_start3A_232] : memref<4x192x224x224xf32, #tpu.memory_space<hbm>> -> memref<1x1x8x224xf32, #tpu.memory_space<hbm>>
        %dma_start3A_234 = tpu.memref_squeeze %dma_start3A_233 : memref<1x1x8x224xf32, #tpu.memory_space<hbm>> -> memref<8x224xf32, #tpu.memory_space<hbm>>
        %dma_start3A_235 = arith.constant 0 : i32
        %dma_start3A_236 = arith.constant 0 : i32
        %dma_start3A_237 = tpu.memref_slice %arg6[%scan3A_106, %dma_start3A_235, %dma_start3A_236] : memref<6x8x224xf32, #tpu.memory_space<vmem>> -> memref<1x8x224xf32, #tpu.memory_space<vmem>>
        %dma_start3A_238 = tpu.memref_squeeze %dma_start3A_237 : memref<1x8x224xf32, #tpu.memory_space<vmem>> -> memref<8x224xf32, #tpu.memory_space<vmem>>
        %dma_start3A_239 = arith.constant 0 : i32
        %dma_start3A_240 = arith.constant 0 : i32
        %dma_start3A_241 = tpu.memref_slice %arg2[%select_n3A, %add3A_226, %dma_start3A_239, %dma_start3A_240] : memref<4x192x224x224xf32, #tpu.memory_space<hbm>> -> memref<1x1x8x224xf32, #tpu.memory_space<hbm>>
        %dma_start3A_242 = tpu.memref_squeeze %dma_start3A_241 : memref<1x1x8x224xf32, #tpu.memory_space<hbm>> -> memref<8x224xf32, #tpu.memory_space<hbm>>
        tpu.enqueue_dma source(%dma_start3A_242 : memref<8x224xf32, #tpu.memory_space<hbm>>) target(%dma_start3A_238 : memref<8x224xf32, #tpu.memory_space<vmem>>) target_semaphore(%arg13 : memref<!tpu.dma_semaphore, #tpu.memory_space<semaphore_mem>>)
        %add3A_243 = arith.constant 2 : i32
        %add3A_244 = arith.addi %add3A_206, %add3A_243 : i32
        %dma_start3A_245 = arith.constant 0 : i32
        %dma_start3A_246 = arith.constant 0 : i32
        %dma_start3A_247 = tpu.memref_slice %arg6[%scan3A_107, %dma_start3A_245, %dma_start3A_246] : memref<6x8x224xf32, #tpu.memory_space<vmem>> -> memref<1x8x224xf32, #tpu.memory_space<vmem>>
        %dma_start3A_248 = tpu.memref_squeeze %dma_start3A_247 : memref<1x8x224xf32, #tpu.memory_space<vmem>> -> memref<8x224xf32, #tpu.memory_space<vmem>>
        %dma_start3A_249 = arith.constant 0 : i32
        %dma_start3A_250 = arith.constant 0 : i32
        %dma_start3A_251 = tpu.memref_slice %arg2[%select_n3A, %add3A_244, %dma_start3A_249, %dma_start3A_250] : memref<4x192x224x224xf32, #tpu.memory_space<hbm>> -> memref<1x1x8x224xf32, #tpu.memory_space<hbm>>
        %dma_start3A_252 = tpu.memref_squeeze %dma_start3A_251 : memref<1x1x8x224xf32, #tpu.memory_space<hbm>> -> memref<8x224xf32, #tpu.memory_space<hbm>>
        %dma_start3A_253 = arith.constant 0 : i32
        %dma_start3A_254 = arith.constant 0 : i32
        %dma_start3A_255 = tpu.memref_slice %arg6[%scan3A_107, %dma_start3A_253, %dma_start3A_254] : memref<6x8x224xf32, #tpu.memory_space<vmem>> -> memref<1x8x224xf32, #tpu.memory_space<vmem>>
        %dma_start3A_256 = tpu.memref_squeeze %dma_start3A_255 : memref<1x8x224xf32, #tpu.memory_space<vmem>> -> memref<8x224xf32, #tpu.memory_space<vmem>>
        %dma_start3A_257 = arith.constant 0 : i32
        %dma_start3A_258 = arith.constant 0 : i32
        %dma_start3A_259 = tpu.memref_slice %arg2[%select_n3A, %add3A_244, %dma_start3A_257, %dma_start3A_258] : memref<4x192x224x224xf32, #tpu.memory_space<hbm>> -> memref<1x1x8x224xf32, #tpu.memory_space<hbm>>
        %dma_start3A_260 = tpu.memref_squeeze %dma_start3A_259 : memref<1x1x8x224xf32, #tpu.memory_space<hbm>> -> memref<8x224xf32, #tpu.memory_space<hbm>>
        tpu.enqueue_dma source(%dma_start3A_260 : memref<8x224xf32, #tpu.memory_space<hbm>>) target(%dma_start3A_256 : memref<8x224xf32, #tpu.memory_space<vmem>>) target_semaphore(%arg14 : memref<!tpu.dma_semaphore, #tpu.memory_space<semaphore_mem>>)
      } else {
      }
      %gt3A = arith.constant 0 : i32
      %gt3A_144 = arith.cmpi sgt, %scan3A_129, %gt3A : i32
      %or3A = arith.constant false
      %or3A_145 = arith.ori %gt3A_144, %or3A : i1
      %convert_element_type3A_146 = arith.extui %or3A_145 : i1 to i32
      %cond3A_147 = arith.constant 0 : i32
      %cond3A_148 = arith.cmpi ne, %convert_element_type3A_146, %cond3A_147 : i32
      scf.if %cond3A_148 {
        %dma_wait3A_205 = arith.constant 0 : i32
        %dma_wait3A_206 = tpu.memref_slice %arg4[%select_n3A, %add3A_134, %dma_wait3A_205] : memref<4x192x1024xf32, #tpu.memory_space<hbm>> -> memref<1x1x1024xf32, #tpu.memory_space<hbm>>
        %dma_wait3A_207 = tpu.memref_squeeze %dma_wait3A_206 : memref<1x1x1024xf32, #tpu.memory_space<hbm>> -> memref<1024xf32, #tpu.memory_space<hbm>>
        %dma_wait3A_208 = arith.constant 0 : i32
        %dma_wait3A_209 = tpu.memref_slice %arg4[%select_n3A, %add3A_134, %dma_wait3A_208] : memref<4x192x1024xf32, #tpu.memory_space<hbm>> -> memref<1x1x1024xf32, #tpu.memory_space<hbm>>
        %dma_wait3A_210 = tpu.memref_squeeze %dma_wait3A_209 : memref<1x1x1024xf32, #tpu.memory_space<hbm>> -> memref<1024xf32, #tpu.memory_space<hbm>>
        tpu.wait_dma2 semaphore(%arg18 : memref<!tpu.dma_semaphore, #tpu.memory_space<semaphore_mem>>) src(%arg10 : memref<1024xf32, #tpu.memory_space<vmem>>) dst(%dma_wait3A_210 : memref<1024xf32, #tpu.memory_space<hbm>>)
      } else {
      }
      %scan3A_149 = arith.constant 0 : i32
      %scan3A_150 = arith.constant 0 : i32
      %scan3A_151 = arith.constant 64 : i32
      %scan3A_152 = arith.addi %scan3A_150, %scan3A_151 : i32
      %scan3A_153 = arith.constant 1 : i32
      scf.for %scan3A_205 = %scan3A_150 to %scan3A_152 step %scan3A_153  : i32 {
        %mul3A_206 = arith.constant 16 : i32
        %mul3A_207 = arith.muli %scan3A_205, %mul3A_206 : i32
        %add3A_208 = arith.constant 0 : i32
        %add3A_209 = arith.addi %add3A_208, %mul3A_207 : i32
        %get3A = arith.index_cast %add3A_209 : i32 to index
        %get3A_210 = tpu.vector_load %arg7[%get3A] {strides = array<i32>} : memref<16384xf32, #tpu.memory_space<vmem>>, vector<16xf32>,
        %mul3A_211 = arith.constant 16 : i32
        %mul3A_212 = arith.muli %scan3A_205, %mul3A_211 : i32
        %add3A_213 = arith.constant 1024 : i32
        %add3A_214 = arith.addi %add3A_213, %mul3A_212 : i32
        %get3A_215 = arith.index_cast %add3A_214 : i32 to index
        %get3A_216 = tpu.vector_load %arg7[%get3A_215] {strides = array<i32>} : memref<16384xf32, #tpu.memory_space<vmem>>, vector<16xf32>,
        %mul3A_217 = arith.constant 16 : i32
        %mul3A_218 = arith.muli %scan3A_205, %mul3A_217 : i32
        %add3A_219 = arith.constant 2048 : i32
        %add3A_220 = arith.addi %add3A_219, %mul3A_218 : i32
        %get3A_221 = arith.index_cast %add3A_220 : i32 to index
        %get3A_222 = tpu.vector_load %arg7[%get3A_221] {strides = array<i32>} : memref<16384xf32, #tpu.memory_space<vmem>>, vector<16xf32>,
        %mul3A_223 = arith.constant 16 : i32
        %mul3A_224 = arith.muli %scan3A_205, %mul3A_223 : i32
        %add3A_225 = arith.constant 3072 : i32
        %add3A_226 = arith.addi %add3A_225, %mul3A_224 : i32
        %get3A_227 = arith.index_cast %add3A_226 : i32 to index
        %get3A_228 = tpu.vector_load %arg7[%get3A_227] {strides = array<i32>} : memref<16384xf32, #tpu.memory_space<vmem>>, vector<16xf32>,
        %mul3A_229 = arith.constant 16 : i32
        %mul3A_230 = arith.muli %scan3A_205, %mul3A_229 : i32
        %add3A_231 = arith.constant 4096 : i32
        %add3A_232 = arith.addi %add3A_231, %mul3A_230 : i32
        %get3A_233 = arith.index_cast %add3A_232 : i32 to index
        %get3A_234 = tpu.vector_load %arg7[%get3A_233] {strides = array<i32>} : memref<16384xf32, #tpu.memory_space<vmem>>, vector<16xf32>,
        %mul3A_235 = arith.constant 16 : i32
        %mul3A_236 = arith.muli %scan3A_205, %mul3A_235 : i32
        %add3A_237 = arith.constant 5120 : i32
        %add3A_238 = arith.addi %add3A_237, %mul3A_236 : i32
        %get3A_239 = arith.index_cast %add3A_238 : i32 to index
        %get3A_240 = tpu.vector_load %arg7[%get3A_239] {strides = array<i32>} : memref<16384xf32, #tpu.memory_space<vmem>>, vector<16xf32>,
        %mul3A_241 = arith.constant 16 : i32
        %mul3A_242 = arith.muli %scan3A_205, %mul3A_241 : i32
        %add3A_243 = arith.constant 6144 : i32
        %add3A_244 = arith.addi %add3A_243, %mul3A_242 : i32
        %get3A_245 = arith.index_cast %add3A_244 : i32 to index
        %get3A_246 = tpu.vector_load %arg7[%get3A_245] {strides = array<i32>} : memref<16384xf32, #tpu.memory_space<vmem>>, vector<16xf32>,
        %mul3A_247 = arith.constant 16 : i32
        %mul3A_248 = arith.muli %scan3A_205, %mul3A_247 : i32
        %add3A_249 = arith.constant 7168 : i32
        %add3A_250 = arith.addi %add3A_249, %mul3A_248 : i32
        %get3A_251 = arith.index_cast %add3A_250 : i32 to index
        %get3A_252 = tpu.vector_load %arg7[%get3A_251] {strides = array<i32>} : memref<16384xf32, #tpu.memory_space<vmem>>, vector<16xf32>,
        %mul3A_253 = arith.constant 16 : i32
        %mul3A_254 = arith.muli %scan3A_205, %mul3A_253 : i32
        %add3A_255 = arith.constant 8192 : i32
        %add3A_256 = arith.addi %add3A_255, %mul3A_254 : i32
        %get3A_257 = arith.index_cast %add3A_256 : i32 to index
        %get3A_258 = tpu.vector_load %arg7[%get3A_257] {strides = array<i32>} : memref<16384xf32, #tpu.memory_space<vmem>>, vector<16xf32>,
        %mul3A_259 = arith.constant 16 : i32
        %mul3A_260 = arith.muli %scan3A_205, %mul3A_259 : i32
        %add3A_261 = arith.constant 9216 : i32
        %add3A_262 = arith.addi %add3A_261, %mul3A_260 : i32
        %get3A_263 = arith.index_cast %add3A_262 : i32 to index
        %get3A_264 = tpu.vector_load %arg7[%get3A_263] {strides = array<i32>} : memref<16384xf32, #tpu.memory_space<vmem>>, vector<16xf32>,
        %mul3A_265 = arith.constant 16 : i32
        %mul3A_266 = arith.muli %scan3A_205, %mul3A_265 : i32
        %add3A_267 = arith.constant 10240 : i32
        %add3A_268 = arith.addi %add3A_267, %mul3A_266 : i32
        %get3A_269 = arith.index_cast %add3A_268 : i32 to index
        %get3A_270 = tpu.vector_load %arg7[%get3A_269] {strides = array<i32>} : memref<16384xf32, #tpu.memory_space<vmem>>, vector<16xf32>,
        %mul3A_271 = arith.constant 16 : i32
        %mul3A_272 = arith.muli %scan3A_205, %mul3A_271 : i32
        %add3A_273 = arith.constant 11264 : i32
        %add3A_274 = arith.addi %add3A_273, %mul3A_272 : i32
        %get3A_275 = arith.index_cast %add3A_274 : i32 to index
        %get3A_276 = tpu.vector_load %arg7[%get3A_275] {strides = array<i32>} : memref<16384xf32, #tpu.memory_space<vmem>>, vector<16xf32>,
        %mul3A_277 = arith.constant 16 : i32
        %mul3A_278 = arith.muli %scan3A_205, %mul3A_277 : i32
        %add3A_279 = arith.constant 12288 : i32
        %add3A_280 = arith.addi %add3A_279, %mul3A_278 : i32
        %get3A_281 = arith.index_cast %add3A_280 : i32 to index
        %get3A_282 = tpu.vector_load %arg7[%get3A_281] {strides = array<i32>} : memref<16384xf32, #tpu.memory_space<vmem>>, vector<16xf32>,
        %mul3A_283 = arith.constant 16 : i32
        %mul3A_284 = arith.muli %scan3A_205, %mul3A_283 : i32
        %add3A_285 = arith.constant 13312 : i32
        %add3A_286 = arith.addi %add3A_285, %mul3A_284 : i32
        %get3A_287 = arith.index_cast %add3A_286 : i32 to index
        %get3A_288 = tpu.vector_load %arg7[%get3A_287] {strides = array<i32>} : memref<16384xf32, #tpu.memory_space<vmem>>, vector<16xf32>,
        %mul3A_289 = arith.constant 16 : i32
        %mul3A_290 = arith.muli %scan3A_205, %mul3A_289 : i32
        %add3A_291 = arith.constant 14336 : i32
        %add3A_292 = arith.addi %add3A_291, %mul3A_290 : i32
        %get3A_293 = arith.index_cast %add3A_292 : i32 to index
        %get3A_294 = tpu.vector_load %arg7[%get3A_293] {strides = array<i32>} : memref<16384xf32, #tpu.memory_space<vmem>>, vector<16xf32>,
        %mul3A_295 = arith.constant 16 : i32
        %mul3A_296 = arith.muli %scan3A_205, %mul3A_295 : i32
        %add3A_297 = arith.constant 15360 : i32
        %add3A_298 = arith.addi %add3A_297, %mul3A_296 : i32
        %get3A_299 = arith.index_cast %add3A_298 : i32 to index
        %get3A_300 = tpu.vector_load %arg7[%get3A_299] {strides = array<i32>} : memref<16384xf32, #tpu.memory_space<vmem>>, vector<16xf32>,
        %mul3A_301 = arith.constant 16 : i32
        %mul3A_302 = arith.muli %scan3A_205, %mul3A_301 : i32
        %add3A_303 = arith.constant 0 : i32
        %add3A_304 = arith.addi %add3A_303, %mul3A_302 : i32
        %swap3A = arith.index_cast %add3A_304 : i32 to index
        %swap3A_305 = tpu.vector_load %arg7[%swap3A] {strides = array<i32>} : memref<16384xf32, #tpu.memory_space<vmem>>, vector<16xf32>,
        tpu.vector_store %arg7[%swap3A], %broadcast_in_dim3A_34 {strides = array<i32>} : memref<16384xf32, #tpu.memory_space<vmem>>, vector<16xf32>,
        %mul3A_306 = arith.constant 16 : i32
        %mul3A_307 = arith.muli %scan3A_205, %mul3A_306 : i32
        %add3A_308 = arith.constant 1024 : i32
        %add3A_309 = arith.addi %add3A_308, %mul3A_307 : i32
        %swap3A_310 = arith.index_cast %add3A_309 : i32 to index
        %swap3A_311 = tpu.vector_load %arg7[%swap3A_310] {strides = array<i32>} : memref<16384xf32, #tpu.memory_space<vmem>>, vector<16xf32>,
        tpu.vector_store %arg7[%swap3A_310], %broadcast_in_dim3A_34 {strides = array<i32>} : memref<16384xf32, #tpu.memory_space<vmem>>, vector<16xf32>,
        %mul3A_312 = arith.constant 16 : i32
        %mul3A_313 = arith.muli %scan3A_205, %mul3A_312 : i32
        %add3A_314 = arith.constant 2048 : i32
        %add3A_315 = arith.addi %add3A_314, %mul3A_313 : i32
        %swap3A_316 = arith.index_cast %add3A_315 : i32 to index
        %swap3A_317 = tpu.vector_load %arg7[%swap3A_316] {strides = array<i32>} : memref<16384xf32, #tpu.memory_space<vmem>>, vector<16xf32>,
        tpu.vector_store %arg7[%swap3A_316], %broadcast_in_dim3A_34 {strides = array<i32>} : memref<16384xf32, #tpu.memory_space<vmem>>, vector<16xf32>,
        %mul3A_318 = arith.constant 16 : i32
        %mul3A_319 = arith.muli %scan3A_205, %mul3A_318 : i32
        %add3A_320 = arith.constant 3072 : i32
        %add3A_321 = arith.addi %add3A_320, %mul3A_319 : i32
        %swap3A_322 = arith.index_cast %add3A_321 : i32 to index
        %swap3A_323 = tpu.vector_load %arg7[%swap3A_322] {strides = array<i32>} : memref<16384xf32, #tpu.memory_space<vmem>>, vector<16xf32>,
        tpu.vector_store %arg7[%swap3A_322], %broadcast_in_dim3A_34 {strides = array<i32>} : memref<16384xf32, #tpu.memory_space<vmem>>, vector<16xf32>,
        %mul3A_324 = arith.constant 16 : i32
        %mul3A_325 = arith.muli %scan3A_205, %mul3A_324 : i32
        %add3A_326 = arith.constant 4096 : i32
        %add3A_327 = arith.addi %add3A_326, %mul3A_325 : i32
        %swap3A_328 = arith.index_cast %add3A_327 : i32 to index
        %swap3A_329 = tpu.vector_load %arg7[%swap3A_328] {strides = array<i32>} : memref<16384xf32, #tpu.memory_space<vmem>>, vector<16xf32>,
        tpu.vector_store %arg7[%swap3A_328], %broadcast_in_dim3A_34 {strides = array<i32>} : memref<16384xf32, #tpu.memory_space<vmem>>, vector<16xf32>,
        %mul3A_330 = arith.constant 16 : i32
        %mul3A_331 = arith.muli %scan3A_205, %mul3A_330 : i32
        %add3A_332 = arith.constant 5120 : i32
        %add3A_333 = arith.addi %add3A_332, %mul3A_331 : i32
        %swap3A_334 = arith.index_cast %add3A_333 : i32 to index
        %swap3A_335 = tpu.vector_load %arg7[%swap3A_334] {strides = array<i32>} : memref<16384xf32, #tpu.memory_space<vmem>>, vector<16xf32>,
        tpu.vector_store %arg7[%swap3A_334], %broadcast_in_dim3A_34 {strides = array<i32>} : memref<16384xf32, #tpu.memory_space<vmem>>, vector<16xf32>,
        %mul3A_336 = arith.constant 16 : i32
        %mul3A_337 = arith.muli %scan3A_205, %mul3A_336 : i32
        %add3A_338 = arith.constant 6144 : i32
        %add3A_339 = arith.addi %add3A_338, %mul3A_337 : i32
        %swap3A_340 = arith.index_cast %add3A_339 : i32 to index
        %swap3A_341 = tpu.vector_load %arg7[%swap3A_340] {strides = array<i32>} : memref<16384xf32, #tpu.memory_space<vmem>>, vector<16xf32>,
        tpu.vector_store %arg7[%swap3A_340], %broadcast_in_dim3A_34 {strides = array<i32>} : memref<16384xf32, #tpu.memory_space<vmem>>, vector<16xf32>,
        %mul3A_342 = arith.constant 16 : i32
        %mul3A_343 = arith.muli %scan3A_205, %mul3A_342 : i32
        %add3A_344 = arith.constant 7168 : i32
        %add3A_345 = arith.addi %add3A_344, %mul3A_343 : i32
        %swap3A_346 = arith.index_cast %add3A_345 : i32 to index
        %swap3A_347 = tpu.vector_load %arg7[%swap3A_346] {strides = array<i32>} : memref<16384xf32, #tpu.memory_space<vmem>>, vector<16xf32>,
        tpu.vector_store %arg7[%swap3A_346], %broadcast_in_dim3A_34 {strides = array<i32>} : memref<16384xf32, #tpu.memory_space<vmem>>, vector<16xf32>,
        %mul3A_348 = arith.constant 16 : i32
        %mul3A_349 = arith.muli %scan3A_205, %mul3A_348 : i32
        %add3A_350 = arith.constant 8192 : i32
        %add3A_351 = arith.addi %add3A_350, %mul3A_349 : i32
        %swap3A_352 = arith.index_cast %add3A_351 : i32 to index
        %swap3A_353 = tpu.vector_load %arg7[%swap3A_352] {strides = array<i32>} : memref<16384xf32, #tpu.memory_space<vmem>>, vector<16xf32>,
        tpu.vector_store %arg7[%swap3A_352], %broadcast_in_dim3A_34 {strides = array<i32>} : memref<16384xf32, #tpu.memory_space<vmem>>, vector<16xf32>,
        %mul3A_354 = arith.constant 16 : i32
        %mul3A_355 = arith.muli %scan3A_205, %mul3A_354 : i32
        %add3A_356 = arith.constant 9216 : i32
        %add3A_357 = arith.addi %add3A_356, %mul3A_355 : i32
        %swap3A_358 = arith.index_cast %add3A_357 : i32 to index
        %swap3A_359 = tpu.vector_load %arg7[%swap3A_358] {strides = array<i32>} : memref<16384xf32, #tpu.memory_space<vmem>>, vector<16xf32>,
        tpu.vector_store %arg7[%swap3A_358], %broadcast_in_dim3A_34 {strides = array<i32>} : memref<16384xf32, #tpu.memory_space<vmem>>, vector<16xf32>,
        %mul3A_360 = arith.constant 16 : i32
        %mul3A_361 = arith.muli %scan3A_205, %mul3A_360 : i32
        %add3A_362 = arith.constant 10240 : i32
        %add3A_363 = arith.addi %add3A_362, %mul3A_361 : i32
        %swap3A_364 = arith.index_cast %add3A_363 : i32 to index
        %swap3A_365 = tpu.vector_load %arg7[%swap3A_364] {strides = array<i32>} : memref<16384xf32, #tpu.memory_space<vmem>>, vector<16xf32>,
        tpu.vector_store %arg7[%swap3A_364], %broadcast_in_dim3A_34 {strides = array<i32>} : memref<16384xf32, #tpu.memory_space<vmem>>, vector<16xf32>,
        %mul3A_366 = arith.constant 16 : i32
        %mul3A_367 = arith.muli %scan3A_205, %mul3A_366 : i32
        %add3A_368 = arith.constant 11264 : i32
        %add3A_369 = arith.addi %add3A_368, %mul3A_367 : i32
        %swap3A_370 = arith.index_cast %add3A_369 : i32 to index
        %swap3A_371 = tpu.vector_load %arg7[%swap3A_370] {strides = array<i32>} : memref<16384xf32, #tpu.memory_space<vmem>>, vector<16xf32>,
        tpu.vector_store %arg7[%swap3A_370], %broadcast_in_dim3A_34 {strides = array<i32>} : memref<16384xf32, #tpu.memory_space<vmem>>, vector<16xf32>,
        %mul3A_372 = arith.constant 16 : i32
        %mul3A_373 = arith.muli %scan3A_205, %mul3A_372 : i32
        %add3A_374 = arith.constant 12288 : i32
        %add3A_375 = arith.addi %add3A_374, %mul3A_373 : i32
        %swap3A_376 = arith.index_cast %add3A_375 : i32 to index
        %swap3A_377 = tpu.vector_load %arg7[%swap3A_376] {strides = array<i32>} : memref<16384xf32, #tpu.memory_space<vmem>>, vector<16xf32>,
        tpu.vector_store %arg7[%swap3A_376], %broadcast_in_dim3A_34 {strides = array<i32>} : memref<16384xf32, #tpu.memory_space<vmem>>, vector<16xf32>,
        %mul3A_378 = arith.constant 16 : i32
        %mul3A_379 = arith.muli %scan3A_205, %mul3A_378 : i32
        %add3A_380 = arith.constant 13312 : i32
        %add3A_381 = arith.addi %add3A_380, %mul3A_379 : i32
        %swap3A_382 = arith.index_cast %add3A_381 : i32 to index
        %swap3A_383 = tpu.vector_load %arg7[%swap3A_382] {strides = array<i32>} : memref<16384xf32, #tpu.memory_space<vmem>>, vector<16xf32>,
        tpu.vector_store %arg7[%swap3A_382], %broadcast_in_dim3A_34 {strides = array<i32>} : memref<16384xf32, #tpu.memory_space<vmem>>, vector<16xf32>,
        %mul3A_384 = arith.constant 16 : i32
        %mul3A_385 = arith.muli %scan3A_205, %mul3A_384 : i32
        %add3A_386 = arith.constant 14336 : i32
        %add3A_387 = arith.addi %add3A_386, %mul3A_385 : i32
        %swap3A_388 = arith.index_cast %add3A_387 : i32 to index
        %swap3A_389 = tpu.vector_load %arg7[%swap3A_388] {strides = array<i32>} : memref<16384xf32, #tpu.memory_space<vmem>>, vector<16xf32>,
        tpu.vector_store %arg7[%swap3A_388], %broadcast_in_dim3A_34 {strides = array<i32>} : memref<16384xf32, #tpu.memory_space<vmem>>, vector<16xf32>,
        %mul3A_390 = arith.constant 16 : i32
        %mul3A_391 = arith.muli %scan3A_205, %mul3A_390 : i32
        %add3A_392 = arith.constant 15360 : i32
        %add3A_393 = arith.addi %add3A_392, %mul3A_391 : i32
        %swap3A_394 = arith.index_cast %add3A_393 : i32 to index
        %swap3A_395 = tpu.vector_load %arg7[%swap3A_394] {strides = array<i32>} : memref<16384xf32, #tpu.memory_space<vmem>>, vector<16xf32>,
        tpu.vector_store %arg7[%swap3A_394], %broadcast_in_dim3A_34 {strides = array<i32>} : memref<16384xf32, #tpu.memory_space<vmem>>, vector<16xf32>,
        %max3A = arith.maximumf %get3A_210, %get3A_216 : vector<16xf32>
        %max3A_396 = arith.maximumf %get3A_222, %get3A_228 : vector<16xf32>
        %max3A_397 = arith.maximumf %get3A_234, %get3A_240 : vector<16xf32>
        %max3A_398 = arith.maximumf %get3A_246, %get3A_252 : vector<16xf32>
        %max3A_399 = arith.maximumf %get3A_258, %get3A_264 : vector<16xf32>
        %max3A_400 = arith.maximumf %get3A_270, %get3A_276 : vector<16xf32>
        %max3A_401 = arith.maximumf %get3A_282, %get3A_288 : vector<16xf32>
        %max3A_402 = arith.maximumf %get3A_294, %get3A_300 : vector<16xf32>
        %max3A_403 = arith.maximumf %max3A, %max3A_396 : vector<16xf32>
        %max3A_404 = arith.maximumf %max3A_397, %max3A_398 : vector<16xf32>
        %max3A_405 = arith.maximumf %max3A_399, %max3A_400 : vector<16xf32>
        %max3A_406 = arith.maximumf %max3A_401, %max3A_402 : vector<16xf32>
        %max3A_407 = arith.maximumf %max3A_403, %max3A_404 : vector<16xf32>
        %max3A_408 = arith.maximumf %max3A_405, %max3A_406 : vector<16xf32>
        %max3A_409 = arith.maximumf %max3A_407, %max3A_408 : vector<16xf32>
        %mul3A_410 = arith.constant 16 : i32
        %mul3A_411 = arith.muli %scan3A_205, %mul3A_410 : i32
        %swap3A_412 = arith.index_cast %mul3A_411 : i32 to index
        %swap3A_413 = tpu.vector_load %arg10[%swap3A_412] {strides = array<i32>} : memref<1024xf32, #tpu.memory_space<vmem>>, vector<16xf32>,
        tpu.vector_store %arg10[%swap3A_412], %max3A_409 {strides = array<i32>} : memref<1024xf32, #tpu.memory_space<vmem>>, vector<16xf32>,
      }
      %scan3A_154 = arith.constant 64 : i32
      %add3A_155 = arith.constant 0 : i32
      %add3A_156 = arith.addi %add3A_134, %add3A_155 : i32
      %dma_start3A_157 = arith.constant 0 : i32
      %dma_start3A_158 = tpu.memref_slice %arg4[%select_n3A, %add3A_156, %dma_start3A_157] : memref<4x192x1024xf32, #tpu.memory_space<hbm>> -> memref<1x1x1024xf32, #tpu.memory_space<hbm>>
      %dma_start3A_159 = tpu.memref_squeeze %dma_start3A_158 : memref<1x1x1024xf32, #tpu.memory_space<hbm>> -> memref<1024xf32, #tpu.memory_space<hbm>>
      %dma_start3A_160 = arith.constant 0 : i32
      %dma_start3A_161 = tpu.memref_slice %arg4[%select_n3A, %add3A_156, %dma_start3A_160] : memref<4x192x1024xf32, #tpu.memory_space<hbm>> -> memref<1x1x1024xf32, #tpu.memory_space<hbm>>
      %dma_start3A_162 = tpu.memref_squeeze %dma_start3A_161 : memref<1x1x1024xf32, #tpu.memory_space<hbm>> -> memref<1024xf32, #tpu.memory_space<hbm>>
      tpu.enqueue_dma source(%arg10 : memref<1024xf32, #tpu.memory_space<vmem>>) target(%dma_start3A_162 : memref<1024xf32, #tpu.memory_space<hbm>>) target_semaphore(%arg18 : memref<!tpu.dma_semaphore, #tpu.memory_space<semaphore_mem>>)
      %gt3A_163 = arith.constant 0 : i32
      %gt3A_164 = arith.cmpi sgt, %scan3A_129, %gt3A_163 : i32
      %or3A_165 = arith.constant false
      %or3A_166 = arith.ori %gt3A_164, %or3A_165 : i1
      %convert_element_type3A_167 = arith.extui %or3A_166 : i1 to i32
      %cond3A_168 = arith.constant 0 : i32
      %cond3A_169 = arith.cmpi ne, %convert_element_type3A_167, %cond3A_168 : i32
      scf.if %cond3A_169 {
        %dma_wait3A_205 = arith.constant 0 : i32
        %dma_wait3A_206 = tpu.memref_slice %arg4[%select_n3A, %add3A_134, %dma_wait3A_205] : memref<4x192x1024xf32, #tpu.memory_space<hbm>> -> memref<1x1x1024xf32, #tpu.memory_space<hbm>>
        %dma_wait3A_207 = tpu.memref_squeeze %dma_wait3A_206 : memref<1x1x1024xf32, #tpu.memory_space<hbm>> -> memref<1024xf32, #tpu.memory_space<hbm>>
        %dma_wait3A_208 = arith.constant 0 : i32
        %dma_wait3A_209 = tpu.memref_slice %arg4[%select_n3A, %add3A_134, %dma_wait3A_208] : memref<4x192x1024xf32, #tpu.memory_space<hbm>> -> memref<1x1x1024xf32, #tpu.memory_space<hbm>>
        %dma_wait3A_210 = tpu.memref_squeeze %dma_wait3A_209 : memref<1x1x1024xf32, #tpu.memory_space<hbm>> -> memref<1024xf32, #tpu.memory_space<hbm>>
        tpu.wait_dma2 semaphore(%arg19 : memref<!tpu.dma_semaphore, #tpu.memory_space<semaphore_mem>>) src(%arg11 : memref<1024xf32, #tpu.memory_space<vmem>>) dst(%dma_wait3A_210 : memref<1024xf32, #tpu.memory_space<hbm>>)
      } else {
      }
      %scan3A_170 = arith.constant 0 : i32
      %scan3A_171 = arith.constant 0 : i32
      %scan3A_172 = arith.constant 64 : i32
      %scan3A_173 = arith.addi %scan3A_171, %scan3A_172 : i32
      %scan3A_174 = arith.constant 1 : i32
      scf.for %scan3A_205 = %scan3A_171 to %scan3A_173 step %scan3A_174  : i32 {
        %mul3A_206 = arith.constant 16 : i32
        %mul3A_207 = arith.muli %scan3A_205, %mul3A_206 : i32
        %add3A_208 = arith.constant 0 : i32
        %add3A_209 = arith.addi %add3A_208, %mul3A_207 : i32
        %get3A = arith.index_cast %add3A_209 : i32 to index
        %get3A_210 = tpu.vector_load %arg8[%get3A] {strides = array<i32>} : memref<16384xf32, #tpu.memory_space<vmem>>, vector<16xf32>,
        %mul3A_211 = arith.constant 16 : i32
        %mul3A_212 = arith.muli %scan3A_205, %mul3A_211 : i32
        %add3A_213 = arith.constant 1024 : i32
        %add3A_214 = arith.addi %add3A_213, %mul3A_212 : i32
        %get3A_215 = arith.index_cast %add3A_214 : i32 to index
        %get3A_216 = tpu.vector_load %arg8[%get3A_215] {strides = array<i32>} : memref<16384xf32, #tpu.memory_space<vmem>>, vector<16xf32>,
        %mul3A_217 = arith.constant 16 : i32
        %mul3A_218 = arith.muli %scan3A_205, %mul3A_217 : i32
        %add3A_219 = arith.constant 2048 : i32
        %add3A_220 = arith.addi %add3A_219, %mul3A_218 : i32
        %get3A_221 = arith.index_cast %add3A_220 : i32 to index
        %get3A_222 = tpu.vector_load %arg8[%get3A_221] {strides = array<i32>} : memref<16384xf32, #tpu.memory_space<vmem>>, vector<16xf32>,
        %mul3A_223 = arith.constant 16 : i32
        %mul3A_224 = arith.muli %scan3A_205, %mul3A_223 : i32
        %add3A_225 = arith.constant 3072 : i32
        %add3A_226 = arith.addi %add3A_225, %mul3A_224 : i32
        %get3A_227 = arith.index_cast %add3A_226 : i32 to index
        %get3A_228 = tpu.vector_load %arg8[%get3A_227] {strides = array<i32>} : memref<16384xf32, #tpu.memory_space<vmem>>, vector<16xf32>,
        %mul3A_229 = arith.constant 16 : i32
        %mul3A_230 = arith.muli %scan3A_205, %mul3A_229 : i32
        %add3A_231 = arith.constant 4096 : i32
        %add3A_232 = arith.addi %add3A_231, %mul3A_230 : i32
        %get3A_233 = arith.index_cast %add3A_232 : i32 to index
        %get3A_234 = tpu.vector_load %arg8[%get3A_233] {strides = array<i32>} : memref<16384xf32, #tpu.memory_space<vmem>>, vector<16xf32>,
        %mul3A_235 = arith.constant 16 : i32
        %mul3A_236 = arith.muli %scan3A_205, %mul3A_235 : i32
        %add3A_237 = arith.constant 5120 : i32
        %add3A_238 = arith.addi %add3A_237, %mul3A_236 : i32
        %get3A_239 = arith.index_cast %add3A_238 : i32 to index
        %get3A_240 = tpu.vector_load %arg8[%get3A_239] {strides = array<i32>} : memref<16384xf32, #tpu.memory_space<vmem>>, vector<16xf32>,
        %mul3A_241 = arith.constant 16 : i32
        %mul3A_242 = arith.muli %scan3A_205, %mul3A_241 : i32
        %add3A_243 = arith.constant 6144 : i32
        %add3A_244 = arith.addi %add3A_243, %mul3A_242 : i32
        %get3A_245 = arith.index_cast %add3A_244 : i32 to index
        %get3A_246 = tpu.vector_load %arg8[%get3A_245] {strides = array<i32>} : memref<16384xf32, #tpu.memory_space<vmem>>, vector<16xf32>,
        %mul3A_247 = arith.constant 16 : i32
        %mul3A_248 = arith.muli %scan3A_205, %mul3A_247 : i32
        %add3A_249 = arith.constant 7168 : i32
        %add3A_250 = arith.addi %add3A_249, %mul3A_248 : i32
        %get3A_251 = arith.index_cast %add3A_250 : i32 to index
        %get3A_252 = tpu.vector_load %arg8[%get3A_251] {strides = array<i32>} : memref<16384xf32, #tpu.memory_space<vmem>>, vector<16xf32>,
        %mul3A_253 = arith.constant 16 : i32
        %mul3A_254 = arith.muli %scan3A_205, %mul3A_253 : i32
        %add3A_255 = arith.constant 8192 : i32
        %add3A_256 = arith.addi %add3A_255, %mul3A_254 : i32
        %get3A_257 = arith.index_cast %add3A_256 : i32 to index
        %get3A_258 = tpu.vector_load %arg8[%get3A_257] {strides = array<i32>} : memref<16384xf32, #tpu.memory_space<vmem>>, vector<16xf32>,
        %mul3A_259 = arith.constant 16 : i32
        %mul3A_260 = arith.muli %scan3A_205, %mul3A_259 : i32
        %add3A_261 = arith.constant 9216 : i32
        %add3A_262 = arith.addi %add3A_261, %mul3A_260 : i32
        %get3A_263 = arith.index_cast %add3A_262 : i32 to index
        %get3A_264 = tpu.vector_load %arg8[%get3A_263] {strides = array<i32>} : memref<16384xf32, #tpu.memory_space<vmem>>, vector<16xf32>,
        %mul3A_265 = arith.constant 16 : i32
        %mul3A_266 = arith.muli %scan3A_205, %mul3A_265 : i32
        %add3A_267 = arith.constant 10240 : i32
        %add3A_268 = arith.addi %add3A_267, %mul3A_266 : i32
        %get3A_269 = arith.index_cast %add3A_268 : i32 to index
        %get3A_270 = tpu.vector_load %arg8[%get3A_269] {strides = array<i32>} : memref<16384xf32, #tpu.memory_space<vmem>>, vector<16xf32>,
        %mul3A_271 = arith.constant 16 : i32
        %mul3A_272 = arith.muli %scan3A_205, %mul3A_271 : i32
        %add3A_273 = arith.constant 11264 : i32
        %add3A_274 = arith.addi %add3A_273, %mul3A_272 : i32
        %get3A_275 = arith.index_cast %add3A_274 : i32 to index
        %get3A_276 = tpu.vector_load %arg8[%get3A_275] {strides = array<i32>} : memref<16384xf32, #tpu.memory_space<vmem>>, vector<16xf32>,
        %mul3A_277 = arith.constant 16 : i32
        %mul3A_278 = arith.muli %scan3A_205, %mul3A_277 : i32
        %add3A_279 = arith.constant 12288 : i32
        %add3A_280 = arith.addi %add3A_279, %mul3A_278 : i32
        %get3A_281 = arith.index_cast %add3A_280 : i32 to index
        %get3A_282 = tpu.vector_load %arg8[%get3A_281] {strides = array<i32>} : memref<16384xf32, #tpu.memory_space<vmem>>, vector<16xf32>,
        %mul3A_283 = arith.constant 16 : i32
        %mul3A_284 = arith.muli %scan3A_205, %mul3A_283 : i32
        %add3A_285 = arith.constant 13312 : i32
        %add3A_286 = arith.addi %add3A_285, %mul3A_284 : i32
        %get3A_287 = arith.index_cast %add3A_286 : i32 to index
        %get3A_288 = tpu.vector_load %arg8[%get3A_287] {strides = array<i32>} : memref<16384xf32, #tpu.memory_space<vmem>>, vector<16xf32>,
        %mul3A_289 = arith.constant 16 : i32
        %mul3A_290 = arith.muli %scan3A_205, %mul3A_289 : i32
        %add3A_291 = arith.constant 14336 : i32
        %add3A_292 = arith.addi %add3A_291, %mul3A_290 : i32
        %get3A_293 = arith.index_cast %add3A_292 : i32 to index
        %get3A_294 = tpu.vector_load %arg8[%get3A_293] {strides = array<i32>} : memref<16384xf32, #tpu.memory_space<vmem>>, vector<16xf32>,
        %mul3A_295 = arith.constant 16 : i32
        %mul3A_296 = arith.muli %scan3A_205, %mul3A_295 : i32
        %add3A_297 = arith.constant 15360 : i32
        %add3A_298 = arith.addi %add3A_297, %mul3A_296 : i32
        %get3A_299 = arith.index_cast %add3A_298 : i32 to index
        %get3A_300 = tpu.vector_load %arg8[%get3A_299] {strides = array<i32>} : memref<16384xf32, #tpu.memory_space<vmem>>, vector<16xf32>,
        %mul3A_301 = arith.constant 16 : i32
        %mul3A_302 = arith.muli %scan3A_205, %mul3A_301 : i32
        %add3A_303 = arith.constant 0 : i32
        %add3A_304 = arith.addi %add3A_303, %mul3A_302 : i32
        %swap3A = arith.index_cast %add3A_304 : i32 to index
        %swap3A_305 = tpu.vector_load %arg8[%swap3A] {strides = array<i32>} : memref<16384xf32, #tpu.memory_space<vmem>>, vector<16xf32>,
        tpu.vector_store %arg8[%swap3A], %broadcast_in_dim3A_34 {strides = array<i32>} : memref<16384xf32, #tpu.memory_space<vmem>>, vector<16xf32>,
        %mul3A_306 = arith.constant 16 : i32
        %mul3A_307 = arith.muli %scan3A_205, %mul3A_306 : i32
        %add3A_308 = arith.constant 1024 : i32
        %add3A_309 = arith.addi %add3A_308, %mul3A_307 : i32
        %swap3A_310 = arith.index_cast %add3A_309 : i32 to index
        %swap3A_311 = tpu.vector_load %arg8[%swap3A_310] {strides = array<i32>} : memref<16384xf32, #tpu.memory_space<vmem>>, vector<16xf32>,
        tpu.vector_store %arg8[%swap3A_310], %broadcast_in_dim3A_34 {strides = array<i32>} : memref<16384xf32, #tpu.memory_space<vmem>>, vector<16xf32>,
        %mul3A_312 = arith.constant 16 : i32
        %mul3A_313 = arith.muli %scan3A_205, %mul3A_312 : i32
        %add3A_314 = arith.constant 2048 : i32
        %add3A_315 = arith.addi %add3A_314, %mul3A_313 : i32
        %swap3A_316 = arith.index_cast %add3A_315 : i32 to index
        %swap3A_317 = tpu.vector_load %arg8[%swap3A_316] {strides = array<i32>} : memref<16384xf32, #tpu.memory_space<vmem>>, vector<16xf32>,
        tpu.vector_store %arg8[%swap3A_316], %broadcast_in_dim3A_34 {strides = array<i32>} : memref<16384xf32, #tpu.memory_space<vmem>>, vector<16xf32>,
        %mul3A_318 = arith.constant 16 : i32
        %mul3A_319 = arith.muli %scan3A_205, %mul3A_318 : i32
        %add3A_320 = arith.constant 3072 : i32
        %add3A_321 = arith.addi %add3A_320, %mul3A_319 : i32
        %swap3A_322 = arith.index_cast %add3A_321 : i32 to index
        %swap3A_323 = tpu.vector_load %arg8[%swap3A_322] {strides = array<i32>} : memref<16384xf32, #tpu.memory_space<vmem>>, vector<16xf32>,
        tpu.vector_store %arg8[%swap3A_322], %broadcast_in_dim3A_34 {strides = array<i32>} : memref<16384xf32, #tpu.memory_space<vmem>>, vector<16xf32>,
        %mul3A_324 = arith.constant 16 : i32
        %mul3A_325 = arith.muli %scan3A_205, %mul3A_324 : i32
        %add3A_326 = arith.constant 4096 : i32
        %add3A_327 = arith.addi %add3A_326, %mul3A_325 : i32
        %swap3A_328 = arith.index_cast %add3A_327 : i32 to index
        %swap3A_329 = tpu.vector_load %arg8[%swap3A_328] {strides = array<i32>} : memref<16384xf32, #tpu.memory_space<vmem>>, vector<16xf32>,
        tpu.vector_store %arg8[%swap3A_328], %broadcast_in_dim3A_34 {strides = array<i32>} : memref<16384xf32, #tpu.memory_space<vmem>>, vector<16xf32>,
        %mul3A_330 = arith.constant 16 : i32
        %mul3A_331 = arith.muli %scan3A_205, %mul3A_330 : i32
        %add3A_332 = arith.constant 5120 : i32
        %add3A_333 = arith.addi %add3A_332, %mul3A_331 : i32
        %swap3A_334 = arith.index_cast %add3A_333 : i32 to index
        %swap3A_335 = tpu.vector_load %arg8[%swap3A_334] {strides = array<i32>} : memref<16384xf32, #tpu.memory_space<vmem>>, vector<16xf32>,
        tpu.vector_store %arg8[%swap3A_334], %broadcast_in_dim3A_34 {strides = array<i32>} : memref<16384xf32, #tpu.memory_space<vmem>>, vector<16xf32>,
        %mul3A_336 = arith.constant 16 : i32
        %mul3A_337 = arith.muli %scan3A_205, %mul3A_336 : i32
        %add3A_338 = arith.constant 6144 : i32
        %add3A_339 = arith.addi %add3A_338, %mul3A_337 : i32
        %swap3A_340 = arith.index_cast %add3A_339 : i32 to index
        %swap3A_341 = tpu.vector_load %arg8[%swap3A_340] {strides = array<i32>} : memref<16384xf32, #tpu.memory_space<vmem>>, vector<16xf32>,
        tpu.vector_store %arg8[%swap3A_340], %broadcast_in_dim3A_34 {strides = array<i32>} : memref<16384xf32, #tpu.memory_space<vmem>>, vector<16xf32>,
        %mul3A_342 = arith.constant 16 : i32
        %mul3A_343 = arith.muli %scan3A_205, %mul3A_342 : i32
        %add3A_344 = arith.constant 7168 : i32
        %add3A_345 = arith.addi %add3A_344, %mul3A_343 : i32
        %swap3A_346 = arith.index_cast %add3A_345 : i32 to index
        %swap3A_347 = tpu.vector_load %arg8[%swap3A_346] {strides = array<i32>} : memref<16384xf32, #tpu.memory_space<vmem>>, vector<16xf32>,
        tpu.vector_store %arg8[%swap3A_346], %broadcast_in_dim3A_34 {strides = array<i32>} : memref<16384xf32, #tpu.memory_space<vmem>>, vector<16xf32>,
        %mul3A_348 = arith.constant 16 : i32
        %mul3A_349 = arith.muli %scan3A_205, %mul3A_348 : i32
        %add3A_350 = arith.constant 8192 : i32
        %add3A_351 = arith.addi %add3A_350, %mul3A_349 : i32
        %swap3A_352 = arith.index_cast %add3A_351 : i32 to index
        %swap3A_353 = tpu.vector_load %arg8[%swap3A_352] {strides = array<i32>} : memref<16384xf32, #tpu.memory_space<vmem>>, vector<16xf32>,
        tpu.vector_store %arg8[%swap3A_352], %broadcast_in_dim3A_34 {strides = array<i32>} : memref<16384xf32, #tpu.memory_space<vmem>>, vector<16xf32>,
        %mul3A_354 = arith.constant 16 : i32
        %mul3A_355 = arith.muli %scan3A_205, %mul3A_354 : i32
        %add3A_356 = arith.constant 9216 : i32
        %add3A_357 = arith.addi %add3A_356, %mul3A_355 : i32
        %swap3A_358 = arith.index_cast %add3A_357 : i32 to index
        %swap3A_359 = tpu.vector_load %arg8[%swap3A_358] {strides = array<i32>} : memref<16384xf32, #tpu.memory_space<vmem>>, vector<16xf32>,
        tpu.vector_store %arg8[%swap3A_358], %broadcast_in_dim3A_34 {strides = array<i32>} : memref<16384xf32, #tpu.memory_space<vmem>>, vector<16xf32>,
        %mul3A_360 = arith.constant 16 : i32
        %mul3A_361 = arith.muli %scan3A_205, %mul3A_360 : i32
        %add3A_362 = arith.constant 10240 : i32
        %add3A_363 = arith.addi %add3A_362, %mul3A_361 : i32
        %swap3A_364 = arith.index_cast %add3A_363 : i32 to index
        %swap3A_365 = tpu.vector_load %arg8[%swap3A_364] {strides = array<i32>} : memref<16384xf32, #tpu.memory_space<vmem>>, vector<16xf32>,
        tpu.vector_store %arg8[%swap3A_364], %broadcast_in_dim3A_34 {strides = array<i32>} : memref<16384xf32, #tpu.memory_space<vmem>>, vector<16xf32>,
        %mul3A_366 = arith.constant 16 : i32
        %mul3A_367 = arith.muli %scan3A_205, %mul3A_366 : i32
        %add3A_368 = arith.constant 11264 : i32
        %add3A_369 = arith.addi %add3A_368, %mul3A_367 : i32
        %swap3A_370 = arith.index_cast %add3A_369 : i32 to index
        %swap3A_371 = tpu.vector_load %arg8[%swap3A_370] {strides = array<i32>} : memref<16384xf32, #tpu.memory_space<vmem>>, vector<16xf32>,
        tpu.vector_store %arg8[%swap3A_370], %broadcast_in_dim3A_34 {strides = array<i32>} : memref<16384xf32, #tpu.memory_space<vmem>>, vector<16xf32>,
        %mul3A_372 = arith.constant 16 : i32
        %mul3A_373 = arith.muli %scan3A_205, %mul3A_372 : i32
        %add3A_374 = arith.constant 12288 : i32
        %add3A_375 = arith.addi %add3A_374, %mul3A_373 : i32
        %swap3A_376 = arith.index_cast %add3A_375 : i32 to index
        %swap3A_377 = tpu.vector_load %arg8[%swap3A_376] {strides = array<i32>} : memref<16384xf32, #tpu.memory_space<vmem>>, vector<16xf32>,
        tpu.vector_store %arg8[%swap3A_376], %broadcast_in_dim3A_34 {strides = array<i32>} : memref<16384xf32, #tpu.memory_space<vmem>>, vector<16xf32>,
        %mul3A_378 = arith.constant 16 : i32
        %mul3A_379 = arith.muli %scan3A_205, %mul3A_378 : i32
        %add3A_380 = arith.constant 13312 : i32
        %add3A_381 = arith.addi %add3A_380, %mul3A_379 : i32
        %swap3A_382 = arith.index_cast %add3A_381 : i32 to index
        %swap3A_383 = tpu.vector_load %arg8[%swap3A_382] {strides = array<i32>} : memref<16384xf32, #tpu.memory_space<vmem>>, vector<16xf32>,
        tpu.vector_store %arg8[%swap3A_382], %broadcast_in_dim3A_34 {strides = array<i32>} : memref<16384xf32, #tpu.memory_space<vmem>>, vector<16xf32>,
        %mul3A_384 = arith.constant 16 : i32
        %mul3A_385 = arith.muli %scan3A_205, %mul3A_384 : i32
        %add3A_386 = arith.constant 14336 : i32
        %add3A_387 = arith.addi %add3A_386, %mul3A_385 : i32
        %swap3A_388 = arith.index_cast %add3A_387 : i32 to index
        %swap3A_389 = tpu.vector_load %arg8[%swap3A_388] {strides = array<i32>} : memref<16384xf32, #tpu.memory_space<vmem>>, vector<16xf32>,
        tpu.vector_store %arg8[%swap3A_388], %broadcast_in_dim3A_34 {strides = array<i32>} : memref<16384xf32, #tpu.memory_space<vmem>>, vector<16xf32>,
        %mul3A_390 = arith.constant 16 : i32
        %mul3A_391 = arith.muli %scan3A_205, %mul3A_390 : i32
        %add3A_392 = arith.constant 15360 : i32
        %add3A_393 = arith.addi %add3A_392, %mul3A_391 : i32
        %swap3A_394 = arith.index_cast %add3A_393 : i32 to index
        %swap3A_395 = tpu.vector_load %arg8[%swap3A_394] {strides = array<i32>} : memref<16384xf32, #tpu.memory_space<vmem>>, vector<16xf32>,
        tpu.vector_store %arg8[%swap3A_394], %broadcast_in_dim3A_34 {strides = array<i32>} : memref<16384xf32, #tpu.memory_space<vmem>>, vector<16xf32>,
        %max3A = arith.maximumf %get3A_210, %get3A_216 : vector<16xf32>
        %max3A_396 = arith.maximumf %get3A_222, %get3A_228 : vector<16xf32>
        %max3A_397 = arith.maximumf %get3A_234, %get3A_240 : vector<16xf32>
        %max3A_398 = arith.maximumf %get3A_246, %get3A_252 : vector<16xf32>
        %max3A_399 = arith.maximumf %get3A_258, %get3A_264 : vector<16xf32>
        %max3A_400 = arith.maximumf %get3A_270, %get3A_276 : vector<16xf32>
        %max3A_401 = arith.maximumf %get3A_282, %get3A_288 : vector<16xf32>
        %max3A_402 = arith.maximumf %get3A_294, %get3A_300 : vector<16xf32>
        %max3A_403 = arith.maximumf %max3A, %max3A_396 : vector<16xf32>
        %max3A_404 = arith.maximumf %max3A_397, %max3A_398 : vector<16xf32>
        %max3A_405 = arith.maximumf %max3A_399, %max3A_400 : vector<16xf32>
        %max3A_406 = arith.maximumf %max3A_401, %max3A_402 : vector<16xf32>
        %max3A_407 = arith.maximumf %max3A_403, %max3A_404 : vector<16xf32>
        %max3A_408 = arith.maximumf %max3A_405, %max3A_406 : vector<16xf32>
        %max3A_409 = arith.maximumf %max3A_407, %max3A_408 : vector<16xf32>
        %mul3A_410 = arith.constant 16 : i32
        %mul3A_411 = arith.muli %scan3A_205, %mul3A_410 : i32
        %swap3A_412 = arith.index_cast %mul3A_411 : i32 to index
        %swap3A_413 = tpu.vector_load %arg11[%swap3A_412] {strides = array<i32>} : memref<1024xf32, #tpu.memory_space<vmem>>, vector<16xf32>,
        tpu.vector_store %arg11[%swap3A_412], %max3A_409 {strides = array<i32>} : memref<1024xf32, #tpu.memory_space<vmem>>, vector<16xf32>,
      }
      %scan3A_175 = arith.constant 64 : i32
      %add3A_176 = arith.constant 1 : i32
      %add3A_177 = arith.addi %add3A_134, %add3A_176 : i32
      %dma_start3A_178 = arith.constant 0 : i32
      %dma_start3A_179 = tpu.memref_slice %arg4[%select_n3A, %add3A_177, %dma_start3A_178] : memref<4x192x1024xf32, #tpu.memory_space<hbm>> -> memref<1x1x1024xf32, #tpu.memory_space<hbm>>
      %dma_start3A_180 = tpu.memref_squeeze %dma_start3A_179 : memref<1x1x1024xf32, #tpu.memory_space<hbm>> -> memref<1024xf32, #tpu.memory_space<hbm>>
      %dma_start3A_181 = arith.constant 0 : i32
      %dma_start3A_182 = tpu.memref_slice %arg4[%select_n3A, %add3A_177, %dma_start3A_181] : memref<4x192x1024xf32, #tpu.memory_space<hbm>> -> memref<1x1x1024xf32, #tpu.memory_space<hbm>>
      %dma_start3A_183 = tpu.memref_squeeze %dma_start3A_182 : memref<1x1x1024xf32, #tpu.memory_space<hbm>> -> memref<1024xf32, #tpu.memory_space<hbm>>
      tpu.enqueue_dma source(%arg11 : memref<1024xf32, #tpu.memory_space<vmem>>) target(%dma_start3A_183 : memref<1024xf32, #tpu.memory_space<hbm>>) target_semaphore(%arg19 : memref<!tpu.dma_semaphore, #tpu.memory_space<semaphore_mem>>)
      %gt3A_184 = arith.constant 0 : i32
      %gt3A_185 = arith.cmpi sgt, %scan3A_129, %gt3A_184 : i32
      %or3A_186 = arith.constant true
      %or3A_187 = arith.ori %gt3A_185, %or3A_186 : i1
      %convert_element_type3A_188 = arith.extui %or3A_187 : i1 to i32
      %cond3A_189 = arith.constant 0 : i32
      %cond3A_190 = arith.cmpi ne, %convert_element_type3A_188, %cond3A_189 : i32
      scf.if %cond3A_190 {
        %dma_wait3A_205 = arith.constant 0 : i32
        %dma_wait3A_206 = tpu.memref_slice %arg4[%select_n3A, %add3A_134, %dma_wait3A_205] : memref<4x192x1024xf32, #tpu.memory_space<hbm>> -> memref<1x1x1024xf32, #tpu.memory_space<hbm>>
        %dma_wait3A_207 = tpu.memref_squeeze %dma_wait3A_206 : memref<1x1x1024xf32, #tpu.memory_space<hbm>> -> memref<1024xf32, #tpu.memory_space<hbm>>
        %dma_wait3A_208 = arith.constant 0 : i32
        %dma_wait3A_209 = tpu.memref_slice %arg4[%select_n3A, %add3A_134, %dma_wait3A_208] : memref<4x192x1024xf32, #tpu.memory_space<hbm>> -> memref<1x1x1024xf32, #tpu.memory_space<hbm>>
        %dma_wait3A_210 = tpu.memref_squeeze %dma_wait3A_209 : memref<1x1x1024xf32, #tpu.memory_space<hbm>> -> memref<1024xf32, #tpu.memory_space<hbm>>
        tpu.wait_dma2 semaphore(%arg18 : memref<!tpu.dma_semaphore, #tpu.memory_space<semaphore_mem>>) src(%arg10 : memref<1024xf32, #tpu.memory_space<vmem>>) dst(%dma_wait3A_210 : memref<1024xf32, #tpu.memory_space<hbm>>)
      } else {
      }
      %scan3A_191 = arith.constant 0 : i32
      %scan3A_192 = arith.constant 0 : i32
      %scan3A_193 = arith.constant 64 : i32
      %scan3A_194 = arith.addi %scan3A_192, %scan3A_193 : i32
      %scan3A_195 = arith.constant 1 : i32
      scf.for %scan3A_205 = %scan3A_192 to %scan3A_194 step %scan3A_195  : i32 {
        %mul3A_206 = arith.constant 16 : i32
        %mul3A_207 = arith.muli %scan3A_205, %mul3A_206 : i32
        %add3A_208 = arith.constant 0 : i32
        %add3A_209 = arith.addi %add3A_208, %mul3A_207 : i32
        %get3A = arith.index_cast %add3A_209 : i32 to index
        %get3A_210 = tpu.vector_load %arg9[%get3A] {strides = array<i32>} : memref<16384xf32, #tpu.memory_space<vmem>>, vector<16xf32>,
        %mul3A_211 = arith.constant 16 : i32
        %mul3A_212 = arith.muli %scan3A_205, %mul3A_211 : i32
        %add3A_213 = arith.constant 1024 : i32
        %add3A_214 = arith.addi %add3A_213, %mul3A_212 : i32
        %get3A_215 = arith.index_cast %add3A_214 : i32 to index
        %get3A_216 = tpu.vector_load %arg9[%get3A_215] {strides = array<i32>} : memref<16384xf32, #tpu.memory_space<vmem>>, vector<16xf32>,
        %mul3A_217 = arith.constant 16 : i32
        %mul3A_218 = arith.muli %scan3A_205, %mul3A_217 : i32
        %add3A_219 = arith.constant 2048 : i32
        %add3A_220 = arith.addi %add3A_219, %mul3A_218 : i32
        %get3A_221 = arith.index_cast %add3A_220 : i32 to index
        %get3A_222 = tpu.vector_load %arg9[%get3A_221] {strides = array<i32>} : memref<16384xf32, #tpu.memory_space<vmem>>, vector<16xf32>,
        %mul3A_223 = arith.constant 16 : i32
        %mul3A_224 = arith.muli %scan3A_205, %mul3A_223 : i32
        %add3A_225 = arith.constant 3072 : i32
        %add3A_226 = arith.addi %add3A_225, %mul3A_224 : i32
        %get3A_227 = arith.index_cast %add3A_226 : i32 to index
        %get3A_228 = tpu.vector_load %arg9[%get3A_227] {strides = array<i32>} : memref<16384xf32, #tpu.memory_space<vmem>>, vector<16xf32>,
        %mul3A_229 = arith.constant 16 : i32
        %mul3A_230 = arith.muli %scan3A_205, %mul3A_229 : i32
        %add3A_231 = arith.constant 4096 : i32
        %add3A_232 = arith.addi %add3A_231, %mul3A_230 : i32
        %get3A_233 = arith.index_cast %add3A_232 : i32 to index
        %get3A_234 = tpu.vector_load %arg9[%get3A_233] {strides = array<i32>} : memref<16384xf32, #tpu.memory_space<vmem>>, vector<16xf32>,
        %mul3A_235 = arith.constant 16 : i32
        %mul3A_236 = arith.muli %scan3A_205, %mul3A_235 : i32
        %add3A_237 = arith.constant 5120 : i32
        %add3A_238 = arith.addi %add3A_237, %mul3A_236 : i32
        %get3A_239 = arith.index_cast %add3A_238 : i32 to index
        %get3A_240 = tpu.vector_load %arg9[%get3A_239] {strides = array<i32>} : memref<16384xf32, #tpu.memory_space<vmem>>, vector<16xf32>,
        %mul3A_241 = arith.constant 16 : i32
        %mul3A_242 = arith.muli %scan3A_205, %mul3A_241 : i32
        %add3A_243 = arith.constant 6144 : i32
        %add3A_244 = arith.addi %add3A_243, %mul3A_242 : i32
        %get3A_245 = arith.index_cast %add3A_244 : i32 to index
        %get3A_246 = tpu.vector_load %arg9[%get3A_245] {strides = array<i32>} : memref<16384xf32, #tpu.memory_space<vmem>>, vector<16xf32>,
        %mul3A_247 = arith.constant 16 : i32
        %mul3A_248 = arith.muli %scan3A_205, %mul3A_247 : i32
        %add3A_249 = arith.constant 7168 : i32
        %add3A_250 = arith.addi %add3A_249, %mul3A_248 : i32
        %get3A_251 = arith.index_cast %add3A_250 : i32 to index
        %get3A_252 = tpu.vector_load %arg9[%get3A_251] {strides = array<i32>} : memref<16384xf32, #tpu.memory_space<vmem>>, vector<16xf32>,
        %mul3A_253 = arith.constant 16 : i32
        %mul3A_254 = arith.muli %scan3A_205, %mul3A_253 : i32
        %add3A_255 = arith.constant 8192 : i32
        %add3A_256 = arith.addi %add3A_255, %mul3A_254 : i32
        %get3A_257 = arith.index_cast %add3A_256 : i32 to index
        %get3A_258 = tpu.vector_load %arg9[%get3A_257] {strides = array<i32>} : memref<16384xf32, #tpu.memory_space<vmem>>, vector<16xf32>,
        %mul3A_259 = arith.constant 16 : i32
        %mul3A_260 = arith.muli %scan3A_205, %mul3A_259 : i32
        %add3A_261 = arith.constant 9216 : i32
        %add3A_262 = arith.addi %add3A_261, %mul3A_260 : i32
        %get3A_263 = arith.index_cast %add3A_262 : i32 to index
        %get3A_264 = tpu.vector_load %arg9[%get3A_263] {strides = array<i32>} : memref<16384xf32, #tpu.memory_space<vmem>>, vector<16xf32>,
        %mul3A_265 = arith.constant 16 : i32
        %mul3A_266 = arith.muli %scan3A_205, %mul3A_265 : i32
        %add3A_267 = arith.constant 10240 : i32
        %add3A_268 = arith.addi %add3A_267, %mul3A_266 : i32
        %get3A_269 = arith.index_cast %add3A_268 : i32 to index
        %get3A_270 = tpu.vector_load %arg9[%get3A_269] {strides = array<i32>} : memref<16384xf32, #tpu.memory_space<vmem>>, vector<16xf32>,
        %mul3A_271 = arith.constant 16 : i32
        %mul3A_272 = arith.muli %scan3A_205, %mul3A_271 : i32
        %add3A_273 = arith.constant 11264 : i32
        %add3A_274 = arith.addi %add3A_273, %mul3A_272 : i32
        %get3A_275 = arith.index_cast %add3A_274 : i32 to index
        %get3A_276 = tpu.vector_load %arg9[%get3A_275] {strides = array<i32>} : memref<16384xf32, #tpu.memory_space<vmem>>, vector<16xf32>,
        %mul3A_277 = arith.constant 16 : i32
        %mul3A_278 = arith.muli %scan3A_205, %mul3A_277 : i32
        %add3A_279 = arith.constant 12288 : i32
        %add3A_280 = arith.addi %add3A_279, %mul3A_278 : i32
        %get3A_281 = arith.index_cast %add3A_280 : i32 to index
        %get3A_282 = tpu.vector_load %arg9[%get3A_281] {strides = array<i32>} : memref<16384xf32, #tpu.memory_space<vmem>>, vector<16xf32>,
        %mul3A_283 = arith.constant 16 : i32
        %mul3A_284 = arith.muli %scan3A_205, %mul3A_283 : i32
        %add3A_285 = arith.constant 13312 : i32
        %add3A_286 = arith.addi %add3A_285, %mul3A_284 : i32
        %get3A_287 = arith.index_cast %add3A_286 : i32 to index
        %get3A_288 = tpu.vector_load %arg9[%get3A_287] {strides = array<i32>} : memref<16384xf32, #tpu.memory_space<vmem>>, vector<16xf32>,
        %mul3A_289 = arith.constant 16 : i32
        %mul3A_290 = arith.muli %scan3A_205, %mul3A_289 : i32
        %add3A_291 = arith.constant 14336 : i32
        %add3A_292 = arith.addi %add3A_291, %mul3A_290 : i32
        %get3A_293 = arith.index_cast %add3A_292 : i32 to index
        %get3A_294 = tpu.vector_load %arg9[%get3A_293] {strides = array<i32>} : memref<16384xf32, #tpu.memory_space<vmem>>, vector<16xf32>,
        %mul3A_295 = arith.constant 16 : i32
        %mul3A_296 = arith.muli %scan3A_205, %mul3A_295 : i32
        %add3A_297 = arith.constant 15360 : i32
        %add3A_298 = arith.addi %add3A_297, %mul3A_296 : i32
        %get3A_299 = arith.index_cast %add3A_298 : i32 to index
        %get3A_300 = tpu.vector_load %arg9[%get3A_299] {strides = array<i32>} : memref<16384xf32, #tpu.memory_space<vmem>>, vector<16xf32>,
        %mul3A_301 = arith.constant 16 : i32
        %mul3A_302 = arith.muli %scan3A_205, %mul3A_301 : i32
        %add3A_303 = arith.constant 0 : i32
        %add3A_304 = arith.addi %add3A_303, %mul3A_302 : i32
        %swap3A = arith.index_cast %add3A_304 : i32 to index
        %swap3A_305 = tpu.vector_load %arg9[%swap3A] {strides = array<i32>} : memref<16384xf32, #tpu.memory_space<vmem>>, vector<16xf32>,
        tpu.vector_store %arg9[%swap3A], %broadcast_in_dim3A_34 {strides = array<i32>} : memref<16384xf32, #tpu.memory_space<vmem>>, vector<16xf32>,
        %mul3A_306 = arith.constant 16 : i32
        %mul3A_307 = arith.muli %scan3A_205, %mul3A_306 : i32
        %add3A_308 = arith.constant 1024 : i32
        %add3A_309 = arith.addi %add3A_308, %mul3A_307 : i32
        %swap3A_310 = arith.index_cast %add3A_309 : i32 to index
        %swap3A_311 = tpu.vector_load %arg9[%swap3A_310] {strides = array<i32>} : memref<16384xf32, #tpu.memory_space<vmem>>, vector<16xf32>,
        tpu.vector_store %arg9[%swap3A_310], %broadcast_in_dim3A_34 {strides = array<i32>} : memref<16384xf32, #tpu.memory_space<vmem>>, vector<16xf32>,
        %mul3A_312 = arith.constant 16 : i32
        %mul3A_313 = arith.muli %scan3A_205, %mul3A_312 : i32
        %add3A_314 = arith.constant 2048 : i32
        %add3A_315 = arith.addi %add3A_314, %mul3A_313 : i32
        %swap3A_316 = arith.index_cast %add3A_315 : i32 to index
        %swap3A_317 = tpu.vector_load %arg9[%swap3A_316] {strides = array<i32>} : memref<16384xf32, #tpu.memory_space<vmem>>, vector<16xf32>,
        tpu.vector_store %arg9[%swap3A_316], %broadcast_in_dim3A_34 {strides = array<i32>} : memref<16384xf32, #tpu.memory_space<vmem>>, vector<16xf32>,
        %mul3A_318 = arith.constant 16 : i32
        %mul3A_319 = arith.muli %scan3A_205, %mul3A_318 : i32
        %add3A_320 = arith.constant 3072 : i32
        %add3A_321 = arith.addi %add3A_320, %mul3A_319 : i32
        %swap3A_322 = arith.index_cast %add3A_321 : i32 to index
        %swap3A_323 = tpu.vector_load %arg9[%swap3A_322] {strides = array<i32>} : memref<16384xf32, #tpu.memory_space<vmem>>, vector<16xf32>,
        tpu.vector_store %arg9[%swap3A_322], %broadcast_in_dim3A_34 {strides = array<i32>} : memref<16384xf32, #tpu.memory_space<vmem>>, vector<16xf32>,
        %mul3A_324 = arith.constant 16 : i32
        %mul3A_325 = arith.muli %scan3A_205, %mul3A_324 : i32
        %add3A_326 = arith.constant 4096 : i32
        %add3A_327 = arith.addi %add3A_326, %mul3A_325 : i32
        %swap3A_328 = arith.index_cast %add3A_327 : i32 to index
        %swap3A_329 = tpu.vector_load %arg9[%swap3A_328] {strides = array<i32>} : memref<16384xf32, #tpu.memory_space<vmem>>, vector<16xf32>,
        tpu.vector_store %arg9[%swap3A_328], %broadcast_in_dim3A_34 {strides = array<i32>} : memref<16384xf32, #tpu.memory_space<vmem>>, vector<16xf32>,
        %mul3A_330 = arith.constant 16 : i32
        %mul3A_331 = arith.muli %scan3A_205, %mul3A_330 : i32
        %add3A_332 = arith.constant 5120 : i32
        %add3A_333 = arith.addi %add3A_332, %mul3A_331 : i32
        %swap3A_334 = arith.index_cast %add3A_333 : i32 to index
        %swap3A_335 = tpu.vector_load %arg9[%swap3A_334] {strides = array<i32>} : memref<16384xf32, #tpu.memory_space<vmem>>, vector<16xf32>,
        tpu.vector_store %arg9[%swap3A_334], %broadcast_in_dim3A_34 {strides = array<i32>} : memref<16384xf32, #tpu.memory_space<vmem>>, vector<16xf32>,
        %mul3A_336 = arith.constant 16 : i32
        %mul3A_337 = arith.muli %scan3A_205, %mul3A_336 : i32
        %add3A_338 = arith.constant 6144 : i32
        %add3A_339 = arith.addi %add3A_338, %mul3A_337 : i32
        %swap3A_340 = arith.index_cast %add3A_339 : i32 to index
        %swap3A_341 = tpu.vector_load %arg9[%swap3A_340] {strides = array<i32>} : memref<16384xf32, #tpu.memory_space<vmem>>, vector<16xf32>,
        tpu.vector_store %arg9[%swap3A_340], %broadcast_in_dim3A_34 {strides = array<i32>} : memref<16384xf32, #tpu.memory_space<vmem>>, vector<16xf32>,
        %mul3A_342 = arith.constant 16 : i32
        %mul3A_343 = arith.muli %scan3A_205, %mul3A_342 : i32
        %add3A_344 = arith.constant 7168 : i32
        %add3A_345 = arith.addi %add3A_344, %mul3A_343 : i32
        %swap3A_346 = arith.index_cast %add3A_345 : i32 to index
        %swap3A_347 = tpu.vector_load %arg9[%swap3A_346] {strides = array<i32>} : memref<16384xf32, #tpu.memory_space<vmem>>, vector<16xf32>,
        tpu.vector_store %arg9[%swap3A_346], %broadcast_in_dim3A_34 {strides = array<i32>} : memref<16384xf32, #tpu.memory_space<vmem>>, vector<16xf32>,
        %mul3A_348 = arith.constant 16 : i32
        %mul3A_349 = arith.muli %scan3A_205, %mul3A_348 : i32
        %add3A_350 = arith.constant 8192 : i32
        %add3A_351 = arith.addi %add3A_350, %mul3A_349 : i32
        %swap3A_352 = arith.index_cast %add3A_351 : i32 to index
        %swap3A_353 = tpu.vector_load %arg9[%swap3A_352] {strides = array<i32>} : memref<16384xf32, #tpu.memory_space<vmem>>, vector<16xf32>,
        tpu.vector_store %arg9[%swap3A_352], %broadcast_in_dim3A_34 {strides = array<i32>} : memref<16384xf32, #tpu.memory_space<vmem>>, vector<16xf32>,
        %mul3A_354 = arith.constant 16 : i32
        %mul3A_355 = arith.muli %scan3A_205, %mul3A_354 : i32
        %add3A_356 = arith.constant 9216 : i32
        %add3A_357 = arith.addi %add3A_356, %mul3A_355 : i32
        %swap3A_358 = arith.index_cast %add3A_357 : i32 to index
        %swap3A_359 = tpu.vector_load %arg9[%swap3A_358] {strides = array<i32>} : memref<16384xf32, #tpu.memory_space<vmem>>, vector<16xf32>,
        tpu.vector_store %arg9[%swap3A_358], %broadcast_in_dim3A_34 {strides = array<i32>} : memref<16384xf32, #tpu.memory_space<vmem>>, vector<16xf32>,
        %mul3A_360 = arith.constant 16 : i32
        %mul3A_361 = arith.muli %scan3A_205, %mul3A_360 : i32
        %add3A_362 = arith.constant 10240 : i32
        %add3A_363 = arith.addi %add3A_362, %mul3A_361 : i32
        %swap3A_364 = arith.index_cast %add3A_363 : i32 to index
        %swap3A_365 = tpu.vector_load %arg9[%swap3A_364] {strides = array<i32>} : memref<16384xf32, #tpu.memory_space<vmem>>, vector<16xf32>,
        tpu.vector_store %arg9[%swap3A_364], %broadcast_in_dim3A_34 {strides = array<i32>} : memref<16384xf32, #tpu.memory_space<vmem>>, vector<16xf32>,
        %mul3A_366 = arith.constant 16 : i32
        %mul3A_367 = arith.muli %scan3A_205, %mul3A_366 : i32
        %add3A_368 = arith.constant 11264 : i32
        %add3A_369 = arith.addi %add3A_368, %mul3A_367 : i32
        %swap3A_370 = arith.index_cast %add3A_369 : i32 to index
        %swap3A_371 = tpu.vector_load %arg9[%swap3A_370] {strides = array<i32>} : memref<16384xf32, #tpu.memory_space<vmem>>, vector<16xf32>,
        tpu.vector_store %arg9[%swap3A_370], %broadcast_in_dim3A_34 {strides = array<i32>} : memref<16384xf32, #tpu.memory_space<vmem>>, vector<16xf32>,
        %mul3A_372 = arith.constant 16 : i32
        %mul3A_373 = arith.muli %scan3A_205, %mul3A_372 : i32
        %add3A_374 = arith.constant 12288 : i32
        %add3A_375 = arith.addi %add3A_374, %mul3A_373 : i32
        %swap3A_376 = arith.index_cast %add3A_375 : i32 to index
        %swap3A_377 = tpu.vector_load %arg9[%swap3A_376] {strides = array<i32>} : memref<16384xf32, #tpu.memory_space<vmem>>, vector<16xf32>,
        tpu.vector_store %arg9[%swap3A_376], %broadcast_in_dim3A_34 {strides = array<i32>} : memref<16384xf32, #tpu.memory_space<vmem>>, vector<16xf32>,
        %mul3A_378 = arith.constant 16 : i32
        %mul3A_379 = arith.muli %scan3A_205, %mul3A_378 : i32
        %add3A_380 = arith.constant 13312 : i32
        %add3A_381 = arith.addi %add3A_380, %mul3A_379 : i32
        %swap3A_382 = arith.index_cast %add3A_381 : i32 to index
        %swap3A_383 = tpu.vector_load %arg9[%swap3A_382] {strides = array<i32>} : memref<16384xf32, #tpu.memory_space<vmem>>, vector<16xf32>,
        tpu.vector_store %arg9[%swap3A_382], %broadcast_in_dim3A_34 {strides = array<i32>} : memref<16384xf32, #tpu.memory_space<vmem>>, vector<16xf32>,
        %mul3A_384 = arith.constant 16 : i32
        %mul3A_385 = arith.muli %scan3A_205, %mul3A_384 : i32
        %add3A_386 = arith.constant 14336 : i32
        %add3A_387 = arith.addi %add3A_386, %mul3A_385 : i32
        %swap3A_388 = arith.index_cast %add3A_387 : i32 to index
        %swap3A_389 = tpu.vector_load %arg9[%swap3A_388] {strides = array<i32>} : memref<16384xf32, #tpu.memory_space<vmem>>, vector<16xf32>,
        tpu.vector_store %arg9[%swap3A_388], %broadcast_in_dim3A_34 {strides = array<i32>} : memref<16384xf32, #tpu.memory_space<vmem>>, vector<16xf32>,
        %mul3A_390 = arith.constant 16 : i32
        %mul3A_391 = arith.muli %scan3A_205, %mul3A_390 : i32
        %add3A_392 = arith.constant 15360 : i32
        %add3A_393 = arith.addi %add3A_392, %mul3A_391 : i32
        %swap3A_394 = arith.index_cast %add3A_393 : i32 to index
        %swap3A_395 = tpu.vector_load %arg9[%swap3A_394] {strides = array<i32>} : memref<16384xf32, #tpu.memory_space<vmem>>, vector<16xf32>,
        tpu.vector_store %arg9[%swap3A_394], %broadcast_in_dim3A_34 {strides = array<i32>} : memref<16384xf32, #tpu.memory_space<vmem>>, vector<16xf32>,
        %max3A = arith.maximumf %get3A_210, %get3A_216 : vector<16xf32>
        %max3A_396 = arith.maximumf %get3A_222, %get3A_228 : vector<16xf32>
        %max3A_397 = arith.maximumf %get3A_234, %get3A_240 : vector<16xf32>
        %max3A_398 = arith.maximumf %get3A_246, %get3A_252 : vector<16xf32>
        %max3A_399 = arith.maximumf %get3A_258, %get3A_264 : vector<16xf32>
        %max3A_400 = arith.maximumf %get3A_270, %get3A_276 : vector<16xf32>
        %max3A_401 = arith.maximumf %get3A_282, %get3A_288 : vector<16xf32>
        %max3A_402 = arith.maximumf %get3A_294, %get3A_300 : vector<16xf32>
        %max3A_403 = arith.maximumf %max3A, %max3A_396 : vector<16xf32>
        %max3A_404 = arith.maximumf %max3A_397, %max3A_398 : vector<16xf32>
        %max3A_405 = arith.maximumf %max3A_399, %max3A_400 : vector<16xf32>
        %max3A_406 = arith.maximumf %max3A_401, %max3A_402 : vector<16xf32>
        %max3A_407 = arith.maximumf %max3A_403, %max3A_404 : vector<16xf32>
        %max3A_408 = arith.maximumf %max3A_405, %max3A_406 : vector<16xf32>
        %max3A_409 = arith.maximumf %max3A_407, %max3A_408 : vector<16xf32>
        %mul3A_410 = arith.constant 16 : i32
        %mul3A_411 = arith.muli %scan3A_205, %mul3A_410 : i32
        %swap3A_412 = arith.index_cast %mul3A_411 : i32 to index
        %swap3A_413 = tpu.vector_load %arg10[%swap3A_412] {strides = array<i32>} : memref<1024xf32, #tpu.memory_space<vmem>>, vector<16xf32>,
        tpu.vector_store %arg10[%swap3A_412], %max3A_409 {strides = array<i32>} : memref<1024xf32, #tpu.memory_space<vmem>>, vector<16xf32>,
      }
      %scan3A_196 = arith.constant 64 : i32
      %add3A_197 = arith.constant 2 : i32
      %add3A_198 = arith.addi %add3A_134, %add3A_197 : i32
      %dma_start3A_199 = arith.constant 0 : i32
      %dma_start3A_200 = tpu.memref_slice %arg4[%select_n3A, %add3A_198, %dma_start3A_199] : memref<4x192x1024xf32, #tpu.memory_space<hbm>> -> memref<1x1x1024xf32, #tpu.memory_space<hbm>>
      %dma_start3A_201 = tpu.memref_squeeze %dma_start3A_200 : memref<1x1x1024xf32, #tpu.memory_space<hbm>> -> memref<1024xf32, #tpu.memory_space<hbm>>
      %dma_start3A_202 = arith.constant 0 : i32
      %dma_start3A_203 = tpu.memref_slice %arg4[%select_n3A, %add3A_198, %dma_start3A_202] : memref<4x192x1024xf32, #tpu.memory_space<hbm>> -> memref<1x1x1024xf32, #tpu.memory_space<hbm>>
      %dma_start3A_204 = tpu.memref_squeeze %dma_start3A_203 : memref<1x1x1024xf32, #tpu.memory_space<hbm>> -> memref<1024xf32, #tpu.memory_space<hbm>>
      tpu.enqueue_dma source(%arg10 : memref<1024xf32, #tpu.memory_space<vmem>>) target(%dma_start3A_204 : memref<1024xf32, #tpu.memory_space<hbm>>) target_semaphore(%arg18 : memref<!tpu.dma_semaphore, #tpu.memory_space<semaphore_mem>>)
    }
    %scan3A_115 = arith.constant 8 : i32
    %dma_wait3A = arith.constant 0 : i32
    %dma_wait3A_116 = arith.constant 0 : i32
    %dma_wait3A_117 = tpu.memref_slice %arg4[%select_n3A, %dma_wait3A, %dma_wait3A_116] : memref<4x192x1024xf32, #tpu.memory_space<hbm>> -> memref<1x1x1024xf32, #tpu.memory_space<hbm>>
    %dma_wait3A_118 = tpu.memref_squeeze %dma_wait3A_117 : memref<1x1x1024xf32, #tpu.memory_space<hbm>> -> memref<1024xf32, #tpu.memory_space<hbm>>
    %dma_wait3A_119 = arith.constant 0 : i32
    %dma_wait3A_120 = tpu.memref_slice %arg4[%select_n3A, %dma_wait3A, %dma_wait3A_119] : memref<4x192x1024xf32, #tpu.memory_space<hbm>> -> memref<1x1x1024xf32, #tpu.memory_space<hbm>>
    %dma_wait3A_121 = tpu.memref_squeeze %dma_wait3A_120 : memref<1x1x1024xf32, #tpu.memory_space<hbm>> -> memref<1024xf32, #tpu.memory_space<hbm>>
    tpu.wait_dma2 semaphore(%arg18 : memref<!tpu.dma_semaphore, #tpu.memory_space<semaphore_mem>>) src(%arg10 : memref<1024xf32, #tpu.memory_space<vmem>>) dst(%dma_wait3A_121 : memref<1024xf32, #tpu.memory_space<hbm>>)
    %dma_wait3A_122 = arith.constant 0 : i32
    %dma_wait3A_123 = arith.constant 0 : i32
    %dma_wait3A_124 = tpu.memref_slice %arg4[%select_n3A, %dma_wait3A_122, %dma_wait3A_123] : memref<4x192x1024xf32, #tpu.memory_space<hbm>> -> memref<1x1x1024xf32, #tpu.memory_space<hbm>>
    %dma_wait3A_125 = tpu.memref_squeeze %dma_wait3A_124 : memref<1x1x1024xf32, #tpu.memory_space<hbm>> -> memref<1024xf32, #tpu.memory_space<hbm>>
    %dma_wait3A_126 = arith.constant 0 : i32
    %dma_wait3A_127 = tpu.memref_slice %arg4[%select_n3A, %dma_wait3A_122, %dma_wait3A_126] : memref<4x192x1024xf32, #tpu.memory_space<hbm>> -> memref<1x1x1024xf32, #tpu.memory_space<hbm>>
    %dma_wait3A_128 = tpu.memref_squeeze %dma_wait3A_127 : memref<1x1x1024xf32, #tpu.memory_space<hbm>> -> memref<1024xf32, #tpu.memory_space<hbm>>
    tpu.wait_dma2 semaphore(%arg19 : memref<!tpu.dma_semaphore, #tpu.memory_space<semaphore_mem>>) src(%arg11 : memref<1024xf32, #tpu.memory_space<vmem>>) dst(%dma_wait3A_128 : memref<1024xf32, #tpu.memory_space<hbm>>)
    return
  }
}

</mosaic_0001>

<sc_bundles>
// kernel: _sup_pix_pool.3.cloned.1.call-start
scs
__scs_entry_jumppad:
0x0: {  	(pc) =	sbr.rel $0x88, $3  }
0x1: {  	(tag) =	ssettag $0x0;
	lr =	simm.s32 $0x1  }
0x2: {  	[smem:$0x3F9F] =	sst lr;
	_ =	strace $0xD0000000  }
0x3: {  	_ = 	snop  }
0x4: {  	_ = 	snop  }
0x5: {  	_ = 	snop  }
0x6: {  	_ = 	snop  }
0x7: {  	_ = 	snop  }
__scs_overlays_trampoline_lowered:
0x8: {  	[smem:$0x3FAE] =	sst s0  }
0x9: {  	[smem:$0x3FAF] =	sst s1  }
0xa: {  	[smem:$0x3FB0] =	sst s2  }
0xb: {  	[smem:$0x3FB1] =	sst s3  }
0xc: {  	[smem:$0x3FB2] =	sst s4  }
0xd: {  	[smem:$0x3FB3] =	sst s5  }
0xe: {  	[smem:$0x3FB4] =	sst s6  }
0xf: {  	[smem:$0x3FB5] =	sst s7  }
0x10: {  	[smem:$0x3FB6] =	sst s8  }
0x11: {  	[smem:$0x3FB7] =	sst s9;
	s0 =	simm.s32 @!p0 $0x0  }
0x12: {  	s1 =	sld [smem:$0x3F9D];
	s0 =	simm.s32 @p0 $0x1  }
0x13: {  	[smem:$0x3FB8] =	sst s0;
	s0 =	simm.s32 @!p1 $0x0  }
0x14: {  	s2 =	sld [smem:$0x3F9C];
	s0 =	simm.s32 @p1 $0x1  }
0x15: {  	[smem:$0x3FB9] =	sst s0;
	s0 =	simm.s32 @!p2 $0x0  }
0x16: {  	s3 =	sld [smem:$0x3FDB];
	s0 =	simm.s32 @p2 $0x1  }
0x17: {  	s4 =	simm.s32 $0x1BF5;
	[smem:$0x3FBB] =	sst s0  }
0x18: {  	s0 =	sld [smem:$0x3F9E];
	_ =	swait.ge [sflag:s4], $0x0  }
0x19: {  	s7 =	sld [smem:$0x3F9F]  }
0x1a: {  	s8 =	sadd.s32 $0xFFFFE003, lr  }
0x1b: {  	s9 =	sadd.s32 $0xFFFFFEF7, lr;
	s5 =	simm.s32 $0xFFFFFFFF;
	p2 =	slt.u32 s8, $0xFFFFF086  }
0x1c: {  	p1 =	slt.u32 s9, $0xF7A;
	s5 =	simm.s32 @!p2 $0x0  }
0x1d: {  	s5 =	simm.s32 @p1 $0x1;
	p0 =	seq.s32 s7, s2  }
0x1e: {  	s7 =	smul.u32 @!p0 $0xF7A, s2;
	p2 =	seq.s32 @!p0 s5, $0x0  }
0x1f: {  	s9 =	smul.u32 $0xF7A, s1;
	s8 =	simm.s32 @!p0 $0x1BF5;
	p2 =	por !p2, p0  }
0x20: {  	[sflag:s8] =	ssyncset.s32 @!p0 $0xFFFFF086;
	s6 =	sadd.s32 @!p0 s3, s7;
	s7 =	simm.s32 @!p0 $0x108  }
0x21: {  	s3 =	sadd.s32 s3, s9;
	s6 =	sadd.s32 @!p0 $0x88, s6;
	s7 =	simm.s32 @p2 $0x1082  }
0x22: {  	[simem:s7], [sflag:s8] =	dma.local @!p0 [hbm:s6], $0xF7A  }
0x23: {  	s9 =	sor.u32 $0xD0000000, s2;
	s6 =	simm.s32 $0x108;
	_ =	swait.ge @!p0 [sflag:s8], $0x0  }
0x24: {  	s3 =	sadd.s32 $0x88, s3;
	s6 =	simm.s32 @!p1 $0x1082;
	[sflag:s4] =	ssyncset.s32 $0xFFFFF086  }
0x25: {  	[simem:s6], [sflag:s4] =	dma.local [hbm:s3], $0xF7A  }
0x26: {  	[smem:$0x3F9F] =	sst s1;
	(tag) =	ssettag s2;
	_ =	strace s9  }
0x27: {  	s1 =	sld [smem:$0x3FAF]  }
0x28: {  	s2 =	sld [smem:$0x3FB0]  }
0x29: {  	s4 =	sld [smem:$0x3FB2]  }
0x2a: {  	p0 =	seq.s32 s5, $0x0;
	s5 =	sld [smem:$0x3FB3]  }
0x2b: {  	s6 =	sld [smem:$0x3FB4]  }
0x2c: {  	s7 =	sld [smem:$0x3FB5]  }
0x2d: {  	s3 =	simm.s32 $0x108;
	s8 =	sld [smem:$0x3FB6]  }
0x2e: {  	s3 =	simm.s32 @!p0 $0x1082;
	s9 =	sld [smem:$0x3FB7]  }
0x2f: {  	lr =	sadd.s32 s0, s3;
	s0 =	sld [smem:$0x3FAE]  }
0x30: {  	s3 =	sld [smem:$0x3FB1]  }
0x31: {  	[smem:$0x3FBA] =	sst s10  }
0x32: {  	s10 =	sld [smem:$0x3FB8];
	_ =	sdelay $0x3  }
0x33: {  	p0 =	seq.s32 s10, $0x1;
	s10 =	sld [smem:$0x3FBA];
	_ =	sdelay $0x3  }
0x34: {  	[smem:$0x3FBA] =	sst s10  }
0x35: {  	s10 =	sld [smem:$0x3FB9];
	_ =	sdelay $0x3  }
0x36: {  	p1 =	seq.s32 s10, $0x1;
	s10 =	sld [smem:$0x3FBA];
	_ =	sdelay $0x3  }
0x37: {  	[smem:$0x3FBA] =	sst s10  }
0x38: {  	s10 =	sld [smem:$0x3FBB]  }
0x39: {  	_ = 	snop;
	(pc) =	sbr.ind lr, $3  }
0x3a: {  	_ = 	snop  }
0x3b: {  	_ = 	snop  }
0x3c: {  	p2 =	seq.s32 s10, $0x1;
	s10 =	sld [smem:$0x3FBA]  }
0x3d: {  	_ =	shalt  }
0x3e: {  	_ =	shalt  }
0x3f: {  	_ =	shalt  }
0x40: {  	_ =	shalt  }
0x41: {  	_ =	shalt  }
0x42: {  	_ =	shalt  }
0x43: {  	_ =	shalt  }
0x44: {  	_ =	shalt  }
0x45: {  	_ =	shalt  }
0x46: {  	_ =	shalt  }
0x47: {  	_ =	shalt  }
0x48: {  	_ =	shalt  }
0x49: {  	_ =	shalt  }
0x4a: {  	_ =	shalt  }
0x4b: {  	_ =	shalt  }
0x4c: {  	_ =	shalt  }
0x4d: {  	_ =	shalt  }
0x4e: {  	_ =	shalt  }
0x4f: {  	_ =	shalt  }
0x50: {  	_ =	shalt  }
0x51: {  	_ =	shalt  }
0x52: {  	_ =	shalt  }
0x53: {  	_ =	shalt  }
0x54: {  	_ =	shalt  }
0x55: {  	_ =	shalt  }
0x56: {  	_ =	shalt  }
0x57: {  	_ =	shalt  }
0x58: {  	_ =	shalt  }
0x59: {  	_ =	shalt  }
0x5a: {  	_ =	shalt  }
0x5b: {  	_ =	shalt  }
0x5c: {  	_ =	shalt  }
0x5d: {  	_ =	shalt  }
0x5e: {  	_ =	shalt  }
0x5f: {  	_ =	shalt  }
0x60: {  	_ =	shalt  }
0x61: {  	_ =	shalt  }
0x62: {  	_ =	shalt  }
0x63: {  	_ =	shalt  }
0x64: {  	_ =	shalt  }
0x65: {  	_ =	shalt  }
0x66: {  	_ =	shalt  }
0x67: {  	_ =	shalt  }
0x68: {  	_ =	shalt  }
0x69: {  	_ =	shalt  }
0x6a: {  	_ =	shalt  }
0x6b: {  	_ =	shalt  }
0x6c: {  	_ =	shalt  }
0x6d: {  	_ =	shalt  }
0x6e: {  	_ =	shalt  }
0x6f: {  	_ =	shalt  }
0x70: {  	_ =	shalt  }
0x71: {  	_ =	shalt  }
0x72: {  	_ =	shalt  }
0x73: {  	_ =	shalt  }
0x74: {  	_ =	shalt  }
0x75: {  	_ =	shalt  }
0x76: {  	_ =	shalt  }
0x77: {  	_ =	shalt  }
0x78: {  	_ =	shalt  }
0x79: {  	_ =	shalt  }
0x7a: {  	_ =	shalt  }
0x7b: {  	_ =	shalt  }
0x7c: {  	_ =	shalt  }
0x7d: {  	_ =	shalt  }
0x7e: {  	_ =	shalt  }
0x7f: {  	_ =	shalt  }
0x80: {  	_ =	shalt  }
0x81: {  	_ =	shalt  }
0x82: {  	_ =	shalt  }
0x83: {  	_ =	shalt  }
0x84: {  	_ =	shalt  }
0x85: {  	_ =	shalt  }
0x86: {  	_ =	shalt  }
0x87: {  	_ =	shalt  }
.Lfunc_end0:
.L_simem_size_0:
called_computation_lowered:
.L_overlay_start_0:
0x88: {  	s2 =	sld [smem:$0x3FD9]  }
0x89: {  	s3 =	sld [smem:$0x3FFE];
	_ =	sdelay $0x1  }
0x8a: {  	s1 =	srdreg.scid  }
0x8b: {  	s0 =	sand.u32 $0x1, s1  }
0x8c: {  	s18 =	sshll.u32 s0, $0xA;
	s2 =	sadd.s32 s3, s2  }
0x8d: {  	s2 =	sadd.s32 s2, s18  }
0x8e: {  	[smem:$0x3FC6] =	sst s2  }
0x8f: {  	_ = 	snop  }
0x90: {  	s2 =	sld [smem:$0x3FC9]  }
0x91: {  	s19 =	sld [smem:$0x3FC8]  }
0x92: {  	s4 =	sld [smem:$0x3FD0];
	(tm) =	ssettm $0x1  }
0x93: {  	s5 =	sld [smem:$0x3FFB];
	_ =	sdelay $0x3  }
0x94: {  	_ =	strace s5  }
0x95: {  	s5 =	sld [smem:$0x3FFC];
	_ =	sdelay $0x3  }
0x96: {  	_ =	strace s5  }
0x97: {  	s5 =	sld [smem:$0x3FFD];
	_ =	sdelay $0x3  }
0x98: {  	_ =	strace s5  }
0x99: {  	_ =	strace $0x8FFFFFFF  }
0x9a: {  	s20 =	sld [smem:$0x3FDB];
	_ =	sdelay $0x1  }
0x9b: {  	s6 =	simm.s32 $_scs_section_size  }
0x9c: {  	s7 =	simm.s32 $_size__tile_overlayer_lowered;
	s8 =	simm.s32 $_tile_overlayer_lowered  }
0x9d: {  	s23 =	simm.s32 $0x1BFF;
	s22 =	sshll.u32 s8, $0x1;
	s5 =	sadd.s32 s6, s20  }
0x9e: {  	s9 =	simm.s32 $0x0;
	s21 =	sshll.u32 s7, $0x1;
	s7 =	sadd.s32 s22, s5  }
0x9f: {  	[timem:s9], [sflag:s23] =	dma.local [hbm:s7], s21  }
0xa0: {  	_ =	swait.ge [sflag:s23], s21  }
0xa1: {  	s6 =	ssub.s32 $0x0, s21;
	[sflag:s23] =	ssyncset.done $0x0  }
0xa2: {  	[sflag:s23] =	ssyncadd.s32 s6;
	_ =	sdelay $0x1  }
0xa3: {  	s24 =	simm.s32 $0x1B8B  }
0xa4: {  	_ =	swait.ge [sflag:s24], $0x1  }
0xa5: {  	[sflag:s24] =	ssyncset.done $0x0  }
0xa6: {  	s25 =	simm.s32 $0x1B8E;
	[sflag:s24] =	ssyncadd.s32 $0xFFFFFFFF  }
0xa7: {  	s26 =	simm.s32 $execute0_lowered;
	[smem:$0x3FD2] =	sst s25  }
0xa8: {  	s6 =	sshll.u32 s26, $0x1;
	_ =	strace $0x80000046;
	[dreg:$0x1] =	wrdreg $0xFFFFFFFF  }
0xa9: {  	s28 =	simm.s32 $_size_execute0_lowered;
	s5 =	sadd.s32 s5, s6;
	[dreg:$0x0] =	wrdreg $0x0  }
0xaa: {  	s6 =	sshll.u32 s28, $0x1;
	[dreg:$0x2] =	wrdreg s5  }
0xab: {  	[dreg:$0x3] =	wrdreg s6  }
0xac: {  	[dreg:$0x4] =	wrdreg $0xC0  }
0xad: {  	_ =	task [dreg:s9], $0x5FFFF  }
0xae: {  	[dreg:$0x1] =	wrdreg $0xFFFFFFFF  }
0xaf: {  	[dreg:$0x0] =	wrdreg $0x60  }
0xb0: {  	[dreg:$0x2] =	wrdreg s2  }
0xb1: {  	[dreg:$0x3] =	wrdreg s19  }
0xb2: {  	[dreg:$0x4] =	wrdreg s4  }
0xb3: {  	[dreg:$0x5] =	wrdreg $0x9  }
0xb4: {  	_ =	task.clear_ibuf [dreg:s9], $0x6FFFF;
	_ =	strace $0x90000046  }
0xb5: {  	s29 =	simm.s32 $0x9;
	_ =	strace $0x80000048  }
0xb6: {  	_ =	swait.ge [sflag:s29], $0x1  }
0xb7: {  	[sflag:s29] =	ssyncadd.s32 $0xFFFFFFFF  }
0xb8: {  	_ =	strace $0x90000048  }
0xb9: {  	_ =	sfence  }
0xba: {  	s30 =	sld [smem:$0x0];
	_ =	sdelay $0x2  }
0xbb: {  	s31 =	sshll.u32 s1, $0xD;
	s1 =	sshrl.u32 s1, $0x2  }
0xbc: {  	s3 =	sand.u32 $0x4000, s31;
	s1 =	sadd.s32 s1, s30  }
0xbd: {  	s0 =	sor.u32 s3, s0;
	s1 =	sshll.u32 s1, $0x11  }
0xbe: {  	s0 =	sor.u32 s1, s0  }
0xbf: {  	s0 =	sadd.s32 $0x8F2B, s0  }
0xc0: {  	[sflag:s0] =	ssyncadd.remote.s32 $0x1  }
0xc1: {  	_ =	sfence.sel $0xFFFF  }
0xc2: {  	[dreg:$0x0] =	wrdreg $0xFFFFFFFF;
	(pc) =	sbr.abs _section_cstart, $3  }
0xc3: {  	[dreg:$0x1] =	wrdreg $0xFFFFFFFF  }
0xc4: {  	_ =	task.clear_ibuf [dreg:s9], $0x2FFFF;
	_ =	strace $0x9FFFFFFF  }
0xc5: {  	(tm) =	ssettm $0x7FFFFFFF  }
tec
execute0_lowered:
.L_overlay_start_1:
0x0: {  	(tag) =	ssettag $0x1  }
0x1: {  	s2 =	rddreg [dreg:$0x0]  }
0x2: {  	s0 =	rddreg [dreg:$0x1]  }
0x3: {  	s9 =	rddreg [dreg:$0x2];
	s4 =	stileid.u32  }
0x4: {  	s1 =	srdreg.scid;
	s5 =	simm.s32 $0x0;
	s28 =	simm.s32 $0xDC00  }
0x5: {  	s29 =	simm.s32 $0xE400;
	s30 =	simm.s32 $0xEC00;
	s31 =	simm.s32 $0xF400  }
0x6: {  	s3 =	sshll.u32 s4, $0x1;
	s1 =	sand.u32 $0x1, s1;
	s4 =	sshrl.u32 s4, $0x2  }
0x7: {  	[smem:$0x7FF] =	sst s5;
	s3 =	sand.u32 $0x6, s3;
	s7 =	sshll.u32 s4, $0x4  }
0x8: {  	s8 =	smul.u32 $0xA80000, s4;
	_ =	strace $0x80000047;
	s0 =	sadd.s32 s0, s7  }
0x9: {  	s16 =	smul.u32 $0x30000, s4;
	s3 =	sor.u32 s1, s3;
	[dreg:$0x6] =	wrdreg s0  }
0xa: {  	s1 =	ssub.s32 $0x2, s1;
	s10 =	sor.u32 $0x1C000, s8;
	[dreg:$0x4] =	wrdreg s8  }
0xb: {  	s7 =	simm.s32 $0x80;
	s22 =	sor.u32 $0xE000, s8;
	[dreg:$0x5] =	wrdreg s10  }
0xc: {  	s18 =	smul.u32 $0x150000, s3;
	s23 =	sor.u32 $0x2A000, s8;
	[dreg:$0xb] =	wrdreg s22  }
0xd: {  	s6 =	sshrl.u32 s1, $0x1;
	s24 =	sor.u32 $0x38000, s8;
	[dreg:$0xc] =	wrdreg s23  }
0xe: {  	s3 =	smul.u32 $0x18, s3;
	s25 =	sor.u32 $0x46000, s8;
	[dreg:$0xd] =	wrdreg s24  }
0xf: {  	s1 =	ssub.s32 s1, s6;
	[dreg:$0xe] =	wrdreg s25;
	s24 =	simm.s32 $0x1  }
0x10: {  	s25 =	simm.s32 $0x2;
	s22 =	simm.s32 $0x6;
	s19 =	sadd.s32 s8, s18  }
0x11: {  	s5 =	sadd.s32 s18, s10;
	[dreg:$0x8] =	wrdreg s3;
	s26 =	smax.u32 s1, $0x1  }
0x12: {  	s1 =	simm.s32 $0x17400;
	s6 =	sshrl.u32 s19, $0x3;
	s20 =	sshrl.u32 s5, $0x3  }
0x13: {  	[dreg:$0xf] =	wrdreg s26;
	s26 =	simm.s32 $0x3;
	s6 =	sadd.s32 s2, s6  }
0x14: {  	s19 =	simm.s32 $0x4;
	s0 =	sadd.s32 s2, s20;
	[dreg:$0x7] =	wrdreg s6  }
0x15: {  	v0 =	vlaneseq.u32;
	s5 =	simm.s32 $0x0;
	s21 =	sadd.s32 $0x1C00, s6;
	[dreg:$0xa] =	wrdreg s0  }
0x16: {  	v1 =	vimm.f32 $-Inf;
	v0 =	vmul.u32 $0x400, v0;
	s0 =	simm.s32 $0x13400;
	[dreg:$0x9] =	wrdreg s21;
	s21 =	simm.s32 $0x5  }
.LBB2_1:
0x17: {  	[dreg:$0x10] =	wrdreg s5;
	s3 =	simm.s32 $0x0  }
0x18: {  	s4 =	rddreg [dreg:$0x6];
	s20 =	simm.s32 $0x200;
	s23 =	simm.s32 $0x9  }
0x19: {  	[tilespmem:s3], [sflag:$0x9] =	stream.strided.gather [hbm4b:s4+s7], $0xC400, s20, s7, $0x38;
	[tilespmem:$0x1BC00] =	vst v63  }
0x1a: {  	_ =	swait.ge [sflag:s23], $0xC400  }
0x1b: {  	[sflag:s23] =	ssyncset.done $0x0  }
0x1c: {  	s3 =	simm.s32 $0x0;
	[sflag:s23] =	ssyncadd.s32 $0xFFFF3C00  }
0x1d: {  	v4 =	vld [tilespmem:s3+$0x0]  }
0x1e: {  	v3 =	vld [tilespmem:s3+$0x10]  }
0x1f: {  	s4 =	simm.s32 $0x100;
	v2 =	vld [tilespmem:s3+$0x20]  }
.LBB2_2:
0x20: {  	p0 =	sne.s32 s4, $0x30F00;
	v5 =	vld [tilespmem:s3+$0x30];
	_ =	sdelay $0x1  }
.Ltmp0:
0x21: {  	v4 =	vadd.s32 v0, v4;
	(pc) =	sbr.rel @p0 .LBB2_2-.Ltmp0, $4  }
0x22: {  	s5 =	sshra.s32 s4, $0x2;
	[tilespmem:s3+$0x0] =	vst v4;
	v3 =	vadd.s32 v0, v3  }
0x23: {  	v4 =	vld [tilespmem:s5+$0x0];
	[tilespmem:s3+$0x10] =	vst v3;
	v2 =	vadd.s32 v0, v2  }
0x24: {  	v3 =	vld [tilespmem:s5+$0x10];
	[tilespmem:s3+$0x20] =	vst v2;
	v5 =	vadd.s32 v0, v5  }
0x25: {  	s4 =	sadd.s32 $0x100, s4;
	v2 =	vld [tilespmem:s5+$0x20];
	[tilespmem:s3+$0x30] =	vst v5;
	s3 =	smov.u32 s5  }
0x26: {  	v5 =	vld [tilespmem:s3+$0x30];
	_ =	sdelay $0x1  }
0x27: {  	v4 =	vadd.s32 v0, v4  }
0x28: {  	[tilespmem:s3+$0x0] =	vst v4;
	v3 =	vadd.s32 v0, v3  }
0x29: {  	[tilespmem:s3+$0x10] =	vst v3;
	v2 =	vadd.s32 v0, v2  }
0x2a: {  	[tilespmem:s3+$0x20] =	vst v2;
	v2 =	vadd.s32 v0, v5  }
0x2b: {  	s4 =	simm.s32 $0x0;
	[tilespmem:s3+$0x30] =	vst v2;
	s3 =	simm.s32 $0x40  }
.LBB2_4:
0x2c: {  	p0 =	sne.s32 s3, $0xFFC0;
	[tilespmem:s4+$0x17400] =	vst v1;
	s5 =	smov.u32 s3;
	s3 =	sadd.s32 $0x40, s3  }
.Ltmp1:
0x2d: {  	[tilespmem:s4+$0xF400] =	vst v1;
	(pc) =	sbr.rel @p0 .LBB2_4-.Ltmp1, $2  }
0x2e: {  	[tilespmem:s4+$0x13400] =	vst v1;
	_ =	sdelay $0x2  }
0x2f: {  	s4 =	sshra.s32 s5, $0x2  }
0x30: {  	[tilespmem:s4+$0x17400] =	vst v1  }
0x31: {  	[tilespmem:s4+$0xF400] =	vst v1  }
0x32: {  	[tilespmem:s4+$0x13400] =	vst v1;
	s8 =	simm.s32 $0x0;
	s3 =	rddreg [dreg:$0x7];
	s15 =	simm.s32 $0xC400  }
0x33: {  	[tilespmem:s15], [sflag:$0x1] =	stream.linear.gather [hbm4b:s3+s8], $0x800, $0x38;
	[tilespmem:$0x1BC00] =	vst v63  }
0x34: {  	s17 =	rddreg [dreg:$0x9];
	s18 =	simm.s32 $0xCC00  }
0x35: {  	[tilespmem:s18], [sflag:$0x2] =	stream.linear.gather [hbm4b:s17+s8], $0x800, $0x38;
	[tilespmem:$0x1BC00] =	vst v63  }
0x36: {  	s20 =	rddreg [dreg:$0xa];
	s23 =	simm.s32 $0xD400  }
0x37: {  	[tilespmem:s23], [sflag:$0x3] =	stream.linear.gather [hbm4b:s20+s8], $0x800, $0x38;
	[tilespmem:$0x1BC00] =	vst v63  }
.LBB2_6:
0x38: {  	s4 =	rddreg [dreg:$0x8]  }
0x39: {  	s3 =	smul.u32 $0x3, s8;
	s17 =	rddreg [dreg:$0x4]  }
0x3a: {  	s18 =	rddreg [dreg:$0xb]  }
0x3b: {  	s10 =	smov.u32 s9;
	s23 =	rddreg [dreg:$0x5];
	s20 =	sadd.s32 s4, s3  }
0x3c: {  	s9 =	simm.s32 $0x700;
	s12 =	simm.s32 $0x7D0;
	s11 =	smul.u32 $0xE000, s20  }
0x3d: {  	s13 =	simm.s32 $0x0;
	s14 =	simm.s32 $0x0;
	s3 =	simm.s32 $0x70  }
0x3e: {  	s17 =	sadd.s32 s17, s11;
	s7 =	sadd.s32 s11, s18;
	s5 =	sadd.s32 s11, s23  }
.LBB2_7:
0x3f: {  	_ =	swait.ge [sflag:s24], $0x800  }
0x40: {  	[sflag:s24] =	ssyncset.done $0x0  }
0x41: {  	[sflag:s24] =	ssyncadd.s32 $0xFFFFF800  }
0x42: {  	_ =	swait.ge [sflag:s25], $0x800  }
0x43: {  	s4 =	sshll.u32 s14, $0xC;
	[sflag:s25] =	ssyncset.done $0x0  }
0x44: {  	s4 =	sor.u32 $0x800, s4;
	[sflag:s25] =	ssyncadd.s32 $0xFFFFF800  }
0x45: {  	s6 =	sadd.s32 s17, s4;
	_ =	swait.ge [sflag:s26], $0x800  }
0x46: {  	s15 =	simm.s32 $0x0;
	s6 =	sshrl.u32 s6, $0x3;
	[sflag:s26] =	ssyncset.done $0x0  }
0x47: {  	s23 =	sadd.s32 s7, s4;
	s6 =	sadd.s32 s2, s6;
	[sflag:s26] =	ssyncadd.s32 $0xFFFFF800  }
0x48: {  	[tilespmem:s28], [sflag:$0x4] =	stream.linear.gather [hbm4b:s6+s15], $0x800, $0x38;
	[tilespmem:$0x1BC00] =	vst v63  }
0x49: {  	s4 =	sadd.s32 s5, s4;
	s6 =	sshrl.u32 s23, $0x3  }
0x4a: {  	s4 =	sshrl.u32 s4, $0x3;
	s6 =	sadd.s32 s2, s6  }
0x4b: {  	[tilespmem:s29], [sflag:$0x5] =	stream.linear.gather [hbm4b:s6+s15], $0x800, $0x38;
	[tilespmem:$0x1BC00] =	vst v63  }
0x4c: {  	s4 =	sadd.s32 s2, s4  }
0x4d: {  	[tilespmem:s30], [sflag:$0x6] =	stream.linear.gather [hbm4b:s4+s15], $0x800, $0x38;
	[tilespmem:$0x1BC00] =	vst v63  }
0x4e: {  	s6 =	smov.u32 s3;
	s4 =	simm.s32 $0xD000  }
.LBB2_8:
0x4f: {  	s18 =	sadd.s32 s15, s13  }
0x50: {  	s23 =	sand.u32 $0x60, s15;
	s18 =	sand.u32 $0x1FF80, s18  }
0x51: {  	s18 =	sor.u32 s23, s18  }
0x52: {  	v2 =	vld [tilespmem:s18+$0x0];
	_ =	sdelay $0x4  }
0x53: {  	v3 =	vld [tilespmem:s4+$0xFFFFF400]  }
0x54: {  	v4 =	vld [tilespmem:s4+$0xFFFFFC00]  }
0x55: {  	v5 =	vld [tilespmem:s4+$0x400]  }
0x56: {  	v6 =	vld.idx.msk [tilespmem:v2+s31+$0x0], $0xffff  }
0x57: {  	v7 =	vld.idx.msk [tilespmem:v2+s0+$0x0], $0xffff  }
0x58: {  	v8 =	vld.idx.msk [tilespmem:v2+s1+$0x0], $0xffff;
	_ =	sdelay $0x2  }
0x59: {  	v3 =	vmax.f32 v6, v3  }
0x5a: {  	[tilespmem:v2+s31+$0x0] =	vst.idx.msk $0xffff, v3;
	v3 =	vmax.f32 v7, v4  }
0x5b: {  	[tilespmem:v2+s0+$0x0] =	vst.idx.msk $0xffff, v3;
	v3 =	vmax.f32 v8, v5  }
0x5c: {  	[tilespmem:v2+s1+$0x0] =	vst.idx.msk $0xffff, v3  }
0x5d: {  	v2 =	vld [tilespmem:s18+$0x10];
	_ =	sdelay $0x4  }
0x5e: {  	v3 =	vld [tilespmem:s4+$0xFFFFF410]  }
0x5f: {  	v51 =	vld [tilespmem:s4+$0xFFFFFC10]  }
0x60: {  	v52 =	vld [tilespmem:s4+$0x410]  }
0x61: {  	v53 =	vld.idx.msk [tilespmem:v2+s31+$0x0], $0xffff  }
0x62: {  	v54 =	vld.idx.msk [tilespmem:v2+s0+$0x0], $0xffff  }
0x63: {  	v55 =	vld.idx.msk [tilespmem:v2+s1+$0x0], $0xffff;
	_ =	sdelay $0x2  }
0x64: {  	v3 =	vmax.f32 v53, v3  }
0x65: {  	[tilespmem:v2+s31+$0x0] =	vst.idx.msk $0xffff, v3;
	v3 =	vmax.f32 v54, v51  }
0x66: {  	[tilespmem:v2+s0+$0x0] =	vst.idx.msk $0xffff, v3;
	v3 =	vmax.f32 v55, v52  }
0x67: {  	[tilespmem:v2+s1+$0x0] =	vst.idx.msk $0xffff, v3  }
0x68: {  	v2 =	vld [tilespmem:s6+$0xFFFFFFB0];
	_ =	sdelay $0x4  }
0x69: {  	v3 =	vld [tilespmem:s4+$0xFFFFF420]  }
0x6a: {  	v56 =	vld [tilespmem:s4+$0xFFFFFC20]  }
0x6b: {  	v57 =	vld [tilespmem:s4+$0x420]  }
0x6c: {  	v58 =	vld.idx.msk [tilespmem:v2+s31+$0x0], $0xffff  }
0x6d: {  	v59 =	vld.idx.msk [tilespmem:v2+s0+$0x0], $0xffff  }
0x6e: {  	v60 =	vld.idx.msk [tilespmem:v2+s1+$0x0], $0xffff;
	_ =	sdelay $0x2  }
0x6f: {  	v3 =	vmax.f32 v58, v3  }
0x70: {  	[tilespmem:v2+s31+$0x0] =	vst.idx.msk $0xffff, v3;
	v3 =	vmax.f32 v59, v56  }
0x71: {  	[tilespmem:v2+s0+$0x0] =	vst.idx.msk $0xffff, v3;
	v3 =	vmax.f32 v60, v57  }
0x72: {  	[tilespmem:v2+s1+$0x0] =	vst.idx.msk $0xffff, v3  }
0x73: {  	v2 =	vld [tilespmem:s6+$0xFFFFFFC0];
	_ =	sdelay $0x4  }
0x74: {  	v3 =	vld [tilespmem:s4+$0xFFFFF430]  }
0x75: {  	v61 =	vld [tilespmem:s4+$0xFFFFFC30]  }
0x76: {  	v62 =	vld [tilespmem:s4+$0x430]  }
0x77: {  	v63 =	vld.idx.msk [tilespmem:v2+s31+$0x0], $0xffff  }
0x78: {  	v12 =	vld.idx.msk [tilespmem:v2+s0+$0x0], $0xffff  }
0x79: {  	v13 =	vld.idx.msk [tilespmem:v2+s1+$0x0], $0xffff;
	_ =	sdelay $0x2  }
0x7a: {  	v3 =	vmax.f32 v63, v3  }
0x7b: {  	[tilespmem:v2+s31+$0x0] =	vst.idx.msk $0xffff, v3;
	v3 =	vmax.f32 v12, v61  }
0x7c: {  	[tilespmem:v2+s0+$0x0] =	vst.idx.msk $0xffff, v3;
	v3 =	vmax.f32 v13, v62  }
0x7d: {  	[tilespmem:v2+s1+$0x0] =	vst.idx.msk $0xffff, v3  }
0x7e: {  	v2 =	vld [tilespmem:s6+$0xFFFFFFD0];
	_ =	sdelay $0x4  }
0x7f: {  	v3 =	vld [tilespmem:s4+$0xFFFFF440]  }
0x80: {  	v14 =	vld [tilespmem:s4+$0xFFFFFC40]  }
0x81: {  	v15 =	vld [tilespmem:s4+$0x440]  }
0x82: {  	v16 =	vld.idx.msk [tilespmem:v2+s31+$0x0], $0xffff  }
0x83: {  	v17 =	vld.idx.msk [tilespmem:v2+s0+$0x0], $0xffff  }
0x84: {  	v18 =	vld.idx.msk [tilespmem:v2+s1+$0x0], $0xffff;
	_ =	sdelay $0x2  }
0x85: {  	v3 =	vmax.f32 v16, v3  }
0x86: {  	[tilespmem:v2+s31+$0x0] =	vst.idx.msk $0xffff, v3;
	v3 =	vmax.f32 v17, v14  }
0x87: {  	[tilespmem:v2+s0+$0x0] =	vst.idx.msk $0xffff, v3;
	v3 =	vmax.f32 v18, v15  }
0x88: {  	[tilespmem:v2+s1+$0x0] =	vst.idx.msk $0xffff, v3  }
0x89: {  	v2 =	vld [tilespmem:s6+$0xFFFFFFE0];
	_ =	sdelay $0x4  }
0x8a: {  	v3 =	vld [tilespmem:s4+$0xFFFFF450]  }
0x8b: {  	v19 =	vld [tilespmem:s4+$0xFFFFFC50]  }
0x8c: {  	v20 =	vld [tilespmem:s4+$0x450]  }
0x8d: {  	v21 =	vld.idx.msk [tilespmem:v2+s31+$0x0], $0xffff  }
0x8e: {  	v22 =	vld.idx.msk [tilespmem:v2+s0+$0x0], $0xffff  }
0x8f: {  	v23 =	vld.idx.msk [tilespmem:v2+s1+$0x0], $0xffff;
	_ =	sdelay $0x2  }
0x90: {  	v3 =	vmax.f32 v21, v3  }
0x91: {  	[tilespmem:v2+s31+$0x0] =	vst.idx.msk $0xffff, v3;
	v3 =	vmax.f32 v22, v19  }
0x92: {  	[tilespmem:v2+s0+$0x0] =	vst.idx.msk $0xffff, v3;
	v3 =	vmax.f32 v23, v20  }
0x93: {  	[tilespmem:v2+s1+$0x0] =	vst.idx.msk $0xffff, v3  }
0x94: {  	v2 =	vld [tilespmem:s6+$0xFFFFFFF0];
	_ =	sdelay $0x4  }
0x95: {  	v3 =	vld [tilespmem:s4+$0xFFFFF460]  }
0x96: {  	v24 =	vld [tilespmem:s4+$0xFFFFFC60]  }
0x97: {  	v25 =	vld [tilespmem:s4+$0x460]  }
0x98: {  	v26 =	vld.idx.msk [tilespmem:v2+s31+$0x0], $0xffff  }
0x99: {  	v27 =	vld.idx.msk [tilespmem:v2+s0+$0x0], $0xffff  }
0x9a: {  	v28 =	vld.idx.msk [tilespmem:v2+s1+$0x0], $0xffff;
	_ =	sdelay $0x2  }
0x9b: {  	v3 =	vmax.f32 v26, v3  }
0x9c: {  	[tilespmem:v2+s31+$0x0] =	vst.idx.msk $0xffff, v3;
	v3 =	vmax.f32 v27, v24  }
0x9d: {  	[tilespmem:v2+s0+$0x0] =	vst.idx.msk $0xffff, v3;
	v3 =	vmax.f32 v28, v25  }
0x9e: {  	[tilespmem:v2+s1+$0x0] =	vst.idx.msk $0xffff, v3  }
0x9f: {  	v2 =	vld [tilespmem:s6+$0x0];
	_ =	sdelay $0x4  }
0xa0: {  	v3 =	vld [tilespmem:s4+$0xFFFFF470]  }
0xa1: {  	v29 =	vld [tilespmem:s4+$0xFFFFFC70]  }
0xa2: {  	v30 =	vld [tilespmem:s4+$0x470]  }
0xa3: {  	v31 =	vld.idx.msk [tilespmem:v2+s31+$0x0], $0xffff  }
0xa4: {  	v32 =	vld.idx.msk [tilespmem:v2+s0+$0x0], $0xffff  }
0xa5: {  	v33 =	vld.idx.msk [tilespmem:v2+s1+$0x0], $0xffff;
	_ =	sdelay $0x2  }
0xa6: {  	v3 =	vmax.f32 v31, v3  }
0xa7: {  	[tilespmem:v2+s31+$0x0] =	vst.idx.msk $0xffff, v3;
	v3 =	vmax.f32 v32, v29  }
0xa8: {  	[tilespmem:v2+s0+$0x0] =	vst.idx.msk $0xffff, v3;
	v3 =	vmax.f32 v33, v30  }
0xa9: {  	[tilespmem:v2+s1+$0x0] =	vst.idx.msk $0xffff, v3  }
0xaa: {  	v2 =	vld [tilespmem:s18+$0x80];
	_ =	sdelay $0x4  }
0xab: {  	v3 =	vld [tilespmem:s4+$0xFFFFF800]  }
0xac: {  	v34 =	vld [tilespmem:s4+$0x0]  }
0xad: {  	v35 =	vld [tilespmem:s4+$0x800]  }
0xae: {  	v36 =	vld.idx.msk [tilespmem:v2+s31+$0x0], $0xffff  }
0xaf: {  	v37 =	vld.idx.msk [tilespmem:v2+s0+$0x0], $0xffff  }
0xb0: {  	v38 =	vld.idx.msk [tilespmem:v2+s1+$0x0], $0xffff;
	_ =	sdelay $0x2  }
0xb1: {  	v3 =	vmax.f32 v36, v3  }
0xb2: {  	[tilespmem:v2+s31+$0x0] =	vst.idx.msk $0xffff, v3;
	v3 =	vmax.f32 v37, v34  }
0xb3: {  	[tilespmem:v2+s0+$0x0] =	vst.idx.msk $0xffff, v3;
	v3 =	vmax.f32 v38, v35  }
0xb4: {  	[tilespmem:v2+s1+$0x0] =	vst.idx.msk $0xffff, v3  }
0xb5: {  	v2 =	vld [tilespmem:s6+$0x20];
	_ =	sdelay $0x4  }
0xb6: {  	v3 =	vld [tilespmem:s4+$0xFFFFF810]  }
0xb7: {  	v39 =	vld [tilespmem:s4+$0x10]  }
0xb8: {  	v40 =	vld [tilespmem:s4+$0x810]  }
0xb9: {  	v41 =	vld.idx.msk [tilespmem:v2+s31+$0x0], $0xffff  }
0xba: {  	v42 =	vld.idx.msk [tilespmem:v2+s0+$0x0], $0xffff  }
0xbb: {  	v43 =	vld.idx.msk [tilespmem:v2+s1+$0x0], $0xffff;
	_ =	sdelay $0x2  }
0xbc: {  	v3 =	vmax.f32 v41, v3  }
0xbd: {  	[tilespmem:v2+s31+$0x0] =	vst.idx.msk $0xffff, v3;
	v3 =	vmax.f32 v42, v39  }
0xbe: {  	[tilespmem:v2+s0+$0x0] =	vst.idx.msk $0xffff, v3;
	v3 =	vmax.f32 v43, v40  }
0xbf: {  	[tilespmem:v2+s1+$0x0] =	vst.idx.msk $0xffff, v3  }
0xc0: {  	v2 =	vld [tilespmem:s6+$0x30];
	_ =	sdelay $0x4  }
0xc1: {  	v3 =	vld [tilespmem:s4+$0xFFFFF820]  }
0xc2: {  	v44 =	vld [tilespmem:s4+$0x20]  }
0xc3: {  	v45 =	vld [tilespmem:s4+$0x820]  }
0xc4: {  	v46 =	vld.idx.msk [tilespmem:v2+s31+$0x0], $0xffff  }
0xc5: {  	v47 =	vld.idx.msk [tilespmem:v2+s0+$0x0], $0xffff  }
0xc6: {  	v48 =	vld.idx.msk [tilespmem:v2+s1+$0x0], $0xffff;
	_ =	sdelay $0x2  }
0xc7: {  	v3 =	vmax.f32 v46, v3  }
0xc8: {  	[tilespmem:v2+s31+$0x0] =	vst.idx.msk $0xffff, v3;
	v3 =	vmax.f32 v47, v44  }
0xc9: {  	[tilespmem:v2+s0+$0x0] =	vst.idx.msk $0xffff, v3;
	v3 =	vmax.f32 v48, v45  }
0xca: {  	[tilespmem:v2+s1+$0x0] =	vst.idx.msk $0xffff, v3  }
0xcb: {  	v2 =	vld [tilespmem:s6+$0x40];
	_ =	sdelay $0x4  }
0xcc: {  	v3 =	vld [tilespmem:s4+$0xFFFFF830]  }
0xcd: {  	v49 =	vld [tilespmem:s4+$0x30]  }
0xce: {  	v50 =	vld [tilespmem:s4+$0x830]  }
0xcf: {  	v51 =	vld.idx.msk [tilespmem:v2+s31+$0x0], $0xffff  }
0xd0: {  	v52 =	vld.idx.msk [tilespmem:v2+s0+$0x0], $0xffff  }
0xd1: {  	v53 =	vld.idx.msk [tilespmem:v2+s1+$0x0], $0xffff;
	_ =	sdelay $0x2  }
0xd2: {  	v3 =	vmax.f32 v51, v3  }
0xd3: {  	[tilespmem:v2+s31+$0x0] =	vst.idx.msk $0xffff, v3;
	v3 =	vmax.f32 v52, v49  }
0xd4: {  	[tilespmem:v2+s0+$0x0] =	vst.idx.msk $0xffff, v3;
	v3 =	vmax.f32 v53, v50  }
0xd5: {  	[tilespmem:v2+s1+$0x0] =	vst.idx.msk $0xffff, v3  }
0xd6: {  	v2 =	vld [tilespmem:s6+$0x50];
	_ =	sdelay $0x4  }
0xd7: {  	v3 =	vld [tilespmem:s4+$0xFFFFF840]  }
0xd8: {  	v54 =	vld [tilespmem:s4+$0x40]  }
0xd9: {  	v55 =	vld [tilespmem:s4+$0x840]  }
0xda: {  	v56 =	vld.idx.msk [tilespmem:v2+s31+$0x0], $0xffff  }
0xdb: {  	v57 =	vld.idx.msk [tilespmem:v2+s0+$0x0], $0xffff  }
0xdc: {  	v58 =	vld.idx.msk [tilespmem:v2+s1+$0x0], $0xffff;
	_ =	sdelay $0x2  }
0xdd: {  	v3 =	vmax.f32 v56, v3  }
0xde: {  	[tilespmem:v2+s31+$0x0] =	vst.idx.msk $0xffff, v3;
	v3 =	vmax.f32 v57, v54  }
0xdf: {  	[tilespmem:v2+s0+$0x0] =	vst.idx.msk $0xffff, v3;
	v3 =	vmax.f32 v58, v55  }
0xe0: {  	[tilespmem:v2+s1+$0x0] =	vst.idx.msk $0xffff, v3  }
0xe1: {  	v2 =	vld [tilespmem:s6+$0x60];
	_ =	sdelay $0x4  }
0xe2: {  	v3 =	vld [tilespmem:s4+$0xFFFFF850]  }
0xe3: {  	v59 =	vld [tilespmem:s4+$0x50]  }
0xe4: {  	v60 =	vld [tilespmem:s4+$0x850]  }
0xe5: {  	v61 =	vld.idx.msk [tilespmem:v2+s31+$0x0], $0xffff  }
0xe6: {  	v62 =	vld.idx.msk [tilespmem:v2+s0+$0x0], $0xffff  }
0xe7: {  	v63 =	vld.idx.msk [tilespmem:v2+s1+$0x0], $0xffff  }
0xe8: {  	p0 =	sne.s32 s15, $0x620  }
.Ltmp2:
0xe9: {  	_ = 	snop;
	(pc) =	sbr.rel @p0 .LBB2_8-.Ltmp2, $4  }
0xea: {  	v3 =	vmax.f32 v61, v3  }
0xeb: {  	[tilespmem:v2+s31+$0x0] =	vst.idx.msk $0xffff, v3;
	v3 =	vmax.f32 v62, v59  }
0xec: {  	[tilespmem:v2+s0+$0x0] =	vst.idx.msk $0xffff, v3;
	v3 =	vmax.f32 v63, v60  }
0xed: {  	s15 =	sadd.s32 $0xE0, s15;
	s6 =	sadd.s32 $0xE0, s6;
	s4 =	sadd.s32 $0x80, s4;
	[tilespmem:v2+s1+$0x0] =	vst.idx.msk $0xffff, v3  }
0xee: {  	_ =	swait.ge [sflag:s19], $0x800  }
0xef: {  	[sflag:s19] =	ssyncset.done $0x0  }
0xf0: {  	[sflag:s19] =	ssyncadd.s32 $0xFFFFF800  }
0xf1: {  	p0 =	seq.s32 s14, $0xD;
	_ =	swait.ge [sflag:s21], $0x800  }
0xf2: {  	s4 =	sshll.u32 @!p0 s14, $0xC;
	[sflag:s21] =	ssyncset.done $0x0  }
0xf3: {  	s4 =	sadd.s32 @!p0 $0x1000, s4;
	[sflag:s21] =	ssyncadd.s32 $0xFFFFF800  }
0xf4: {  	s6 =	sadd.s32 @!p0 s17, s4;
	_ =	swait.ge [sflag:s22], $0x800  }
0xf5: {  	s15 =	simm.s32 @!p0 $0x0;
	s6 =	sshrl.u32 @!p0 s6, $0x3;
	[sflag:s22] =	ssyncset.done $0x0  }
0xf6: {  	s18 =	simm.s32 @!p0 $0xC400;
	s6 =	sadd.s32 @!p0 s2, s6;
	[sflag:s22] =	ssyncadd.s32 $0xFFFFF800  }
0xf7: {  	[tilespmem:s18], [sflag:$0x1] =	stream.linear.gather @!p0 [hbm4b:s6+s15], $0x800, $0x38;
	[tilespmem:$0x1BC00] =	vst v63  }
0xf8: {  	s6 =	sadd.s32 @!p0 s7, s4  }
0xf9: {  	s4 =	sadd.s32 @!p0 s5, s4;
	s6 =	sshrl.u32 @!p0 s6, $0x3  }
0xfa: {  	s18 =	simm.s32 @!p0 $0xCC00;
	s4 =	sshrl.u32 @!p0 s4, $0x3;
	s6 =	sadd.s32 @!p0 s2, s6  }
0xfb: {  	[tilespmem:s18], [sflag:$0x2] =	stream.linear.gather @!p0 [hbm4b:s6+s15], $0x800, $0x38;
	[tilespmem:$0x1BC00] =	vst v63  }
0xfc: {  	s4 =	sadd.s32 @!p0 s2, s4;
	s6 =	simm.s32 @!p0 $0xD400  }
0xfd: {  	[tilespmem:s6], [sflag:$0x3] =	stream.linear.gather @!p0 [hbm4b:s4+s15], $0x800, $0x38;
	[tilespmem:$0x1BC00] =	vst v63  }
0xfe: {  	s15 =	simm.s32 $0x0;
	s4 =	simm.s32 $0xF050;
	s6 =	smov.u32 s12  }
.LBB2_10:
0xff: {  	s18 =	sadd.s32 s15, s9  }
0x100: {  	s23 =	sand.u32 $0x60, s15;
	s18 =	sand.u32 $0x1FF80, s18  }
0x101: {  	s18 =	sor.u32 s23, s18  }
0x102: {  	v2 =	vld [tilespmem:s18+$0x0];
	_ =	sdelay $0x4  }
0x103: {  	v3 =	vld [tilespmem:s4+$0xFFFFEBB0]  }
0x104: {  	v4 =	vld [tilespmem:s4+$0xFFFFF3B0]  }
0x105: {  	v5 =	vld [tilespmem:s4+$0xFFFFFBB0]  }
0x106: {  	v6 =	vld.idx.msk [tilespmem:v2+s31+$0x0], $0xffff  }
0x107: {  	v7 =	vld.idx.msk [tilespmem:v2+s0+$0x0], $0xffff  }
0x108: {  	v8 =	vld.idx.msk [tilespmem:v2+s1+$0x0], $0xffff;
	_ =	sdelay $0x2  }
0x109: {  	v3 =	vmax.f32 v6, v3  }
0x10a: {  	[tilespmem:v2+s31+$0x0] =	vst.idx.msk $0xffff, v3;
	v3 =	vmax.f32 v7, v4  }
0x10b: {  	[tilespmem:v2+s0+$0x0] =	vst.idx.msk $0xffff, v3;
	v3 =	vmax.f32 v8, v5  }
0x10c: {  	[tilespmem:v2+s1+$0x0] =	vst.idx.msk $0xffff, v3  }
0x10d: {  	v2 =	vld [tilespmem:s18+$0x10];
	_ =	sdelay $0x4  }
0x10e: {  	v3 =	vld [tilespmem:s4+$0xFFFFEBC0]  }
0x10f: {  	v51 =	vld [tilespmem:s4+$0xFFFFF3C0]  }
0x110: {  	v52 =	vld [tilespmem:s4+$0xFFFFFBC0]  }
0x111: {  	v53 =	vld.idx.msk [tilespmem:v2+s31+$0x0], $0xffff  }
0x112: {  	v54 =	vld.idx.msk [tilespmem:v2+s0+$0x0], $0xffff  }
0x113: {  	v55 =	vld.idx.msk [tilespmem:v2+s1+$0x0], $0xffff;
	_ =	sdelay $0x2  }
0x114: {  	v3 =	vmax.f32 v53, v3  }
0x115: {  	[tilespmem:v2+s31+$0x0] =	vst.idx.msk $0xffff, v3;
	v3 =	vmax.f32 v54, v51  }
0x116: {  	[tilespmem:v2+s0+$0x0] =	vst.idx.msk $0xffff, v3;
	v3 =	vmax.f32 v55, v52  }
0x117: {  	[tilespmem:v2+s1+$0x0] =	vst.idx.msk $0xffff, v3  }
0x118: {  	v2 =	vld [tilespmem:s6+$0xFFFFFF50];
	_ =	sdelay $0x4  }
0x119: {  	v3 =	vld [tilespmem:s4+$0xFFFFEBD0]  }
0x11a: {  	v56 =	vld [tilespmem:s4+$0xFFFFF3D0]  }
0x11b: {  	v57 =	vld [tilespmem:s4+$0xFFFFFBD0]  }
0x11c: {  	v58 =	vld.idx.msk [tilespmem:v2+s31+$0x0], $0xffff  }
0x11d: {  	v59 =	vld.idx.msk [tilespmem:v2+s0+$0x0], $0xffff  }
0x11e: {  	v60 =	vld.idx.msk [tilespmem:v2+s1+$0x0], $0xffff;
	_ =	sdelay $0x2  }
0x11f: {  	v3 =	vmax.f32 v58, v3  }
0x120: {  	[tilespmem:v2+s31+$0x0] =	vst.idx.msk $0xffff, v3;
	v3 =	vmax.f32 v59, v56  }
0x121: {  	[tilespmem:v2+s0+$0x0] =	vst.idx.msk $0xffff, v3;
	v3 =	vmax.f32 v60, v57  }
0x122: {  	[tilespmem:v2+s1+$0x0] =	vst.idx.msk $0xffff, v3  }
0x123: {  	v2 =	vld [tilespmem:s6+$0xFFFFFF60];
	_ =	sdelay $0x4  }
0x124: {  	v3 =	vld [tilespmem:s4+$0xFFFFEBE0]  }
0x125: {  	v61 =	vld [tilespmem:s4+$0xFFFFF3E0]  }
0x126: {  	v62 =	vld [tilespmem:s4+$0xFFFFFBE0]  }
0x127: {  	v63 =	vld.idx.msk [tilespmem:v2+s31+$0x0], $0xffff  }
0x128: {  	v12 =	vld.idx.msk [tilespmem:v2+s0+$0x0], $0xffff  }
0x129: {  	v13 =	vld.idx.msk [tilespmem:v2+s1+$0x0], $0xffff;
	_ =	sdelay $0x2  }
0x12a: {  	v3 =	vmax.f32 v63, v3  }
0x12b: {  	[tilespmem:v2+s31+$0x0] =	vst.idx.msk $0xffff, v3;
	v3 =	vmax.f32 v12, v61  }
0x12c: {  	[tilespmem:v2+s0+$0x0] =	vst.idx.msk $0xffff, v3;
	v3 =	vmax.f32 v13, v62  }
0x12d: {  	[tilespmem:v2+s1+$0x0] =	vst.idx.msk $0xffff, v3  }
0x12e: {  	v2 =	vld [tilespmem:s6+$0xFFFFFF70];
	_ =	sdelay $0x4  }
0x12f: {  	v3 =	vld [tilespmem:s4+$0xFFFFEBF0]  }
0x130: {  	v14 =	vld [tilespmem:s4+$0xFFFFF3F0]  }
0x131: {  	v15 =	vld [tilespmem:s4+$0xFFFFFBF0]  }
0x132: {  	v16 =	vld.idx.msk [tilespmem:v2+s31+$0x0], $0xffff  }
0x133: {  	v17 =	vld.idx.msk [tilespmem:v2+s0+$0x0], $0xffff  }
0x134: {  	v18 =	vld.idx.msk [tilespmem:v2+s1+$0x0], $0xffff;
	_ =	sdelay $0x2  }
0x135: {  	v3 =	vmax.f32 v16, v3  }
0x136: {  	[tilespmem:v2+s31+$0x0] =	vst.idx.msk $0xffff, v3;
	v3 =	vmax.f32 v17, v14  }
0x137: {  	[tilespmem:v2+s0+$0x0] =	vst.idx.msk $0xffff, v3;
	v3 =	vmax.f32 v18, v15  }
0x138: {  	[tilespmem:v2+s1+$0x0] =	vst.idx.msk $0xffff, v3  }
0x139: {  	v2 =	vld [tilespmem:s6+$0xFFFFFF80];
	_ =	sdelay $0x4  }
0x13a: {  	v3 =	vld [tilespmem:s4+$0xFFFFEC00]  }
0x13b: {  	v19 =	vld [tilespmem:s4+$0xFFFFF400]  }
0x13c: {  	v20 =	vld [tilespmem:s4+$0xFFFFFC00]  }
0x13d: {  	v21 =	vld.idx.msk [tilespmem:v2+s31+$0x0], $0xffff  }
0x13e: {  	v22 =	vld.idx.msk [tilespmem:v2+s0+$0x0], $0xffff  }
0x13f: {  	v23 =	vld.idx.msk [tilespmem:v2+s1+$0x0], $0xffff;
	_ =	sdelay $0x2  }
0x140: {  	v3 =	vmax.f32 v21, v3  }
0x141: {  	[tilespmem:v2+s31+$0x0] =	vst.idx.msk $0xffff, v3;
	v3 =	vmax.f32 v22, v19  }
0x142: {  	[tilespmem:v2+s0+$0x0] =	vst.idx.msk $0xffff, v3;
	v3 =	vmax.f32 v23, v20  }
0x143: {  	[tilespmem:v2+s1+$0x0] =	vst.idx.msk $0xffff, v3  }
0x144: {  	v2 =	vld [tilespmem:s6+$0xFFFFFF90];
	_ =	sdelay $0x4  }
0x145: {  	v3 =	vld [tilespmem:s4+$0xFFFFEC10]  }
0x146: {  	v24 =	vld [tilespmem:s4+$0xFFFFF410]  }
0x147: {  	v25 =	vld [tilespmem:s4+$0xFFFFFC10]  }
0x148: {  	v26 =	vld.idx.msk [tilespmem:v2+s31+$0x0], $0xffff  }
0x149: {  	v27 =	vld.idx.msk [tilespmem:v2+s0+$0x0], $0xffff  }
0x14a: {  	v28 =	vld.idx.msk [tilespmem:v2+s1+$0x0], $0xffff;
	_ =	sdelay $0x2  }
0x14b: {  	v3 =	vmax.f32 v26, v3  }
0x14c: {  	[tilespmem:v2+s31+$0x0] =	vst.idx.msk $0xffff, v3;
	v3 =	vmax.f32 v27, v24  }
0x14d: {  	[tilespmem:v2+s0+$0x0] =	vst.idx.msk $0xffff, v3;
	v3 =	vmax.f32 v28, v25  }
0x14e: {  	[tilespmem:v2+s1+$0x0] =	vst.idx.msk $0xffff, v3  }
0x14f: {  	v2 =	vld [tilespmem:s6+$0xFFFFFFA0];
	_ =	sdelay $0x4  }
0x150: {  	v3 =	vld [tilespmem:s4+$0xFFFFEC20]  }
0x151: {  	v29 =	vld [tilespmem:s4+$0xFFFFF420]  }
0x152: {  	v30 =	vld [tilespmem:s4+$0xFFFFFC20]  }
0x153: {  	v31 =	vld.idx.msk [tilespmem:v2+s31+$0x0], $0xffff  }
0x154: {  	v32 =	vld.idx.msk [tilespmem:v2+s0+$0x0], $0xffff  }
0x155: {  	v33 =	vld.idx.msk [tilespmem:v2+s1+$0x0], $0xffff;
	_ =	sdelay $0x2  }
0x156: {  	v3 =	vmax.f32 v31, v3  }
0x157: {  	[tilespmem:v2+s31+$0x0] =	vst.idx.msk $0xffff, v3;
	v3 =	vmax.f32 v32, v29  }
0x158: {  	[tilespmem:v2+s0+$0x0] =	vst.idx.msk $0xffff, v3;
	v3 =	vmax.f32 v33, v30  }
0x159: {  	[tilespmem:v2+s1+$0x0] =	vst.idx.msk $0xffff, v3  }
0x15a: {  	v2 =	vld [tilespmem:s18+$0x80];
	_ =	sdelay $0x4  }
0x15b: {  	v3 =	vld [tilespmem:s4+$0xFFFFEFB0]  }
0x15c: {  	v34 =	vld [tilespmem:s4+$0xFFFFF7B0]  }
0x15d: {  	v35 =	vld [tilespmem:s4+$0xFFFFFFB0]  }
0x15e: {  	v36 =	vld.idx.msk [tilespmem:v2+s31+$0x0], $0xffff  }
0x15f: {  	v37 =	vld.idx.msk [tilespmem:v2+s0+$0x0], $0xffff  }
0x160: {  	v38 =	vld.idx.msk [tilespmem:v2+s1+$0x0], $0xffff;
	_ =	sdelay $0x2  }
0x161: {  	v3 =	vmax.f32 v36, v3  }
0x162: {  	[tilespmem:v2+s31+$0x0] =	vst.idx.msk $0xffff, v3;
	v3 =	vmax.f32 v37, v34  }
0x163: {  	[tilespmem:v2+s0+$0x0] =	vst.idx.msk $0xffff, v3;
	v3 =	vmax.f32 v38, v35  }
0x164: {  	[tilespmem:v2+s1+$0x0] =	vst.idx.msk $0xffff, v3  }
0x165: {  	v2 =	vld [tilespmem:s6+$0xFFFFFFC0];
	_ =	sdelay $0x4  }
0x166: {  	v3 =	vld [tilespmem:s4+$0xFFFFEFC0]  }
0x167: {  	v39 =	vld [tilespmem:s4+$0xFFFFF7C0]  }
0x168: {  	v40 =	vld [tilespmem:s4+$0xFFFFFFC0]  }
0x169: {  	v41 =	vld.idx.msk [tilespmem:v2+s31+$0x0], $0xffff  }
0x16a: {  	v42 =	vld.idx.msk [tilespmem:v2+s0+$0x0], $0xffff  }
0x16b: {  	v43 =	vld.idx.msk [tilespmem:v2+s1+$0x0], $0xffff;
	_ =	sdelay $0x2  }
0x16c: {  	v3 =	vmax.f32 v41, v3  }
0x16d: {  	[tilespmem:v2+s31+$0x0] =	vst.idx.msk $0xffff, v3;
	v3 =	vmax.f32 v42, v39  }
0x16e: {  	[tilespmem:v2+s0+$0x0] =	vst.idx.msk $0xffff, v3;
	v3 =	vmax.f32 v43, v40  }
0x16f: {  	[tilespmem:v2+s1+$0x0] =	vst.idx.msk $0xffff, v3  }
0x170: {  	v2 =	vld [tilespmem:s6+$0xFFFFFFD0];
	_ =	sdelay $0x4  }
0x171: {  	v3 =	vld [tilespmem:s4+$0xFFFFEFD0]  }
0x172: {  	v44 =	vld [tilespmem:s4+$0xFFFFF7D0]  }
0x173: {  	v45 =	vld [tilespmem:s4+$0xFFFFFFD0]  }
0x174: {  	v46 =	vld.idx.msk [tilespmem:v2+s31+$0x0], $0xffff  }
0x175: {  	v47 =	vld.idx.msk [tilespmem:v2+s0+$0x0], $0xffff  }
0x176: {  	v48 =	vld.idx.msk [tilespmem:v2+s1+$0x0], $0xffff;
	_ =	sdelay $0x2  }
0x177: {  	v3 =	vmax.f32 v46, v3  }
0x178: {  	[tilespmem:v2+s31+$0x0] =	vst.idx.msk $0xffff, v3;
	v3 =	vmax.f32 v47, v44  }
0x179: {  	[tilespmem:v2+s0+$0x0] =	vst.idx.msk $0xffff, v3;
	v3 =	vmax.f32 v48, v45  }
0x17a: {  	[tilespmem:v2+s1+$0x0] =	vst.idx.msk $0xffff, v3  }
0x17b: {  	v2 =	vld [tilespmem:s6+$0xFFFFFFE0];
	_ =	sdelay $0x4  }
0x17c: {  	v3 =	vld [tilespmem:s4+$0xFFFFEFE0]  }
0x17d: {  	v49 =	vld [tilespmem:s4+$0xFFFFF7E0]  }
0x17e: {  	v50 =	vld [tilespmem:s4+$0xFFFFFFE0]  }
0x17f: {  	v51 =	vld.idx.msk [tilespmem:v2+s31+$0x0], $0xffff  }
0x180: {  	v52 =	vld.idx.msk [tilespmem:v2+s0+$0x0], $0xffff  }
0x181: {  	v53 =	vld.idx.msk [tilespmem:v2+s1+$0x0], $0xffff;
	_ =	sdelay $0x2  }
0x182: {  	v3 =	vmax.f32 v51, v3  }
0x183: {  	[tilespmem:v2+s31+$0x0] =	vst.idx.msk $0xffff, v3;
	v3 =	vmax.f32 v52, v49  }
0x184: {  	[tilespmem:v2+s0+$0x0] =	vst.idx.msk $0xffff, v3;
	v3 =	vmax.f32 v53, v50  }
0x185: {  	[tilespmem:v2+s1+$0x0] =	vst.idx.msk $0xffff, v3  }
0x186: {  	v2 =	vld [tilespmem:s6+$0xFFFFFFF0];
	_ =	sdelay $0x4  }
0x187: {  	v3 =	vld [tilespmem:s4+$0xFFFFEFF0]  }
0x188: {  	v54 =	vld [tilespmem:s4+$0xFFFFF7F0]  }
0x189: {  	v55 =	vld [tilespmem:s4+$0xFFFFFFF0]  }
0x18a: {  	v56 =	vld.idx.msk [tilespmem:v2+s31+$0x0], $0xffff  }
0x18b: {  	v57 =	vld.idx.msk [tilespmem:v2+s0+$0x0], $0xffff  }
0x18c: {  	v58 =	vld.idx.msk [tilespmem:v2+s1+$0x0], $0xffff;
	_ =	sdelay $0x2  }
0x18d: {  	v3 =	vmax.f32 v56, v3  }
0x18e: {  	[tilespmem:v2+s31+$0x0] =	vst.idx.msk $0xffff, v3;
	v3 =	vmax.f32 v57, v54  }
0x18f: {  	[tilespmem:v2+s0+$0x0] =	vst.idx.msk $0xffff, v3;
	v3 =	vmax.f32 v58, v55  }
0x190: {  	[tilespmem:v2+s1+$0x0] =	vst.idx.msk $0xffff, v3  }
0x191: {  	v2 =	vld [tilespmem:s6+$0x0];
	_ =	sdelay $0x4  }
0x192: {  	v3 =	vld [tilespmem:s4+$0xFFFFF000]  }
0x193: {  	v59 =	vld [tilespmem:s4+$0xFFFFF800]  }
0x194: {  	v60 =	vld [tilespmem:s4+$0x0]  }
0x195: {  	v61 =	vld.idx.msk [tilespmem:v2+s31+$0x0], $0xffff  }
0x196: {  	v62 =	vld.idx.msk [tilespmem:v2+s0+$0x0], $0xffff  }
0x197: {  	v63 =	vld.idx.msk [tilespmem:v2+s1+$0x0], $0xffff  }
0x198: {  	p0 =	sne.s32 s15, $0x620  }
.Ltmp3:
0x199: {  	_ = 	snop;
	(pc) =	sbr.rel @p0 .LBB2_10-.Ltmp3, $4  }
0x19a: {  	v3 =	vmax.f32 v61, v3  }
0x19b: {  	[tilespmem:v2+s31+$0x0] =	vst.idx.msk $0xffff, v3;
	v3 =	vmax.f32 v62, v59  }
0x19c: {  	[tilespmem:v2+s0+$0x0] =	vst.idx.msk $0xffff, v3;
	v3 =	vmax.f32 v63, v60  }
0x19d: {  	s15 =	sadd.s32 $0xE0, s15;
	s6 =	sadd.s32 $0xE0, s6;
	s4 =	sadd.s32 $0x80, s4;
	[tilespmem:v2+s1+$0x0] =	vst.idx.msk $0xffff, v3  }
0x19e: {  	s14 =	sadd.s32 $0x1, s14  }
0x19f: {  	p0 =	sne.s32 s14, $0xE  }
.Ltmp4:
0x1a0: {  	_ = 	snop;
	(pc) =	sbr.rel @p0 .LBB2_7-.Ltmp4, $3  }
0x1a1: {  	_ =	sdelay $0x1  }
0x1a2: {  	s13 =	sadd.s32 $0xE00, s13  }
0x1a3: {  	s3 =	sadd.s32 $0xE00, s3;
	s9 =	sadd.s32 $0xE00, s9;
	s12 =	sadd.s32 $0xE00, s12  }
0x1a4: {  	p0 =	seq.s32 s8, $0x7;
	s3 =	rddreg [dreg:$0xc]  }
0x1a5: {  	s3 =	sadd.s32 @!p0 s11, s3  }
0x1a6: {  	s3 =	sshrl.u32 @!p0 s3, $0x3  }
0x1a7: {  	s4 =	simm.s32 @!p0 $0x0;
	s5 =	simm.s32 @!p0 $0xC400;
	s3 =	sadd.s32 @!p0 s2, s3  }
0x1a8: {  	[tilespmem:s5], [sflag:$0x1] =	stream.linear.gather @!p0 [hbm4b:s3+s4], $0x800, $0x38;
	[tilespmem:$0x1BC00] =	vst v63  }
0x1a9: {  	s3 =	rddreg [dreg:$0xd]  }
0x1aa: {  	s3 =	sadd.s32 @!p0 s11, s3  }
0x1ab: {  	p1 =	seq.s32 @!p0 s8, $0x0;
	s3 =	sshrl.u32 @!p0 s3, $0x3  }
0x1ac: {  	p1 =	por p0, !p1;
	s5 =	simm.s32 @!p0 $0xCC00;
	s3 =	sadd.s32 @!p0 s2, s3  }
0x1ad: {  	[tilespmem:s5], [sflag:$0x2] =	stream.linear.gather @!p0 [hbm4b:s3+s4], $0x800, $0x38;
	[tilespmem:$0x1BC00] =	vst v63  }
.Ltmp5:
0x1ae: {  	s3 =	rddreg [dreg:$0xe];
	(pc) =	sbr.rel @!p1 .LBB2_13-.Ltmp5, $4  }
0x1af: {  	s3 =	sadd.s32 @!p0 s11, s3  }
0x1b0: {  	s3 =	sshrl.u32 @!p0 s3, $0x3  }
0x1b1: {  	s5 =	simm.s32 @!p0 $0xD400;
	s3 =	sadd.s32 @!p0 s2, s3  }
0x1b2: {  	[tilespmem:s5], [sflag:$0x3] =	stream.linear.gather @!p0 [hbm4b:s3+s4], $0x800, $0x38;
	[tilespmem:$0x1BC00] =	vst v63  }
.Ltmp6:
0x1b3: {  	(pc) =	sbr.rel .LBB2_15-.Ltmp6, $4  }
0x1b4: {  	s3 =	simm.s32 $0x7  }
0x1b5: {  	_ =	swait.ge [sflag:s3], $0x400  }
0x1b6: {  	p0 =	por $0x0, $0x0;
	s9 =	smov.u32 s10;
	[sflag:s3] =	ssyncset.done $0x0  }
0x1b7: {  	s7 =	simm.s32 $0x80;
	s11 =	simm.s32 $0x1B400;
	[sflag:s3] =	ssyncadd.s32 $0xFFFFFC00  }
.LBB2_13:
0x1b8: {  	p0 =	por @!p0 $0x1, $0x1  }
0x1b9: {  	s9 =	smov.u32 s10;
	s7 =	simm.s32 $0x80;
	s11 =	simm.s32 $0x1B400  }
.LBB2_15:
0x1ba: {  	s3 =	simm.s32 $0x0;
	s4 =	simm.s32 $0xF400  }
0x1bb: {  	v2 =	vld [tilespmem:s4+$0x0];
	s5 =	sand.u32 $0x3F0, s3  }
0x1bc: {  	v3 =	vld [tilespmem:s5+$0xF800]  }
0x1bd: {  	v4 =	vld [tilespmem:s5+$0xFC00]  }
0x1be: {  	v5 =	vld [tilespmem:s5+$0x10000]  }
0x1bf: {  	v6 =	vld [tilespmem:s5+$0x10400]  }
0x1c0: {  	v7 =	vld [tilespmem:s5+$0x10800]  }
0x1c1: {  	v8 =	vld [tilespmem:s5+$0x10C00]  }
0x1c2: {  	v9 =	vld [tilespmem:s5+$0x11000]  }
0x1c3: {  	v10 =	vld [tilespmem:s5+$0x11400]  }
0x1c4: {  	v11 =	vld [tilespmem:s5+$0x11800]  }
0x1c5: {  	v12 =	vld [tilespmem:s5+$0x11C00]  }
0x1c6: {  	v13 =	vld [tilespmem:s5+$0x12000]  }
0x1c7: {  	v14 =	vld [tilespmem:s5+$0x12400]  }
0x1c8: {  	v15 =	vld [tilespmem:s5+$0x12800]  }
0x1c9: {  	v16 =	vld [tilespmem:s5+$0x12C00]  }
0x1ca: {  	v17 =	vld [tilespmem:s5+$0x13000];
	[tilespmem:s4+$0x0] =	vst v1  }
0x1cb: {  	[tilespmem:s5+$0xF800] =	vst v1  }
0x1cc: {  	[tilespmem:s5+$0xFC00] =	vst v1  }
0x1cd: {  	[tilespmem:s5+$0x10000] =	vst v1  }
0x1ce: {  	[tilespmem:s5+$0x10400] =	vst v1  }
0x1cf: {  	[tilespmem:s5+$0x10800] =	vst v1  }
0x1d0: {  	[tilespmem:s5+$0x10C00] =	vst v1  }
0x1d1: {  	[tilespmem:s5+$0x11000] =	vst v1  }
0x1d2: {  	[tilespmem:s5+$0x11400] =	vst v1  }
0x1d3: {  	[tilespmem:s5+$0x11800] =	vst v1  }
0x1d4: {  	[tilespmem:s5+$0x11C00] =	vst v1;
	v2 =	vmax.f32 v2, v3;
	v3 =	vmax.f32 v4, v5;
	v4 =	vmax.f32 v6, v7  }
0x1d5: {  	[tilespmem:s5+$0x12000] =	vst v1;
	v5 =	vmax.f32 v8, v9;
	v6 =	vmax.f32 v10, v11;
	v7 =	vmax.f32 v12, v13  }
0x1d6: {  	[tilespmem:s5+$0x12400] =	vst v1;
	v8 =	vmax.f32 v14, v15;
	v9 =	vmax.f32 v16, v17;
	v2 =	vmax.f32 v2, v3  }
0x1d7: {  	[tilespmem:s5+$0x12800] =	vst v1;
	v3 =	vmax.f32 v4, v5;
	v4 =	vmax.f32 v6, v7;
	v5 =	vmax.f32 v8, v9  }
0x1d8: {  	[tilespmem:s5+$0x12C00] =	vst v1;
	v2 =	vmax.f32 v2, v3;
	v3 =	vmax.f32 v4, v5  }
0x1d9: {  	s3 =	simm.s32 $0x1B400;
	[tilespmem:s5+$0x13000] =	vst v1;
	v2 =	vmax.f32 v2, v3  }
0x1da: {  	s23 =	simm.s32 $0x10;
	s5 =	simm.s32 $0xF410;
	[tilespmem:s3+$0x0] =	vst v2  }
0x1db: {  	s4 =	sand.u32 $0x3F0, s23;
	v2 =	vld [tilespmem:s5+$0x0]  }
0x1dc: {  	v3 =	vld [tilespmem:s4+$0xF800]  }
0x1dd: {  	v4 =	vld [tilespmem:s4+$0xFC00]  }
0x1de: {  	v5 =	vld [tilespmem:s4+$0x10000]  }
0x1df: {  	v6 =	vld [tilespmem:s4+$0x10400]  }
0x1e0: {  	v7 =	vld [tilespmem:s4+$0x10800]  }
0x1e1: {  	v8 =	vld [tilespmem:s4+$0x10C00]  }
0x1e2: {  	v9 =	vld [tilespmem:s4+$0x11000]  }
0x1e3: {  	v10 =	vld [tilespmem:s4+$0x11400]  }
0x1e4: {  	v11 =	vld [tilespmem:s4+$0x11800]  }
0x1e5: {  	v58 =	vld [tilespmem:s4+$0x11C00]  }
0x1e6: {  	v59 =	vld [tilespmem:s4+$0x12000]  }
0x1e7: {  	v60 =	vld [tilespmem:s4+$0x12400]  }
0x1e8: {  	v61 =	vld [tilespmem:s4+$0x12800]  }
0x1e9: {  	v62 =	vld [tilespmem:s4+$0x12C00]  }
0x1ea: {  	v63 =	vld [tilespmem:s4+$0x13000];
	[tilespmem:s5+$0x0] =	vst v1  }
0x1eb: {  	[tilespmem:s4+$0xF800] =	vst v1  }
0x1ec: {  	[tilespmem:s4+$0xFC00] =	vst v1  }
0x1ed: {  	[tilespmem:s4+$0x10000] =	vst v1  }
0x1ee: {  	[tilespmem:s4+$0x10400] =	vst v1;
	v2 =	vmax.f32 v2, v3;
	v3 =	vmax.f32 v4, v5  }
0x1ef: {  	[tilespmem:s4+$0x10800] =	vst v1;
	v4 =	vmax.f32 v6, v7;
	v5 =	vmax.f32 v8, v9;
	v6 =	vmax.f32 v10, v11  }
0x1f0: {  	s6 =	simm.s32 $0x20;
	s10 =	simm.s32 $0x400;
	[tilespmem:s4+$0x10C00] =	vst v1;
	v7 =	vmax.f32 v58, v59;
	v8 =	vmax.f32 v60, v61;
	v9 =	vmax.f32 v62, v63  }
.LBB2_16:
0x1f1: {  	p1 =	sne.s32 s6, $0x3F0;
	[tilespmem:s4+$0x11000] =	vst v1  }
0x1f2: {  	[tilespmem:s4+$0x11400] =	vst v1  }
0x1f3: {  	[tilespmem:s4+$0x11800] =	vst v1  }
0x1f4: {  	[tilespmem:s4+$0x11C00] =	vst v1  }
0x1f5: {  	[tilespmem:s4+$0x12000] =	vst v1  }
0x1f6: {  	v2 =	vmax.f32 v2, v3;
	[tilespmem:s4+$0x12400] =	vst v1  }
0x1f7: {  	v3 =	vmax.f32 v4, v5;
	v4 =	vmax.f32 v6, v7;
	v5 =	vmax.f32 v8, v9;
	[tilespmem:s4+$0x12800] =	vst v1  }
0x1f8: {  	v2 =	vmax.f32 v2, v3;
	v3 =	vmax.f32 v4, v5;
	[tilespmem:s4+$0x12C00] =	vst v1  }
0x1f9: {  	s3 =	sadd.s32 $0x10, s3;
	v2 =	vmax.f32 v2, v3;
	[tilespmem:s4+$0x13000] =	vst v1  }
0x1fa: {  	s5 =	sadd.s32 $0x10, s5;
	[tilespmem:s3+$0x0] =	vst v2  }
0x1fb: {  	s4 =	sand.u32 $0x3F0, s6;
	v2 =	vld [tilespmem:s5+$0x0]  }
0x1fc: {  	v3 =	vld [tilespmem:s4+$0xF800]  }
0x1fd: {  	v4 =	vld [tilespmem:s4+$0xFC00]  }
0x1fe: {  	v5 =	vld [tilespmem:s4+$0x10000]  }
0x1ff: {  	v6 =	vld [tilespmem:s4+$0x10400]  }
0x200: {  	v7 =	vld [tilespmem:s4+$0x10800]  }
0x201: {  	v8 =	vld [tilespmem:s4+$0x10C00];
	v2 =	vmax.f32 v2, v3  }
0x202: {  	v9 =	vld [tilespmem:s4+$0x11000]  }
0x203: {  	v10 =	vld [tilespmem:s4+$0x11400];
	v3 =	vmax.f32 v4, v5  }
0x204: {  	v11 =	vld [tilespmem:s4+$0x11800]  }
0x205: {  	v12 =	vld [tilespmem:s4+$0x11C00];
	v4 =	vmax.f32 v6, v7  }
0x206: {  	v7 =	vld [tilespmem:s4+$0x12000]  }
0x207: {  	v13 =	vld [tilespmem:s4+$0x12400];
	v5 =	vmax.f32 v8, v9  }
0x208: {  	v8 =	vld [tilespmem:s4+$0x12800]  }
0x209: {  	v9 =	vld [tilespmem:s4+$0x12C00];
	v6 =	vmax.f32 v10, v11  }
0x20a: {  	v10 =	vld [tilespmem:s4+$0x13000];
	[tilespmem:s5+$0x0] =	vst v1  }
0x20b: {  	[tilespmem:s4+$0xF800] =	vst v1;
	v7 =	vmax.f32 v12, v7  }
.Ltmp7:
0x20c: {  	[tilespmem:s4+$0xFC00] =	vst v1;
	(pc) =	sbr.rel @p1 .LBB2_16-.Ltmp7, $4  }
0x20d: {  	[tilespmem:s4+$0x10000] =	vst v1;
	v8 =	vmax.f32 v13, v8  }
0x20e: {  	[tilespmem:s4+$0x10400] =	vst v1  }
0x20f: {  	[tilespmem:s4+$0x10800] =	vst v1;
	v9 =	vmax.f32 v9, v10  }
0x210: {  	s6 =	sadd.s32 $0x10, s6;
	[tilespmem:s4+$0x10C00] =	vst v1  }
0x211: {  	[tilespmem:s4+$0x11000] =	vst v1  }
0x212: {  	[tilespmem:s4+$0x11400] =	vst v1  }
0x213: {  	[tilespmem:s4+$0x11800] =	vst v1  }
0x214: {  	[tilespmem:s4+$0x11C00] =	vst v1  }
0x215: {  	[tilespmem:s4+$0x12000] =	vst v1;
	s5 =	sshll.u32 s20, $0xA;
	s6 =	smul.u32 $0x180, s8  }
0x216: {  	[tilespmem:s4+$0x12400] =	vst v1;
	v2 =	vmax.f32 v2, v3;
	s5 =	sand.u32 $0x7E000, s5  }
0x217: {  	[tilespmem:s4+$0x12800] =	vst v1;
	v3 =	vmax.f32 v4, v5;
	v4 =	vmax.f32 v6, v7;
	v5 =	vmax.f32 v8, v9;
	s5 =	sadd.s32 s16, s5;
	s6 =	sand.u32 $0x380, s6  }
0x218: {  	[tilespmem:s4+$0x12C00] =	vst v1;
	v2 =	vmax.f32 v2, v3;
	v3 =	vmax.f32 v4, v5;
	s5 =	sor.u32 s6, s5  }
0x219: {  	[tilespmem:s4+$0x13000] =	vst v1;
	s3 =	sadd.s32 $0x10, s3;
	v2 =	vmax.f32 v2, v3;
	s13 =	sshrl.u32 s5, $0x3  }
0x21a: {  	[tilespmem:s3+$0x0] =	vst v2;
	s3 =	simm.s32 @!p0 $0x8;
	s14 =	sadd.s32 s9, s13  }
0x21b: {  	[hbm4b:s14+s7] =	stream.strided.scatter [tilespmem:s11], [sflag:$0x7], $0x400, s10, s7, $0x38;
	[tilespmem:$0x1BC00] =	vst v63  }
0x21c: {  	_ =	swait.ge @!p0 [sflag:s3], $0x400  }
0x21d: {  	[sflag:s3] =	ssyncset.done @!p0 $0x0  }
0x21e: {  	s15 =	simm.s32 $0x0;
	s17 =	simm.s32 $0x13400;
	[sflag:s3] =	ssyncadd.s32 @!p0 $0xFFFFFC00  }
0x21f: {  	s18 =	sand.u32 $0x3F0, s15;
	v2 =	vld [tilespmem:s17+$0x0]  }
0x220: {  	v3 =	vld [tilespmem:s18+$0x13800]  }
0x221: {  	v4 =	vld [tilespmem:s18+$0x13C00]  }
0x222: {  	v5 =	vld [tilespmem:s18+$0x14000]  }
0x223: {  	v6 =	vld [tilespmem:s18+$0x14400]  }
0x224: {  	v7 =	vld [tilespmem:s18+$0x14800]  }
0x225: {  	v8 =	vld [tilespmem:s18+$0x14C00]  }
0x226: {  	v9 =	vld [tilespmem:s18+$0x15000]  }
0x227: {  	v10 =	vld [tilespmem:s18+$0x15400]  }
0x228: {  	v11 =	vld [tilespmem:s18+$0x15800]  }
0x229: {  	v12 =	vld [tilespmem:s18+$0x15C00]  }
0x22a: {  	v13 =	vld [tilespmem:s18+$0x16000]  }
0x22b: {  	v14 =	vld [tilespmem:s18+$0x16400]  }
0x22c: {  	v15 =	vld [tilespmem:s18+$0x16800]  }
0x22d: {  	v16 =	vld [tilespmem:s18+$0x16C00]  }
0x22e: {  	v17 =	vld [tilespmem:s18+$0x17000];
	[tilespmem:s17+$0x0] =	vst v1  }
0x22f: {  	[tilespmem:s18+$0x13800] =	vst v1  }
0x230: {  	[tilespmem:s18+$0x13C00] =	vst v1  }
0x231: {  	[tilespmem:s18+$0x14000] =	vst v1  }
0x232: {  	[tilespmem:s18+$0x14400] =	vst v1  }
0x233: {  	[tilespmem:s18+$0x14800] =	vst v1  }
0x234: {  	[tilespmem:s18+$0x14C00] =	vst v1  }
0x235: {  	[tilespmem:s18+$0x15000] =	vst v1  }
0x236: {  	[tilespmem:s18+$0x15400] =	vst v1  }
0x237: {  	[tilespmem:s18+$0x15800] =	vst v1  }
0x238: {  	[tilespmem:s18+$0x15C00] =	vst v1;
	v2 =	vmax.f32 v2, v3;
	v3 =	vmax.f32 v4, v5;
	v4 =	vmax.f32 v6, v7  }
0x239: {  	[tilespmem:s18+$0x16000] =	vst v1;
	v5 =	vmax.f32 v8, v9;
	v6 =	vmax.f32 v10, v11;
	v7 =	vmax.f32 v12, v13  }
0x23a: {  	[tilespmem:s18+$0x16400] =	vst v1;
	v8 =	vmax.f32 v14, v15;
	v9 =	vmax.f32 v16, v17;
	v2 =	vmax.f32 v2, v3  }
0x23b: {  	[tilespmem:s18+$0x16800] =	vst v1;
	v3 =	vmax.f32 v4, v5;
	v4 =	vmax.f32 v6, v7;
	v5 =	vmax.f32 v8, v9  }
0x23c: {  	[tilespmem:s18+$0x16C00] =	vst v1;
	v2 =	vmax.f32 v2, v3;
	v3 =	vmax.f32 v4, v5  }
0x23d: {  	s3 =	simm.s32 $0x1B800;
	[tilespmem:s18+$0x17000] =	vst v1;
	v2 =	vmax.f32 v2, v3  }
0x23e: {  	s23 =	simm.s32 $0x10;
	s5 =	simm.s32 $0x13410;
	[tilespmem:s3+$0x0] =	vst v2  }
0x23f: {  	s4 =	sand.u32 $0x3F0, s23;
	v2 =	vld [tilespmem:s5+$0x0]  }
0x240: {  	v3 =	vld [tilespmem:s4+$0x13800]  }
0x241: {  	v4 =	vld [tilespmem:s4+$0x13C00]  }
0x242: {  	v5 =	vld [tilespmem:s4+$0x14000]  }
0x243: {  	v6 =	vld [tilespmem:s4+$0x14400]  }
0x244: {  	v7 =	vld [tilespmem:s4+$0x14800]  }
0x245: {  	v8 =	vld [tilespmem:s4+$0x14C00]  }
0x246: {  	v9 =	vld [tilespmem:s4+$0x15000]  }
0x247: {  	v10 =	vld [tilespmem:s4+$0x15400]  }
0x248: {  	v11 =	vld [tilespmem:s4+$0x15800]  }
0x249: {  	v58 =	vld [tilespmem:s4+$0x15C00]  }
0x24a: {  	v59 =	vld [tilespmem:s4+$0x16000]  }
0x24b: {  	v60 =	vld [tilespmem:s4+$0x16400]  }
0x24c: {  	v61 =	vld [tilespmem:s4+$0x16800]  }
0x24d: {  	v62 =	vld [tilespmem:s4+$0x16C00]  }
0x24e: {  	v63 =	vld [tilespmem:s4+$0x17000];
	[tilespmem:s5+$0x0] =	vst v1  }
0x24f: {  	[tilespmem:s4+$0x13800] =	vst v1  }
0x250: {  	[tilespmem:s4+$0x13C00] =	vst v1  }
0x251: {  	[tilespmem:s4+$0x14000] =	vst v1  }
0x252: {  	[tilespmem:s4+$0x14400] =	vst v1;
	v2 =	vmax.f32 v2, v3;
	v3 =	vmax.f32 v4, v5  }
0x253: {  	[tilespmem:s4+$0x14800] =	vst v1;
	v4 =	vmax.f32 v6, v7;
	v5 =	vmax.f32 v8, v9;
	v6 =	vmax.f32 v10, v11  }
0x254: {  	s6 =	simm.s32 $0x20;
	[tilespmem:s4+$0x14C00] =	vst v1;
	v7 =	vmax.f32 v58, v59;
	v8 =	vmax.f32 v60, v61;
	v9 =	vmax.f32 v62, v63  }
.LBB2_18:
0x255: {  	p0 =	sne.s32 s6, $0x3F0;
	[tilespmem:s4+$0x15000] =	vst v1  }
0x256: {  	[tilespmem:s4+$0x15400] =	vst v1  }
0x257: {  	[tilespmem:s4+$0x15800] =	vst v1  }
0x258: {  	[tilespmem:s4+$0x15C00] =	vst v1  }
0x259: {  	[tilespmem:s4+$0x16000] =	vst v1  }
0x25a: {  	v2 =	vmax.f32 v2, v3;
	[tilespmem:s4+$0x16400] =	vst v1  }
0x25b: {  	v3 =	vmax.f32 v4, v5;
	v4 =	vmax.f32 v6, v7;
	v5 =	vmax.f32 v8, v9;
	[tilespmem:s4+$0x16800] =	vst v1  }
0x25c: {  	v2 =	vmax.f32 v2, v3;
	v3 =	vmax.f32 v4, v5;
	[tilespmem:s4+$0x16C00] =	vst v1  }
0x25d: {  	s3 =	sadd.s32 $0x10, s3;
	v2 =	vmax.f32 v2, v3;
	[tilespmem:s4+$0x17000] =	vst v1  }
0x25e: {  	s5 =	sadd.s32 $0x10, s5;
	[tilespmem:s3+$0x0] =	vst v2  }
0x25f: {  	s4 =	sand.u32 $0x3F0, s6;
	v2 =	vld [tilespmem:s5+$0x0]  }
0x260: {  	v3 =	vld [tilespmem:s4+$0x13800]  }
0x261: {  	v4 =	vld [tilespmem:s4+$0x13C00]  }
0x262: {  	v5 =	vld [tilespmem:s4+$0x14000]  }
0x263: {  	v6 =	vld [tilespmem:s4+$0x14400]  }
0x264: {  	v7 =	vld [tilespmem:s4+$0x14800]  }
0x265: {  	v8 =	vld [tilespmem:s4+$0x14C00];
	v2 =	vmax.f32 v2, v3  }
0x266: {  	v9 =	vld [tilespmem:s4+$0x15000]  }
0x267: {  	v10 =	vld [tilespmem:s4+$0x15400];
	v3 =	vmax.f32 v4, v5  }
0x268: {  	v11 =	vld [tilespmem:s4+$0x15800]  }
0x269: {  	v12 =	vld [tilespmem:s4+$0x15C00];
	v4 =	vmax.f32 v6, v7  }
0x26a: {  	v7 =	vld [tilespmem:s4+$0x16000]  }
0x26b: {  	v13 =	vld [tilespmem:s4+$0x16400];
	v5 =	vmax.f32 v8, v9  }
0x26c: {  	v8 =	vld [tilespmem:s4+$0x16800]  }
0x26d: {  	v9 =	vld [tilespmem:s4+$0x16C00];
	v6 =	vmax.f32 v10, v11  }
0x26e: {  	v10 =	vld [tilespmem:s4+$0x17000];
	[tilespmem:s5+$0x0] =	vst v1  }
0x26f: {  	[tilespmem:s4+$0x13800] =	vst v1;
	v7 =	vmax.f32 v12, v7  }
.Ltmp8:
0x270: {  	[tilespmem:s4+$0x13C00] =	vst v1;
	(pc) =	sbr.rel @p0 .LBB2_18-.Ltmp8, $4  }
0x271: {  	[tilespmem:s4+$0x14000] =	vst v1;
	v8 =	vmax.f32 v13, v8  }
0x272: {  	[tilespmem:s4+$0x14400] =	vst v1  }
0x273: {  	[tilespmem:s4+$0x14800] =	vst v1;
	v9 =	vmax.f32 v9, v10  }
0x274: {  	s6 =	sadd.s32 $0x10, s6;
	[tilespmem:s4+$0x14C00] =	vst v1  }
0x275: {  	[tilespmem:s4+$0x15000] =	vst v1  }
0x276: {  	[tilespmem:s4+$0x15400] =	vst v1  }
0x277: {  	[tilespmem:s4+$0x15800] =	vst v1  }
0x278: {  	[tilespmem:s4+$0x15C00] =	vst v1;
	s5 =	sadd.s32 $0x1, s20  }
0x279: {  	[tilespmem:s4+$0x16000] =	vst v1;
	s6 =	sshll.u32 s5, $0xA  }
0x27a: {  	[tilespmem:s4+$0x16400] =	vst v1;
	v2 =	vmax.f32 v2, v3;
	s5 =	sshll.u32 s5, $0x7;
	s6 =	sand.u32 $0x7FFFE000, s6  }
0x27b: {  	[tilespmem:s4+$0x16800] =	vst v1;
	v3 =	vmax.f32 v4, v5;
	v4 =	vmax.f32 v6, v7;
	v5 =	vmax.f32 v8, v9;
	s5 =	sand.u32 $0x380, s5;
	s6 =	sadd.s32 s16, s6  }
0x27c: {  	[tilespmem:s4+$0x16C00] =	vst v1;
	v2 =	vmax.f32 v2, v3;
	v3 =	vmax.f32 v4, v5;
	s5 =	sor.u32 s5, s6  }
0x27d: {  	[tilespmem:s4+$0x17000] =	vst v1;
	s3 =	sadd.s32 $0x10, s3;
	v2 =	vmax.f32 v2, v3;
	s6 =	sshrl.u32 s5, $0x3  }
0x27e: {  	s13 =	simm.s32 $0x1B800;
	s14 =	simm.s32 $0x7;
	[tilespmem:s3+$0x0] =	vst v2;
	s12 =	sadd.s32 s9, s6  }
0x27f: {  	[hbm4b:s12+s7] =	stream.strided.scatter [tilespmem:s13], [sflag:$0x8], $0x400, s10, s7, $0x38;
	[tilespmem:$0x1BC00] =	vst v63  }
0x280: {  	_ =	swait.ge [sflag:s14], $0x400  }
0x281: {  	[sflag:s14] =	ssyncset.done $0x0  }
0x282: {  	s15 =	simm.s32 $0x0;
	s17 =	simm.s32 $0x17400;
	[sflag:s14] =	ssyncadd.s32 $0xFFFFFC00  }
0x283: {  	s18 =	sand.u32 $0x3F0, s15;
	v2 =	vld [tilespmem:s17+$0x0]  }
0x284: {  	v3 =	vld [tilespmem:s18+$0x17800]  }
0x285: {  	v4 =	vld [tilespmem:s18+$0x17C00]  }
0x286: {  	v5 =	vld [tilespmem:s18+$0x18000]  }
0x287: {  	v6 =	vld [tilespmem:s18+$0x18400]  }
0x288: {  	v7 =	vld [tilespmem:s18+$0x18800]  }
0x289: {  	v8 =	vld [tilespmem:s18+$0x18C00]  }
0x28a: {  	v9 =	vld [tilespmem:s18+$0x19000]  }
0x28b: {  	v10 =	vld [tilespmem:s18+$0x19400]  }
0x28c: {  	v11 =	vld [tilespmem:s18+$0x19800]  }
0x28d: {  	v12 =	vld [tilespmem:s18+$0x19C00]  }
0x28e: {  	v13 =	vld [tilespmem:s18+$0x1A000]  }
0x28f: {  	v14 =	vld [tilespmem:s18+$0x1A400]  }
0x290: {  	v15 =	vld [tilespmem:s18+$0x1A800]  }
0x291: {  	v16 =	vld [tilespmem:s18+$0x1AC00]  }
0x292: {  	v17 =	vld [tilespmem:s18+$0x1B000];
	[tilespmem:s17+$0x0] =	vst v1  }
0x293: {  	[tilespmem:s18+$0x17800] =	vst v1  }
0x294: {  	[tilespmem:s18+$0x17C00] =	vst v1  }
0x295: {  	[tilespmem:s18+$0x18000] =	vst v1  }
0x296: {  	[tilespmem:s18+$0x18400] =	vst v1  }
0x297: {  	[tilespmem:s18+$0x18800] =	vst v1  }
0x298: {  	[tilespmem:s18+$0x18C00] =	vst v1  }
0x299: {  	[tilespmem:s18+$0x19000] =	vst v1  }
0x29a: {  	[tilespmem:s18+$0x19400] =	vst v1  }
0x29b: {  	[tilespmem:s18+$0x19800] =	vst v1  }
0x29c: {  	[tilespmem:s18+$0x19C00] =	vst v1;
	v2 =	vmax.f32 v2, v3;
	v3 =	vmax.f32 v4, v5;
	v4 =	vmax.f32 v6, v7  }
0x29d: {  	[tilespmem:s18+$0x1A000] =	vst v1;
	v5 =	vmax.f32 v8, v9;
	v6 =	vmax.f32 v10, v11;
	v7 =	vmax.f32 v12, v13  }
0x29e: {  	[tilespmem:s18+$0x1A400] =	vst v1;
	v8 =	vmax.f32 v14, v15;
	v9 =	vmax.f32 v16, v17;
	v2 =	vmax.f32 v2, v3  }
0x29f: {  	[tilespmem:s18+$0x1A800] =	vst v1;
	v3 =	vmax.f32 v4, v5;
	v4 =	vmax.f32 v6, v7;
	v5 =	vmax.f32 v8, v9  }
0x2a0: {  	[tilespmem:s18+$0x1AC00] =	vst v1;
	v2 =	vmax.f32 v2, v3;
	v3 =	vmax.f32 v4, v5  }
0x2a1: {  	s3 =	simm.s32 $0x1B400;
	[tilespmem:s18+$0x1B000] =	vst v1;
	v2 =	vmax.f32 v2, v3  }
0x2a2: {  	s23 =	simm.s32 $0x10;
	s5 =	simm.s32 $0x17410;
	[tilespmem:s3+$0x0] =	vst v2  }
0x2a3: {  	s4 =	sand.u32 $0x3F0, s23;
	v2 =	vld [tilespmem:s5+$0x0]  }
0x2a4: {  	v3 =	vld [tilespmem:s4+$0x17800]  }
0x2a5: {  	v4 =	vld [tilespmem:s4+$0x17C00]  }
0x2a6: {  	v5 =	vld [tilespmem:s4+$0x18000]  }
0x2a7: {  	v6 =	vld [tilespmem:s4+$0x18400]  }
0x2a8: {  	v7 =	vld [tilespmem:s4+$0x18800]  }
0x2a9: {  	v8 =	vld [tilespmem:s4+$0x18C00]  }
0x2aa: {  	v9 =	vld [tilespmem:s4+$0x19000]  }
0x2ab: {  	v10 =	vld [tilespmem:s4+$0x19400]  }
0x2ac: {  	v11 =	vld [tilespmem:s4+$0x19800]  }
0x2ad: {  	v58 =	vld [tilespmem:s4+$0x19C00]  }
0x2ae: {  	v59 =	vld [tilespmem:s4+$0x1A000]  }
0x2af: {  	v60 =	vld [tilespmem:s4+$0x1A400]  }
0x2b0: {  	v61 =	vld [tilespmem:s4+$0x1A800]  }
0x2b1: {  	v62 =	vld [tilespmem:s4+$0x1AC00]  }
0x2b2: {  	v63 =	vld [tilespmem:s4+$0x1B000];
	[tilespmem:s5+$0x0] =	vst v1  }
0x2b3: {  	[tilespmem:s4+$0x17800] =	vst v1  }
0x2b4: {  	[tilespmem:s4+$0x17C00] =	vst v1  }
0x2b5: {  	[tilespmem:s4+$0x18000] =	vst v1  }
0x2b6: {  	[tilespmem:s4+$0x18400] =	vst v1;
	v2 =	vmax.f32 v2, v3;
	v3 =	vmax.f32 v4, v5  }
0x2b7: {  	[tilespmem:s4+$0x18800] =	vst v1;
	v4 =	vmax.f32 v6, v7;
	v5 =	vmax.f32 v8, v9;
	v6 =	vmax.f32 v10, v11  }
0x2b8: {  	s6 =	simm.s32 $0x20;
	[tilespmem:s4+$0x18C00] =	vst v1;
	v7 =	vmax.f32 v58, v59;
	v8 =	vmax.f32 v60, v61;
	v9 =	vmax.f32 v62, v63  }
.LBB2_20:
0x2b9: {  	p0 =	sne.s32 s6, $0x3F0;
	[tilespmem:s4+$0x19000] =	vst v1  }
0x2ba: {  	[tilespmem:s4+$0x19400] =	vst v1  }
0x2bb: {  	[tilespmem:s4+$0x19800] =	vst v1  }
0x2bc: {  	[tilespmem:s4+$0x19C00] =	vst v1  }
0x2bd: {  	[tilespmem:s4+$0x1A000] =	vst v1  }
0x2be: {  	v2 =	vmax.f32 v2, v3;
	[tilespmem:s4+$0x1A400] =	vst v1  }
0x2bf: {  	v3 =	vmax.f32 v4, v5;
	v4 =	vmax.f32 v6, v7;
	v5 =	vmax.f32 v8, v9;
	[tilespmem:s4+$0x1A800] =	vst v1  }
0x2c0: {  	v2 =	vmax.f32 v2, v3;
	v3 =	vmax.f32 v4, v5;
	[tilespmem:s4+$0x1AC00] =	vst v1  }
0x2c1: {  	s3 =	sadd.s32 $0x10, s3;
	v2 =	vmax.f32 v2, v3;
	[tilespmem:s4+$0x1B000] =	vst v1  }
0x2c2: {  	s5 =	sadd.s32 $0x10, s5;
	[tilespmem:s3+$0x0] =	vst v2  }
0x2c3: {  	s4 =	sand.u32 $0x3F0, s6;
	v2 =	vld [tilespmem:s5+$0x0]  }
0x2c4: {  	v3 =	vld [tilespmem:s4+$0x17800]  }
0x2c5: {  	v4 =	vld [tilespmem:s4+$0x17C00]  }
0x2c6: {  	v5 =	vld [tilespmem:s4+$0x18000]  }
0x2c7: {  	v6 =	vld [tilespmem:s4+$0x18400]  }
0x2c8: {  	v7 =	vld [tilespmem:s4+$0x18800]  }
0x2c9: {  	v8 =	vld [tilespmem:s4+$0x18C00];
	v2 =	vmax.f32 v2, v3  }
0x2ca: {  	v9 =	vld [tilespmem:s4+$0x19000]  }
0x2cb: {  	v10 =	vld [tilespmem:s4+$0x19400];
	v3 =	vmax.f32 v4, v5  }
0x2cc: {  	v11 =	vld [tilespmem:s4+$0x19800]  }
0x2cd: {  	v12 =	vld [tilespmem:s4+$0x19C00];
	v4 =	vmax.f32 v6, v7  }
0x2ce: {  	v7 =	vld [tilespmem:s4+$0x1A000]  }
0x2cf: {  	v13 =	vld [tilespmem:s4+$0x1A400];
	v5 =	vmax.f32 v8, v9  }
0x2d0: {  	v8 =	vld [tilespmem:s4+$0x1A800]  }
0x2d1: {  	v9 =	vld [tilespmem:s4+$0x1AC00];
	v6 =	vmax.f32 v10, v11  }
0x2d2: {  	v10 =	vld [tilespmem:s4+$0x1B000];
	[tilespmem:s5+$0x0] =	vst v1  }
0x2d3: {  	[tilespmem:s4+$0x17800] =	vst v1;
	v7 =	vmax.f32 v12, v7  }
.Ltmp9:
0x2d4: {  	[tilespmem:s4+$0x17C00] =	vst v1;
	(pc) =	sbr.rel @p0 .LBB2_20-.Ltmp9, $4  }
0x2d5: {  	[tilespmem:s4+$0x18000] =	vst v1;
	v8 =	vmax.f32 v13, v8  }
0x2d6: {  	[tilespmem:s4+$0x18400] =	vst v1  }
0x2d7: {  	[tilespmem:s4+$0x18800] =	vst v1;
	v9 =	vmax.f32 v9, v10  }
0x2d8: {  	s6 =	sadd.s32 $0x10, s6;
	[tilespmem:s4+$0x18C00] =	vst v1  }
0x2d9: {  	[tilespmem:s4+$0x19000] =	vst v1  }
0x2da: {  	[tilespmem:s4+$0x19400] =	vst v1  }
0x2db: {  	[tilespmem:s4+$0x19800] =	vst v1  }
0x2dc: {  	[tilespmem:s4+$0x19C00] =	vst v1;
	s5 =	sadd.s32 $0x2, s20  }
0x2dd: {  	[tilespmem:s4+$0x1A000] =	vst v1;
	s8 =	sadd.s32 $0x1, s8;
	s6 =	sshll.u32 s5, $0xA  }
0x2de: {  	[tilespmem:s4+$0x1A400] =	vst v1;
	v2 =	vmax.f32 v2, v3;
	s5 =	sshll.u32 s5, $0x7;
	p0 =	sne.s32 s8, $0x8;
	s6 =	sand.u32 $0x7FFFE000, s6  }
.Ltmp10:
0x2df: {  	[tilespmem:s4+$0x1A800] =	vst v1;
	v3 =	vmax.f32 v4, v5;
	v62 =	vmax.f32 v6, v7;
	v63 =	vmax.f32 v8, v9;
	s5 =	sand.u32 $0x380, s5;
	s6 =	sadd.s32 s16, s6;
	(pc) =	sbr.rel @p0 .LBB2_6-.Ltmp10, $4  }
0x2e0: {  	[tilespmem:s4+$0x1AC00] =	vst v1;
	v2 =	vmax.f32 v2, v3;
	v3 =	vmax.f32 v62, v63;
	s5 =	sor.u32 s5, s6  }
0x2e1: {  	[tilespmem:s4+$0x1B000] =	vst v1;
	s3 =	sadd.s32 $0x10, s3;
	v2 =	vmax.f32 v2, v3;
	s20 =	sshrl.u32 s5, $0x3  }
0x2e2: {  	[tilespmem:s3+$0x0] =	vst v2;
	s23 =	sadd.s32 s9, s20  }
0x2e3: {  	[hbm4b:s23+s7] =	stream.strided.scatter [tilespmem:s11], [sflag:$0x7], $0x400, s10, s7, $0x38;
	[tilespmem:$0x1BC00] =	vst v63  }
0x2e4: {  	s3 =	simm.s32 $0x7  }
0x2e5: {  	_ =	swait.ge [sflag:s3], $0x400  }
0x2e6: {  	[sflag:s3] =	ssyncset.done $0x0  }
0x2e7: {  	s4 =	simm.s32 $0x8;
	[sflag:s3] =	ssyncadd.s32 $0xFFFFFC00  }
0x2e8: {  	_ =	swait.ge [sflag:s4], $0x400  }
0x2e9: {  	s5 =	rddreg [dreg:$0x10]  }
0x2ea: {  	s23 =	rddreg [dreg:$0xf];
	s5 =	sadd.s32 $0x1, s5  }
0x2eb: {  	p0 =	sne.s32 s5, s23  }
.Ltmp11:
0x2ec: {  	_ = 	snop;
	(pc) =	sbr.rel @p0 .LBB2_1-.Ltmp11, $3  }
0x2ed: {  	_ =	sdelay $0x1  }
0x2ee: {  	[sflag:s4] =	ssyncset.done $0x0  }
0x2ef: {  	[sflag:s4] =	ssyncadd.s32 $0xFFFFFC00  }
0x2f0: {  	_ =	sfence.sel $0x180000  }
0x2f1: {  	[bflag:$0x0] =	sbarrier.arrive $0xFFFF  }
0x2f2: {  	_ =	strace $0x90000047  }
0x2f3: {  	s0 =	stileid.u32;
	[bflag:$0x2] =	sbarrier.arrive $0xFFFF  }
0x2f4: {  	p0 =	sne.s32 s0, $0x0;
	s0 =	rddreg [dreg:$0x3]  }
0x2f5: {  	s0 =	sadd.s32 @!p0 $0x100000, s0  }
0x2f6: {  	[sflag:s0] =	ssyncadd.tile.s32 @!p0 $0x1;
	_ =	shalt  }
.Lfunc_end2:
_tile_overlayer_lowered:
.L_overlay_start_2:
0x2f7: {  	(tag) =	ssettag $0x2  }
0x2f8: {  	s0 =	rddreg [dreg:$0x0];
	s2 =	stileid.u32  }
0x2f9: {  	s1 =	rddreg [dreg:$0x1];
	p0 =	sne.s32 s2, $0x0  }
0x2fa: {  	s3 =	rddreg [dreg:$0x2];
	[bflag:$0x3] =	sbarrier.arrive $0xFFFF;
	s2 =	simm.s32 @!p0 $0x1C09  }
0x2fb: {  	[timem:s3], [sflag:s2] =	dma.local @!p0 [hbm:s0], s1  }
0x2fc: {  	s0 =	simm.s32 @!p0 $0x9  }
0x2fd: {  	_ =	swait.ge @!p0 [sflag:s0], s1  }
0x2fe: {  	s1 =	ssub.s32 @!p0 $0x0, s1;
	[sflag:s0] =	ssyncset.done @!p0 $0x0  }
0x2ff: {  	[sflag:s0] =	ssyncadd.s32 @!p0 s1  }
0x300: {  	[bflag:$0x3] =	sbarrier.arrive $0xFFFF  }
0x301: {  	_ =	shalt  }

</sc_bundles>
